<compile_context>
chip_gen: v7x
topology: tpu7x:2x2x1
jax: 0.10.2.dev20260603
libtpu: 0.0.44.dev20260713+nightly
codegen_flags: <defaults>
</compile_context>

<pallas_src>
import functools

import jax
import jax.numpy as jnp
import numpy as np
from jax import lax
from jax.experimental import pallas as pl
from jax.experimental.pallas import tpu as pltpu
from jax.experimental.pallas import tpu_sc as plsc



def _build_sc_embed_sum(B, L, D, V):
    info = plsc.get_sparse_core_info()
    NC, NS, LANES = info.num_cores, info.num_subcores, info.num_lanes
    NW = NC * NS
    b_per_w = B // NW
    R = 128
    n_chunks = b_per_w // R
    n_vregs = D // LANES
    L_A = 112
    L_B = L - L_A

    mesh = plsc.VectorSubcoreMesh(core_axis_name="c", subcore_axis_name="s")

    @functools.partial(
        pl.kernel,
        mesh=mesh,
        compiler_params=pltpu.CompilerParams(
            use_tc_tiling_on_sc=False, needs_layout_passes=False),
        out_type=jax.ShapeDtypeStruct((B, D), jnp.float32),
        scratch_types=[
            pltpu.VMEM((R, L), jnp.int32),
            pltpu.VMEM((4, L, D), jnp.bfloat16),
            pltpu.VMEM((R, D), jnp.float32),
            pltpu.VMEM_SHARED((V, D), jnp.bfloat16),
            pltpu.SemaphoreType.DMA,
            pltpu.SemaphoreType.DMA,
            pltpu.SemaphoreType.DMA,
            pltpu.SemaphoreType.DMA,
            pltpu.SemaphoreType.DMA,
            pltpu.SemaphoreType.DMA,
            pltpu.SemaphoreType.DMA,
            pltpu.SemaphoreType.DMA,
        ],
    )
    def sc_embed_sum(x_hbm, table_hbm, out_hbm, idxc, rows, outc, tbl,
                     sem0, sem1, sem2, sem3, sem4, sem5, sem6, sem7):
        wid = lax.axis_index("s") * NC + lax.axis_index("c")
        base = wid * b_per_w
        zero = jnp.zeros((LANES,), jnp.float32)
        sems = ((sem0, sem4), (sem1, sem5), (sem2, sem6), (sem3, sem7))

        @pl.when(lax.axis_index("s") == 0)
        def _():
            pltpu.sync_copy(table_hbm, tbl)
        plsc.subcore_barrier()

        def issue(r, buf, sem):
            pltpu.async_copy(
                tbl.at[idxc.at[r, pl.ds(0, L_A)]],
                rows.at[buf, pl.ds(0, L_A)], sem[0])
            pltpu.async_copy(
                table_hbm.at[idxc.at[r, pl.ds(L_A, L_B)]],
                rows.at[buf, pl.ds(L_A, L_B)], sem[1])

        def wait(buf, sem):
            pltpu.make_async_copy(
                table_hbm.at[pl.ds(0, L_A)],
                rows.at[buf, pl.ds(0, L_A)], sem[0]).wait()
            pltpu.make_async_copy(
                table_hbm.at[pl.ds(0, L_B)],
                rows.at[buf, pl.ds(L_A, L_B)], sem[1]).wait()

        def reduce_into(r, buf):
            def red(j10, accs):
                accs = list(accs)
                for u in range(10):
                    j = j10 * 20 + u * 2
                    for k2 in range(n_vregs // 2):
                        h0 = rows[buf, j, pl.ds(k2 * 2 * LANES, 2 * LANES)]
                        h1 = rows[buf, j + 1, pl.ds(k2 * 2 * LANES, 2 * LANES)]
                        a, b = plsc.unpack(h0 + h1,
                                           format=plsc.PackFormat.INTERLEAVED)
                        accs[2 * k2] = accs[2 * k2] + a
                        accs[2 * k2 + 1] = accs[2 * k2 + 1] + b
                return tuple(accs)

            accs = lax.fori_loop(0, L // 20, red, (zero,) * n_vregs)
            for k in range(n_vregs):
                outc[r, pl.ds(k * LANES, LANES)] = accs[k]

        def chunk_body(c, carry):
            row0 = base + c * R
            pltpu.sync_copy(x_hbm.at[pl.ds(row0, R)], idxc)
            for u in range(4):
                issue(u, u, sems[u])

            def quad_body(r4, carry2):
                r0 = 4 * r4
                for u in range(4):
                    r = r0 + u
                    wait(u, sems[u])
                    reduce_into(r, u)

                    @pl.when(r + 4 < R)
                    def _():
                        issue(r + 4, u, sems[u])
                return carry2

            lax.fori_loop(0, R // 4, quad_body, 0)
            pltpu.sync_copy(outc, out_hbm.at[pl.ds(row0, R)])
            return carry

        lax.fori_loop(0, n_chunks, chunk_body, 0)

    return sc_embed_sum



def _mlp_block(e_ref, w1_ref, b1_ref, w2t_ref, b2_ref, o_ref, *, inv_l):
    e = e_ref[...] * inv_l
    h = jnp.dot(e, w1_ref[...], preferred_element_type=jnp.float32) + b1_ref[...]
    h = jnp.maximum(h, 0.0)
    o_ref[...] = jnp.sum(h * w2t_ref[...], axis=1, keepdims=True) + b2_ref[...]


def _tc_mlp(esum, W1, b1, W2, b2, L):
    B, D = esum.shape
    H = W1.shape[1]
    BLK = 2048
    return pl.pallas_call(
        functools.partial(_mlp_block, inv_l=1.0 / L),
        grid=(B // BLK,),
        in_specs=[
            pl.BlockSpec((BLK, D), lambda i: (i, 0)),
            pl.BlockSpec((D, H), lambda i: (0, 0)),
            pl.BlockSpec((1, H), lambda i: (0, 0)),
            pl.BlockSpec((1, H), lambda i: (0, 0)),
            pl.BlockSpec((1, 1), lambda i: (0, 0)),
        ],
        out_specs=pl.BlockSpec((BLK, 1), lambda i: (i, 0)),
        out_shape=jax.ShapeDtypeStruct((B, 1), jnp.float32),
    )(esum, W1, b1.reshape(1, H), W2.reshape(1, H), b2.reshape(1, 1))


def kernel(x, table, W1, b1, W2, b2):
    B, L = x.shape
    D = table.shape[1]
    esum = _build_sc_embed_sum(B, L, D, table.shape[0])(
        x, table.astype(jnp.bfloat16))
    perm = np.concatenate(
        [np.concatenate([np.arange(g, g + 32, 2), np.arange(g + 1, g + 32, 2)])
         for g in range(0, D, 32)])
    out = _tc_mlp(esum, W1[perm, :], b1, W2, b2, L)
    return out[:, 0]

# --- scband reference (transcript-rebuilt; emitter-appended) ---
"""Pipeline reference for scband-feedforward-nn-85083302133938 (READ-ONLY COPY).

The authoritative reference and input builder live on the scoring server;
editing this copy changes nothing except your own understanding.
"""

import jax, jax.numpy as jnp
import numpy as np

VOCAB_SZ = 10000
EMB_DIM = 64
HID_DIM = 128
BATCH = 16384
HIST = 200


def setup_inputs(seed: int = 0) -> dict:
    key = jax.random.key(seed)
    k1, k2, k3, k4, k5 = jax.random.split(key, 5)
    x = jax.random.randint(k1, (BATCH, HIST), 0, VOCAB_SZ, dtype=jnp.int32)
    table = jax.random.normal(k2, (VOCAB_SZ, EMB_DIM), dtype=jnp.float32)
    table = table.at[0].set(0.0)  # padding_idx=0 row is zero
    W1 = jax.random.normal(k3, (EMB_DIM, HID_DIM), dtype=jnp.float32) * (1.0 / np.sqrt(EMB_DIM))
    b1 = jnp.zeros((HID_DIM,), dtype=jnp.float32)
    W2 = jax.random.normal(k4, (HID_DIM, 1), dtype=jnp.float32) * (1.0 / np.sqrt(HID_DIM))
    b2 = jnp.zeros((1,), dtype=jnp.float32)
    return {"x": x, "table": table, "W1": W1, "b1": b1, "W2": W2, "b2": b2}


def reference(x, table, W1, b1, W2, b2):
    # nn.Embedding(VOCAB_SZ, EMB_DIM, padding_idx=0): gather, with row 0 == 0
    # (where ensures zero output AND zero gradient for padded positions)
    emb = jnp.where((x == 0)[..., None], 0.0, jnp.take(table, x, axis=0))  # [B, L, D]
    e = emb.mean(axis=1)  # [B, D]
    # fc: Linear -> ReLU -> Dropout(eval: identity) -> Linear
    h = jax.nn.relu(e @ W1 + b1)
    out = h @ W2 + b2  # [B, 1]
    return jnp.squeeze(out, axis=-1)  # [B]

if __name__ == "__main__":
    import jax
    _d = setup_inputs()
    print(jax.jit(kernel)(*tuple(_d.values())))

</pallas_src>

<mosaic_0001>
#map = affine_map<(d0, d1) -> (0, 0)>
module attributes {stable_mosaic.version = 14 : i64} {
  func.func @sc_embed_sum(%arg0: i32, %arg1: i32, %arg2: memref<16384x200xi32, #tpu.memory_space<hbm>>, %arg3: memref<10000x64xbf16, #tpu.memory_space<hbm>>, %arg4: memref<16384x64xf32, #tpu.memory_space<hbm>>, %arg5: memref<128x200xi32, #tpu.memory_space<vmem>>, %arg6: memref<4x200x64xbf16, #tpu.memory_space<vmem>>, %arg7: memref<128x64xf32, #tpu.memory_space<vmem>>, %arg8: memref<10000x64xbf16, #tpu.memory_space<vmem_shared>>, %arg9: memref<!tpu.dma_semaphore, #tpu.memory_space<semaphore_mem>>, %arg10: memref<!tpu.dma_semaphore, #tpu.memory_space<semaphore_mem>>, %arg11: memref<!tpu.dma_semaphore, #tpu.memory_space<semaphore_mem>>, %arg12: memref<!tpu.dma_semaphore, #tpu.memory_space<semaphore_mem>>, %arg13: memref<!tpu.dma_semaphore, #tpu.memory_space<semaphore_mem>>, %arg14: memref<!tpu.dma_semaphore, #tpu.memory_space<semaphore_mem>>, %arg15: memref<!tpu.dma_semaphore, #tpu.memory_space<semaphore_mem>>, %arg16: memref<!tpu.dma_semaphore, #tpu.memory_space<semaphore_mem>>) attributes {dimension_semantics = [#tpu.dimension_semantics<core_parallel>, #tpu.dimension_semantics<subcore_parallel>], iteration_bounds = array<i64: 2, 16>, scalar_prefetch = 0 : i64, scratch_operands = 12 : i64, tpu.core_type = #tpu.core_type<sc_vector_subcore>, window_params = [{transform_indices = #map}, {transform_indices = #map}, {transform_indices = #map}]} {
    %mul3A = arith.constant 2 : i32
    %mul3A_0 = arith.muli %arg1, %mul3A : i32
    %add3A = arith.addi %mul3A_0, %arg0 : i32
    %mul3A_1 = arith.constant 512 : i32
    %mul3A_2 = arith.muli %add3A, %mul3A_1 : i32
    %broadcast_in_dim3A = arith.constant 0.000000e+00 : f32
    %broadcast_in_dim3A_3 = vector.broadcast %broadcast_in_dim3A : f32 to vector<16xf32>
    %eq3A = arith.constant 0 : i32
    %eq3A_4 = arith.cmpi eq, %arg1, %eq3A : i32
    %convert_element_type3A = arith.extui %eq3A_4 : i1 to i32
    %cond3A = arith.constant 0 : i32
    %cond3A_5 = arith.cmpi ne, %convert_element_type3A, %cond3A : i32
    scf.if %cond3A_5 {
      "tpu.region"() ({
        %run_scoped3A = tpu.sem_alloc : memref<!tpu.dma_semaphore, #tpu.memory_space<semaphore_mem>>
        tpu.enqueue_dma source(%arg3 : memref<10000x64xbf16, #tpu.memory_space<hbm>>) target(%arg8 : memref<10000x64xbf16, #tpu.memory_space<vmem_shared>>) target_semaphore(%run_scoped3A : memref<!tpu.dma_semaphore, #tpu.memory_space<semaphore_mem>>)
        tpu.wait_dma2 semaphore(%run_scoped3A : memref<!tpu.dma_semaphore, #tpu.memory_space<semaphore_mem>>) src(%arg3 : memref<10000x64xbf16, #tpu.memory_space<hbm>>) dst(%arg8 : memref<10000x64xbf16, #tpu.memory_space<vmem_shared>>)
        tpu.yield
      }) : () -> ()
    } else {
    }
    %barrier3A = arith.constant 0 : index
    tpu.barrier barrier_id(%barrier3A)
    %scan3A = arith.constant 0 : i32
    %scan3A_6 = arith.constant 0 : i32
    %scan3A_7 = arith.constant 4 : i32
    %scan3A_8 = arith.addi %scan3A_6, %scan3A_7 : i32
    %scan3A_9 = arith.constant 1 : i32
    scf.for %scan3A_11 = %scan3A_6 to %scan3A_8 step %scan3A_9  : i32 {
      %mul3A_12 = arith.constant 128 : i32
      %mul3A_13 = arith.muli %scan3A_11, %mul3A_12 : i32
      %add3A_14 = arith.addi %mul3A_2, %mul3A_13 : i32
      "tpu.region"() ({
        %run_scoped3A = tpu.sem_alloc : memref<!tpu.dma_semaphore, #tpu.memory_space<semaphore_mem>>
        %dma_start3A_116 = arith.constant 0 : i32
        %dma_start3A_117 = tpu.memref_slice %arg2[%add3A_14, %dma_start3A_116] : memref<16384x200xi32, #tpu.memory_space<hbm>> -> memref<128x200xi32, #tpu.memory_space<hbm>>
        %dma_start3A_118 = arith.constant 0 : i32
        %dma_start3A_119 = tpu.memref_slice %arg2[%add3A_14, %dma_start3A_118] : memref<16384x200xi32, #tpu.memory_space<hbm>> -> memref<128x200xi32, #tpu.memory_space<hbm>>
        tpu.enqueue_dma source(%dma_start3A_119 : memref<128x200xi32, #tpu.memory_space<hbm>>) target(%arg5 : memref<128x200xi32, #tpu.memory_space<vmem>>) target_semaphore(%run_scoped3A : memref<!tpu.dma_semaphore, #tpu.memory_space<semaphore_mem>>)
        %dma_wait3A = arith.constant 0 : i32
        %dma_wait3A_120 = tpu.memref_slice %arg2[%add3A_14, %dma_wait3A] : memref<16384x200xi32, #tpu.memory_space<hbm>> -> memref<128x200xi32, #tpu.memory_space<hbm>>
        %dma_wait3A_121 = arith.constant 0 : i32
        %dma_wait3A_122 = tpu.memref_slice %arg2[%add3A_14, %dma_wait3A_121] : memref<16384x200xi32, #tpu.memory_space<hbm>> -> memref<128x200xi32, #tpu.memory_space<hbm>>
        tpu.wait_dma2 semaphore(%run_scoped3A : memref<!tpu.dma_semaphore, #tpu.memory_space<semaphore_mem>>) src(%dma_wait3A_122 : memref<128x200xi32, #tpu.memory_space<hbm>>) dst(%arg5 : memref<128x200xi32, #tpu.memory_space<vmem>>)
        tpu.yield
      }) : () -> ()
      %dma_start3A = arith.constant 0 : i32
      %dma_start3A_15 = arith.constant 0 : i32
      %dma_start3A_16 = arith.constant 0 : i32
      %dma_start3A_17 = arith.constant 0 : i32
      %dma_start3A_18 = tpu.memref_slice %arg6[%dma_start3A_15, %dma_start3A_16, %dma_start3A_17] : memref<4x200x64xbf16, #tpu.memory_space<vmem>> -> memref<1x112x64xbf16, #tpu.memory_space<vmem>>
      %dma_start3A_19 = tpu.memref_squeeze %dma_start3A_18 : memref<1x112x64xbf16, #tpu.memory_space<vmem>> -> memref<112x64xbf16, #tpu.memory_space<vmem>>
      %dma_start3A_20 = arith.constant 0 : i32
      %dma_start3A_21 = tpu.memref_slice %arg5[%dma_start3A, %dma_start3A_20] : memref<128x200xi32, #tpu.memory_space<vmem>> -> memref<1x112xi32, #tpu.memory_space<vmem>>
      %dma_start3A_22 = tpu.memref_squeeze %dma_start3A_21 : memref<1x112xi32, #tpu.memory_space<vmem>> -> memref<112xi32, #tpu.memory_space<vmem>>
      %dma_start3A_23 = arith.constant 0 : i32
      %dma_start3A_24 = arith.constant 0 : i32
      %dma_start3A_25 = tpu.memref_slice %arg8[%dma_start3A_23, %dma_start3A_24] : memref<10000x64xbf16, #tpu.memory_space<vmem_shared>> -> memref<10000x64xbf16, #tpu.memory_space<vmem_shared>>
      tpu.enqueue_indirect_dma source(%dma_start3A_25 : memref<10000x64xbf16, #tpu.memory_space<vmem_shared>>) target(%dma_start3A_19 : memref<112x64xbf16, #tpu.memory_space<vmem>>) offsets(%dma_start3A_22 : memref<112xi32, #tpu.memory_space<vmem>>) semaphore(%arg9 : memref<!tpu.dma_semaphore, #tpu.memory_space<semaphore_mem>>)
      %dma_start3A_26 = arith.constant 0 : i32
      %dma_start3A_27 = arith.constant 0 : i32
      %dma_start3A_28 = arith.constant 112 : i32
      %dma_start3A_29 = arith.constant 0 : i32
      %dma_start3A_30 = tpu.memref_slice %arg6[%dma_start3A_27, %dma_start3A_28, %dma_start3A_29] : memref<4x200x64xbf16, #tpu.memory_space<vmem>> -> memref<1x88x64xbf16, #tpu.memory_space<vmem>>
      %dma_start3A_31 = tpu.memref_squeeze %dma_start3A_30 : memref<1x88x64xbf16, #tpu.memory_space<vmem>> -> memref<88x64xbf16, #tpu.memory_space<vmem>>
      %dma_start3A_32 = arith.constant 112 : i32
      %dma_start3A_33 = tpu.memref_slice %arg5[%dma_start3A_26, %dma_start3A_32] : memref<128x200xi32, #tpu.memory_space<vmem>> -> memref<1x88xi32, #tpu.memory_space<vmem>>
      %dma_start3A_34 = tpu.memref_squeeze %dma_start3A_33 : memref<1x88xi32, #tpu.memory_space<vmem>> -> memref<88xi32, #tpu.memory_space<vmem>>
      %dma_start3A_35 = arith.constant 0 : i32
      %dma_start3A_36 = arith.constant 0 : i32
      %dma_start3A_37 = tpu.memref_slice %arg3[%dma_start3A_35, %dma_start3A_36] : memref<10000x64xbf16, #tpu.memory_space<hbm>> -> memref<10000x64xbf16, #tpu.memory_space<hbm>>
      tpu.enqueue_indirect_dma source(%dma_start3A_37 : memref<10000x64xbf16, #tpu.memory_space<hbm>>) target(%dma_start3A_31 : memref<88x64xbf16, #tpu.memory_space<vmem>>) offsets(%dma_start3A_34 : memref<88xi32, #tpu.memory_space<vmem>>) semaphore(%arg13 : memref<!tpu.dma_semaphore, #tpu.memory_space<semaphore_mem>>)
      %dma_start3A_38 = arith.constant 1 : i32
      %dma_start3A_39 = arith.constant 1 : i32
      %dma_start3A_40 = arith.constant 0 : i32
      %dma_start3A_41 = arith.constant 0 : i32
      %dma_start3A_42 = tpu.memref_slice %arg6[%dma_start3A_39, %dma_start3A_40, %dma_start3A_41] : memref<4x200x64xbf16, #tpu.memory_space<vmem>> -> memref<1x112x64xbf16, #tpu.memory_space<vmem>>
      %dma_start3A_43 = tpu.memref_squeeze %dma_start3A_42 : memref<1x112x64xbf16, #tpu.memory_space<vmem>> -> memref<112x64xbf16, #tpu.memory_space<vmem>>
      %dma_start3A_44 = arith.constant 0 : i32
      %dma_start3A_45 = tpu.memref_slice %arg5[%dma_start3A_38, %dma_start3A_44] : memref<128x200xi32, #tpu.memory_space<vmem>> -> memref<1x112xi32, #tpu.memory_space<vmem>>
      %dma_start3A_46 = tpu.memref_squeeze %dma_start3A_45 : memref<1x112xi32, #tpu.memory_space<vmem>> -> memref<112xi32, #tpu.memory_space<vmem>>
      %dma_start3A_47 = arith.constant 0 : i32
      %dma_start3A_48 = arith.constant 0 : i32
      %dma_start3A_49 = tpu.memref_slice %arg8[%dma_start3A_47, %dma_start3A_48] : memref<10000x64xbf16, #tpu.memory_space<vmem_shared>> -> memref<10000x64xbf16, #tpu.memory_space<vmem_shared>>
      tpu.enqueue_indirect_dma source(%dma_start3A_49 : memref<10000x64xbf16, #tpu.memory_space<vmem_shared>>) target(%dma_start3A_43 : memref<112x64xbf16, #tpu.memory_space<vmem>>) offsets(%dma_start3A_46 : memref<112xi32, #tpu.memory_space<vmem>>) semaphore(%arg10 : memref<!tpu.dma_semaphore, #tpu.memory_space<semaphore_mem>>)
      %dma_start3A_50 = arith.constant 1 : i32
      %dma_start3A_51 = arith.constant 1 : i32
      %dma_start3A_52 = arith.constant 112 : i32
      %dma_start3A_53 = arith.constant 0 : i32
      %dma_start3A_54 = tpu.memref_slice %arg6[%dma_start3A_51, %dma_start3A_52, %dma_start3A_53] : memref<4x200x64xbf16, #tpu.memory_space<vmem>> -> memref<1x88x64xbf16, #tpu.memory_space<vmem>>
      %dma_start3A_55 = tpu.memref_squeeze %dma_start3A_54 : memref<1x88x64xbf16, #tpu.memory_space<vmem>> -> memref<88x64xbf16, #tpu.memory_space<vmem>>
      %dma_start3A_56 = arith.constant 112 : i32
      %dma_start3A_57 = tpu.memref_slice %arg5[%dma_start3A_50, %dma_start3A_56] : memref<128x200xi32, #tpu.memory_space<vmem>> -> memref<1x88xi32, #tpu.memory_space<vmem>>
      %dma_start3A_58 = tpu.memref_squeeze %dma_start3A_57 : memref<1x88xi32, #tpu.memory_space<vmem>> -> memref<88xi32, #tpu.memory_space<vmem>>
      %dma_start3A_59 = arith.constant 0 : i32
      %dma_start3A_60 = arith.constant 0 : i32
      %dma_start3A_61 = tpu.memref_slice %arg3[%dma_start3A_59, %dma_start3A_60] : memref<10000x64xbf16, #tpu.memory_space<hbm>> -> memref<10000x64xbf16, #tpu.memory_space<hbm>>
      tpu.enqueue_indirect_dma source(%dma_start3A_61 : memref<10000x64xbf16, #tpu.memory_space<hbm>>) target(%dma_start3A_55 : memref<88x64xbf16, #tpu.memory_space<vmem>>) offsets(%dma_start3A_58 : memref<88xi32, #tpu.memory_space<vmem>>) semaphore(%arg14 : memref<!tpu.dma_semaphore, #tpu.memory_space<semaphore_mem>>)
      %dma_start3A_62 = arith.constant 2 : i32
      %dma_start3A_63 = arith.constant 2 : i32
      %dma_start3A_64 = arith.constant 0 : i32
      %dma_start3A_65 = arith.constant 0 : i32
      %dma_start3A_66 = tpu.memref_slice %arg6[%dma_start3A_63, %dma_start3A_64, %dma_start3A_65] : memref<4x200x64xbf16, #tpu.memory_space<vmem>> -> memref<1x112x64xbf16, #tpu.memory_space<vmem>>
      %dma_start3A_67 = tpu.memref_squeeze %dma_start3A_66 : memref<1x112x64xbf16, #tpu.memory_space<vmem>> -> memref<112x64xbf16, #tpu.memory_space<vmem>>
      %dma_start3A_68 = arith.constant 0 : i32
      %dma_start3A_69 = tpu.memref_slice %arg5[%dma_start3A_62, %dma_start3A_68] : memref<128x200xi32, #tpu.memory_space<vmem>> -> memref<1x112xi32, #tpu.memory_space<vmem>>
      %dma_start3A_70 = tpu.memref_squeeze %dma_start3A_69 : memref<1x112xi32, #tpu.memory_space<vmem>> -> memref<112xi32, #tpu.memory_space<vmem>>
      %dma_start3A_71 = arith.constant 0 : i32
      %dma_start3A_72 = arith.constant 0 : i32
      %dma_start3A_73 = tpu.memref_slice %arg8[%dma_start3A_71, %dma_start3A_72] : memref<10000x64xbf16, #tpu.memory_space<vmem_shared>> -> memref<10000x64xbf16, #tpu.memory_space<vmem_shared>>
      tpu.enqueue_indirect_dma source(%dma_start3A_73 : memref<10000x64xbf16, #tpu.memory_space<vmem_shared>>) target(%dma_start3A_67 : memref<112x64xbf16, #tpu.memory_space<vmem>>) offsets(%dma_start3A_70 : memref<112xi32, #tpu.memory_space<vmem>>) semaphore(%arg11 : memref<!tpu.dma_semaphore, #tpu.memory_space<semaphore_mem>>)
      %dma_start3A_74 = arith.constant 2 : i32
      %dma_start3A_75 = arith.constant 2 : i32
      %dma_start3A_76 = arith.constant 112 : i32
      %dma_start3A_77 = arith.constant 0 : i32
      %dma_start3A_78 = tpu.memref_slice %arg6[%dma_start3A_75, %dma_start3A_76, %dma_start3A_77] : memref<4x200x64xbf16, #tpu.memory_space<vmem>> -> memref<1x88x64xbf16, #tpu.memory_space<vmem>>
      %dma_start3A_79 = tpu.memref_squeeze %dma_start3A_78 : memref<1x88x64xbf16, #tpu.memory_space<vmem>> -> memref<88x64xbf16, #tpu.memory_space<vmem>>
      %dma_start3A_80 = arith.constant 112 : i32
      %dma_start3A_81 = tpu.memref_slice %arg5[%dma_start3A_74, %dma_start3A_80] : memref<128x200xi32, #tpu.memory_space<vmem>> -> memref<1x88xi32, #tpu.memory_space<vmem>>
      %dma_start3A_82 = tpu.memref_squeeze %dma_start3A_81 : memref<1x88xi32, #tpu.memory_space<vmem>> -> memref<88xi32, #tpu.memory_space<vmem>>
      %dma_start3A_83 = arith.constant 0 : i32
      %dma_start3A_84 = arith.constant 0 : i32
      %dma_start3A_85 = tpu.memref_slice %arg3[%dma_start3A_83, %dma_start3A_84] : memref<10000x64xbf16, #tpu.memory_space<hbm>> -> memref<10000x64xbf16, #tpu.memory_space<hbm>>
      tpu.enqueue_indirect_dma source(%dma_start3A_85 : memref<10000x64xbf16, #tpu.memory_space<hbm>>) target(%dma_start3A_79 : memref<88x64xbf16, #tpu.memory_space<vmem>>) offsets(%dma_start3A_82 : memref<88xi32, #tpu.memory_space<vmem>>) semaphore(%arg15 : memref<!tpu.dma_semaphore, #tpu.memory_space<semaphore_mem>>)
      %dma_start3A_86 = arith.constant 3 : i32
      %dma_start3A_87 = arith.constant 3 : i32
      %dma_start3A_88 = arith.constant 0 : i32
      %dma_start3A_89 = arith.constant 0 : i32
      %dma_start3A_90 = tpu.memref_slice %arg6[%dma_start3A_87, %dma_start3A_88, %dma_start3A_89] : memref<4x200x64xbf16, #tpu.memory_space<vmem>> -> memref<1x112x64xbf16, #tpu.memory_space<vmem>>
      %dma_start3A_91 = tpu.memref_squeeze %dma_start3A_90 : memref<1x112x64xbf16, #tpu.memory_space<vmem>> -> memref<112x64xbf16, #tpu.memory_space<vmem>>
      %dma_start3A_92 = arith.constant 0 : i32
      %dma_start3A_93 = tpu.memref_slice %arg5[%dma_start3A_86, %dma_start3A_92] : memref<128x200xi32, #tpu.memory_space<vmem>> -> memref<1x112xi32, #tpu.memory_space<vmem>>
      %dma_start3A_94 = tpu.memref_squeeze %dma_start3A_93 : memref<1x112xi32, #tpu.memory_space<vmem>> -> memref<112xi32, #tpu.memory_space<vmem>>
      %dma_start3A_95 = arith.constant 0 : i32
      %dma_start3A_96 = arith.constant 0 : i32
      %dma_start3A_97 = tpu.memref_slice %arg8[%dma_start3A_95, %dma_start3A_96] : memref<10000x64xbf16, #tpu.memory_space<vmem_shared>> -> memref<10000x64xbf16, #tpu.memory_space<vmem_shared>>
      tpu.enqueue_indirect_dma source(%dma_start3A_97 : memref<10000x64xbf16, #tpu.memory_space<vmem_shared>>) target(%dma_start3A_91 : memref<112x64xbf16, #tpu.memory_space<vmem>>) offsets(%dma_start3A_94 : memref<112xi32, #tpu.memory_space<vmem>>) semaphore(%arg12 : memref<!tpu.dma_semaphore, #tpu.memory_space<semaphore_mem>>)
      %dma_start3A_98 = arith.constant 3 : i32
      %dma_start3A_99 = arith.constant 3 : i32
      %dma_start3A_100 = arith.constant 112 : i32
      %dma_start3A_101 = arith.constant 0 : i32
      %dma_start3A_102 = tpu.memref_slice %arg6[%dma_start3A_99, %dma_start3A_100, %dma_start3A_101] : memref<4x200x64xbf16, #tpu.memory_space<vmem>> -> memref<1x88x64xbf16, #tpu.memory_space<vmem>>
      %dma_start3A_103 = tpu.memref_squeeze %dma_start3A_102 : memref<1x88x64xbf16, #tpu.memory_space<vmem>> -> memref<88x64xbf16, #tpu.memory_space<vmem>>
      %dma_start3A_104 = arith.constant 112 : i32
      %dma_start3A_105 = tpu.memref_slice %arg5[%dma_start3A_98, %dma_start3A_104] : memref<128x200xi32, #tpu.memory_space<vmem>> -> memref<1x88xi32, #tpu.memory_space<vmem>>
      %dma_start3A_106 = tpu.memref_squeeze %dma_start3A_105 : memref<1x88xi32, #tpu.memory_space<vmem>> -> memref<88xi32, #tpu.memory_space<vmem>>
      %dma_start3A_107 = arith.constant 0 : i32
      %dma_start3A_108 = arith.constant 0 : i32
      %dma_start3A_109 = tpu.memref_slice %arg3[%dma_start3A_107, %dma_start3A_108] : memref<10000x64xbf16, #tpu.memory_space<hbm>> -> memref<10000x64xbf16, #tpu.memory_space<hbm>>
      tpu.enqueue_indirect_dma source(%dma_start3A_109 : memref<10000x64xbf16, #tpu.memory_space<hbm>>) target(%dma_start3A_103 : memref<88x64xbf16, #tpu.memory_space<vmem>>) offsets(%dma_start3A_106 : memref<88xi32, #tpu.memory_space<vmem>>) semaphore(%arg16 : memref<!tpu.dma_semaphore, #tpu.memory_space<semaphore_mem>>)
      %scan3A_110 = arith.constant 0 : i32
      %scan3A_111 = arith.constant 0 : i32
      %scan3A_112 = arith.constant 32 : i32
      %scan3A_113 = arith.addi %scan3A_111, %scan3A_112 : i32
      %scan3A_114 = arith.constant 1 : i32
      scf.for %scan3A_116 = %scan3A_111 to %scan3A_113 step %scan3A_114  : i32 {
        %mul3A_117 = arith.constant 4 : i32
        %mul3A_118 = arith.muli %mul3A_117, %scan3A_116 : i32
        %add3A_119 = arith.constant 0 : i32
        %add3A_120 = arith.addi %mul3A_118, %add3A_119 : i32
        %dma_wait3A = arith.constant 0 : i32
        %dma_wait3A_121 = arith.constant 0 : i32
        %dma_wait3A_122 = arith.constant 0 : i32
        %dma_wait3A_123 = tpu.memref_slice %arg6[%dma_wait3A, %dma_wait3A_121, %dma_wait3A_122] : memref<4x200x64xbf16, #tpu.memory_space<vmem>> -> memref<1x112x64xbf16, #tpu.memory_space<vmem>>
        %dma_wait3A_124 = tpu.memref_squeeze %dma_wait3A_123 : memref<1x112x64xbf16, #tpu.memory_space<vmem>> -> memref<112x64xbf16, #tpu.memory_space<vmem>>
        %dma_wait3A_125 = arith.constant 0 : i32
        %dma_wait3A_126 = arith.constant 0 : i32
        %dma_wait3A_127 = tpu.memref_slice %arg3[%dma_wait3A_125, %dma_wait3A_126] : memref<10000x64xbf16, #tpu.memory_space<hbm>> -> memref<112x64xbf16, #tpu.memory_space<hbm>>
        %dma_wait3A_128 = arith.constant 0 : i32
        %dma_wait3A_129 = arith.constant 0 : i32
        %dma_wait3A_130 = tpu.memref_slice %arg6[%dma_wait3A, %dma_wait3A_128, %dma_wait3A_129] : memref<4x200x64xbf16, #tpu.memory_space<vmem>> -> memref<1x112x64xbf16, #tpu.memory_space<vmem>>
        %dma_wait3A_131 = tpu.memref_squeeze %dma_wait3A_130 : memref<1x112x64xbf16, #tpu.memory_space<vmem>> -> memref<112x64xbf16, #tpu.memory_space<vmem>>
        %dma_wait3A_132 = arith.constant 0 : i32
        %dma_wait3A_133 = arith.constant 0 : i32
        %dma_wait3A_134 = tpu.memref_slice %arg3[%dma_wait3A_132, %dma_wait3A_133] : memref<10000x64xbf16, #tpu.memory_space<hbm>> -> memref<112x64xbf16, #tpu.memory_space<hbm>>
        tpu.wait_dma2 semaphore(%arg9 : memref<!tpu.dma_semaphore, #tpu.memory_space<semaphore_mem>>) src(%dma_wait3A_134 : memref<112x64xbf16, #tpu.memory_space<hbm>>) dst(%dma_wait3A_131 : memref<112x64xbf16, #tpu.memory_space<vmem>>)
        %dma_wait3A_135 = arith.constant 0 : i32
        %dma_wait3A_136 = arith.constant 112 : i32
        %dma_wait3A_137 = arith.constant 0 : i32
        %dma_wait3A_138 = tpu.memref_slice %arg6[%dma_wait3A_135, %dma_wait3A_136, %dma_wait3A_137] : memref<4x200x64xbf16, #tpu.memory_space<vmem>> -> memref<1x88x64xbf16, #tpu.memory_space<vmem>>
        %dma_wait3A_139 = tpu.memref_squeeze %dma_wait3A_138 : memref<1x88x64xbf16, #tpu.memory_space<vmem>> -> memref<88x64xbf16, #tpu.memory_space<vmem>>
        %dma_wait3A_140 = arith.constant 0 : i32
        %dma_wait3A_141 = arith.constant 0 : i32
        %dma_wait3A_142 = tpu.memref_slice %arg3[%dma_wait3A_140, %dma_wait3A_141] : memref<10000x64xbf16, #tpu.memory_space<hbm>> -> memref<88x64xbf16, #tpu.memory_space<hbm>>
        %dma_wait3A_143 = arith.constant 112 : i32
        %dma_wait3A_144 = arith.constant 0 : i32
        %dma_wait3A_145 = tpu.memref_slice %arg6[%dma_wait3A_135, %dma_wait3A_143, %dma_wait3A_144] : memref<4x200x64xbf16, #tpu.memory_space<vmem>> -> memref<1x88x64xbf16, #tpu.memory_space<vmem>>
        %dma_wait3A_146 = tpu.memref_squeeze %dma_wait3A_145 : memref<1x88x64xbf16, #tpu.memory_space<vmem>> -> memref<88x64xbf16, #tpu.memory_space<vmem>>
        %dma_wait3A_147 = arith.constant 0 : i32
        %dma_wait3A_148 = arith.constant 0 : i32
        %dma_wait3A_149 = tpu.memref_slice %arg3[%dma_wait3A_147, %dma_wait3A_148] : memref<10000x64xbf16, #tpu.memory_space<hbm>> -> memref<88x64xbf16, #tpu.memory_space<hbm>>
        tpu.wait_dma2 semaphore(%arg13 : memref<!tpu.dma_semaphore, #tpu.memory_space<semaphore_mem>>) src(%dma_wait3A_149 : memref<88x64xbf16, #tpu.memory_space<hbm>>) dst(%dma_wait3A_146 : memref<88x64xbf16, #tpu.memory_space<vmem>>)
        %scan3A_150 = arith.constant 0 : i32
        %scan3A_151 = arith.constant 10 : i32
        %scan3A_152 = arith.addi %scan3A_150, %scan3A_151 : i32
        %scan3A_153 = arith.constant 1 : i32
        %scan3A_154:4 = scf.for %scan3A_344 = %scan3A_150 to %scan3A_152 step %scan3A_153 iter_args(%scan3A_345 = %broadcast_in_dim3A_3, %scan3A_346 = %broadcast_in_dim3A_3, %scan3A_347 = %broadcast_in_dim3A_3, %scan3A_348 = %broadcast_in_dim3A_3) -> (vector<16xf32>, vector<16xf32>, vector<16xf32>, vector<16xf32>)  : i32 {
          %mul3A_349 = arith.constant 20 : i32
          %mul3A_350 = arith.muli %scan3A_344, %mul3A_349 : i32
          %add3A_351 = arith.constant 0 : i32
          %add3A_352 = arith.addi %mul3A_350, %add3A_351 : i32
          %get3A = arith.constant 0 : i32
          %get3A_353 = arith.index_cast %get3A : i32 to index
          %get3A_354 = arith.index_cast %add3A_352 : i32 to index
          %get3A_355 = arith.constant 0 : index
          %get3A_356 = tpu.vector_load %arg6[%get3A_353, %get3A_354, %get3A_355] {strides = array<i32>} : memref<4x200x64xbf16, #tpu.memory_space<vmem>>, vector<32xbf16>,
          %add3A_357 = arith.constant 1 : i32
          %add3A_358 = arith.addi %add3A_352, %add3A_357 : i32
          %get3A_359 = arith.constant 0 : i32
          %get3A_360 = arith.index_cast %get3A_359 : i32 to index
          %get3A_361 = arith.index_cast %add3A_358 : i32 to index
          %get3A_362 = arith.constant 0 : index
          %get3A_363 = tpu.vector_load %arg6[%get3A_360, %get3A_361, %get3A_362] {strides = array<i32>} : memref<4x200x64xbf16, #tpu.memory_space<vmem>>, vector<32xbf16>,
          %add3A_364 = arith.addf %get3A_356, %get3A_363 : vector<32xbf16>
          %unpack3A = tpu.unpack_subelements %add3A_364, 0 {pack_format = #tpu.pack_format<interleaved>} : vector<32xbf16> -> vector<16xf32>
          %unpack3A_365 = tpu.unpack_subelements %add3A_364, 1 {pack_format = #tpu.pack_format<interleaved>} : vector<32xbf16> -> vector<16xf32>
          %add3A_366 = arith.addf %scan3A_345, %unpack3A : vector<16xf32>
          %add3A_367 = arith.addf %scan3A_346, %unpack3A_365 : vector<16xf32>
          %get3A_368 = arith.constant 0 : i32
          %get3A_369 = arith.index_cast %get3A_368 : i32 to index
          %get3A_370 = arith.index_cast %add3A_352 : i32 to index
          %get3A_371 = arith.constant 32 : index
          %get3A_372 = tpu.vector_load %arg6[%get3A_369, %get3A_370, %get3A_371] {strides = array<i32>} : memref<4x200x64xbf16, #tpu.memory_space<vmem>>, vector<32xbf16>,
          %add3A_373 = arith.constant 1 : i32
          %add3A_374 = arith.addi %add3A_352, %add3A_373 : i32
          %get3A_375 = arith.constant 0 : i32
          %get3A_376 = arith.index_cast %get3A_375 : i32 to index
          %get3A_377 = arith.index_cast %add3A_374 : i32 to index
          %get3A_378 = arith.constant 32 : index
          %get3A_379 = tpu.vector_load %arg6[%get3A_376, %get3A_377, %get3A_378] {strides = array<i32>} : memref<4x200x64xbf16, #tpu.memory_space<vmem>>, vector<32xbf16>,
          %add3A_380 = arith.addf %get3A_372, %get3A_379 : vector<32xbf16>
          %unpack3A_381 = tpu.unpack_subelements %add3A_380, 0 {pack_format = #tpu.pack_format<interleaved>} : vector<32xbf16> -> vector<16xf32>
          %unpack3A_382 = tpu.unpack_subelements %add3A_380, 1 {pack_format = #tpu.pack_format<interleaved>} : vector<32xbf16> -> vector<16xf32>
          %add3A_383 = arith.addf %scan3A_347, %unpack3A_381 : vector<16xf32>
          %add3A_384 = arith.addf %scan3A_348, %unpack3A_382 : vector<16xf32>
          %mul3A_385 = arith.constant 20 : i32
          %mul3A_386 = arith.muli %scan3A_344, %mul3A_385 : i32
          %add3A_387 = arith.constant 2 : i32
          %add3A_388 = arith.addi %mul3A_386, %add3A_387 : i32
          %get3A_389 = arith.constant 0 : i32
          %get3A_390 = arith.index_cast %get3A_389 : i32 to index
          %get3A_391 = arith.index_cast %add3A_388 : i32 to index
          %get3A_392 = arith.constant 0 : index
          %get3A_393 = tpu.vector_load %arg6[%get3A_390, %get3A_391, %get3A_392] {strides = array<i32>} : memref<4x200x64xbf16, #tpu.memory_space<vmem>>, vector<32xbf16>,
          %add3A_394 = arith.constant 1 : i32
          %add3A_395 = arith.addi %add3A_388, %add3A_394 : i32
          %get3A_396 = arith.constant 0 : i32
          %get3A_397 = arith.index_cast %get3A_396 : i32 to index
          %get3A_398 = arith.index_cast %add3A_395 : i32 to index
          %get3A_399 = arith.constant 0 : index
          %get3A_400 = tpu.vector_load %arg6[%get3A_397, %get3A_398, %get3A_399] {strides = array<i32>} : memref<4x200x64xbf16, #tpu.memory_space<vmem>>, vector<32xbf16>,
          %add3A_401 = arith.addf %get3A_393, %get3A_400 : vector<32xbf16>
          %unpack3A_402 = tpu.unpack_subelements %add3A_401, 0 {pack_format = #tpu.pack_format<interleaved>} : vector<32xbf16> -> vector<16xf32>
          %unpack3A_403 = tpu.unpack_subelements %add3A_401, 1 {pack_format = #tpu.pack_format<interleaved>} : vector<32xbf16> -> vector<16xf32>
          %add3A_404 = arith.addf %add3A_366, %unpack3A_402 : vector<16xf32>
          %add3A_405 = arith.addf %add3A_367, %unpack3A_403 : vector<16xf32>
          %get3A_406 = arith.constant 0 : i32
          %get3A_407 = arith.index_cast %get3A_406 : i32 to index
          %get3A_408 = arith.index_cast %add3A_388 : i32 to index
          %get3A_409 = arith.constant 32 : index
          %get3A_410 = tpu.vector_load %arg6[%get3A_407, %get3A_408, %get3A_409] {strides = array<i32>} : memref<4x200x64xbf16, #tpu.memory_space<vmem>>, vector<32xbf16>,
          %add3A_411 = arith.constant 1 : i32
          %add3A_412 = arith.addi %add3A_388, %add3A_411 : i32
          %get3A_413 = arith.constant 0 : i32
          %get3A_414 = arith.index_cast %get3A_413 : i32 to index
          %get3A_415 = arith.index_cast %add3A_412 : i32 to index
          %get3A_416 = arith.constant 32 : index
          %get3A_417 = tpu.vector_load %arg6[%get3A_414, %get3A_415, %get3A_416] {strides = array<i32>} : memref<4x200x64xbf16, #tpu.memory_space<vmem>>, vector<32xbf16>,
          %add3A_418 = arith.addf %get3A_410, %get3A_417 : vector<32xbf16>
          %unpack3A_419 = tpu.unpack_subelements %add3A_418, 0 {pack_format = #tpu.pack_format<interleaved>} : vector<32xbf16> -> vector<16xf32>
          %unpack3A_420 = tpu.unpack_subelements %add3A_418, 1 {pack_format = #tpu.pack_format<interleaved>} : vector<32xbf16> -> vector<16xf32>
          %add3A_421 = arith.addf %add3A_383, %unpack3A_419 : vector<16xf32>
          %add3A_422 = arith.addf %add3A_384, %unpack3A_420 : vector<16xf32>
          %mul3A_423 = arith.constant 20 : i32
          %mul3A_424 = arith.muli %scan3A_344, %mul3A_423 : i32
          %add3A_425 = arith.constant 4 : i32
          %add3A_426 = arith.addi %mul3A_424, %add3A_425 : i32
          %get3A_427 = arith.constant 0 : i32
          %get3A_428 = arith.index_cast %get3A_427 : i32 to index
          %get3A_429 = arith.index_cast %add3A_426 : i32 to index
          %get3A_430 = arith.constant 0 : index
          %get3A_431 = tpu.vector_load %arg6[%get3A_428, %get3A_429, %get3A_430] {strides = array<i32>} : memref<4x200x64xbf16, #tpu.memory_space<vmem>>, vector<32xbf16>,
          %add3A_432 = arith.constant 1 : i32
          %add3A_433 = arith.addi %add3A_426, %add3A_432 : i32
          %get3A_434 = arith.constant 0 : i32
          %get3A_435 = arith.index_cast %get3A_434 : i32 to index
          %get3A_436 = arith.index_cast %add3A_433 : i32 to index
          %get3A_437 = arith.constant 0 : index
          %get3A_438 = tpu.vector_load %arg6[%get3A_435, %get3A_436, %get3A_437] {strides = array<i32>} : memref<4x200x64xbf16, #tpu.memory_space<vmem>>, vector<32xbf16>,
          %add3A_439 = arith.addf %get3A_431, %get3A_438 : vector<32xbf16>
          %unpack3A_440 = tpu.unpack_subelements %add3A_439, 0 {pack_format = #tpu.pack_format<interleaved>} : vector<32xbf16> -> vector<16xf32>
          %unpack3A_441 = tpu.unpack_subelements %add3A_439, 1 {pack_format = #tpu.pack_format<interleaved>} : vector<32xbf16> -> vector<16xf32>
          %add3A_442 = arith.addf %add3A_404, %unpack3A_440 : vector<16xf32>
          %add3A_443 = arith.addf %add3A_405, %unpack3A_441 : vector<16xf32>
          %get3A_444 = arith.constant 0 : i32
          %get3A_445 = arith.index_cast %get3A_444 : i32 to index
          %get3A_446 = arith.index_cast %add3A_426 : i32 to index
          %get3A_447 = arith.constant 32 : index
          %get3A_448 = tpu.vector_load %arg6[%get3A_445, %get3A_446, %get3A_447] {strides = array<i32>} : memref<4x200x64xbf16, #tpu.memory_space<vmem>>, vector<32xbf16>,
          %add3A_449 = arith.constant 1 : i32
          %add3A_450 = arith.addi %add3A_426, %add3A_449 : i32
          %get3A_451 = arith.constant 0 : i32
          %get3A_452 = arith.index_cast %get3A_451 : i32 to index
          %get3A_453 = arith.index_cast %add3A_450 : i32 to index
          %get3A_454 = arith.constant 32 : index
          %get3A_455 = tpu.vector_load %arg6[%get3A_452, %get3A_453, %get3A_454] {strides = array<i32>} : memref<4x200x64xbf16, #tpu.memory_space<vmem>>, vector<32xbf16>,
          %add3A_456 = arith.addf %get3A_448, %get3A_455 : vector<32xbf16>
          %unpack3A_457 = tpu.unpack_subelements %add3A_456, 0 {pack_format = #tpu.pack_format<interleaved>} : vector<32xbf16> -> vector<16xf32>
          %unpack3A_458 = tpu.unpack_subelements %add3A_456, 1 {pack_format = #tpu.pack_format<interleaved>} : vector<32xbf16> -> vector<16xf32>
          %add3A_459 = arith.addf %add3A_421, %unpack3A_457 : vector<16xf32>
          %add3A_460 = arith.addf %add3A_422, %unpack3A_458 : vector<16xf32>
          %mul3A_461 = arith.constant 20 : i32
          %mul3A_462 = arith.muli %scan3A_344, %mul3A_461 : i32
          %add3A_463 = arith.constant 6 : i32
          %add3A_464 = arith.addi %mul3A_462, %add3A_463 : i32
          %get3A_465 = arith.constant 0 : i32
          %get3A_466 = arith.index_cast %get3A_465 : i32 to index
          %get3A_467 = arith.index_cast %add3A_464 : i32 to index
          %get3A_468 = arith.constant 0 : index
          %get3A_469 = tpu.vector_load %arg6[%get3A_466, %get3A_467, %get3A_468] {strides = array<i32>} : memref<4x200x64xbf16, #tpu.memory_space<vmem>>, vector<32xbf16>,
          %add3A_470 = arith.constant 1 : i32
          %add3A_471 = arith.addi %add3A_464, %add3A_470 : i32
          %get3A_472 = arith.constant 0 : i32
          %get3A_473 = arith.index_cast %get3A_472 : i32 to index
          %get3A_474 = arith.index_cast %add3A_471 : i32 to index
          %get3A_475 = arith.constant 0 : index
          %get3A_476 = tpu.vector_load %arg6[%get3A_473, %get3A_474, %get3A_475] {strides = array<i32>} : memref<4x200x64xbf16, #tpu.memory_space<vmem>>, vector<32xbf16>,
          %add3A_477 = arith.addf %get3A_469, %get3A_476 : vector<32xbf16>
          %unpack3A_478 = tpu.unpack_subelements %add3A_477, 0 {pack_format = #tpu.pack_format<interleaved>} : vector<32xbf16> -> vector<16xf32>
          %unpack3A_479 = tpu.unpack_subelements %add3A_477, 1 {pack_format = #tpu.pack_format<interleaved>} : vector<32xbf16> -> vector<16xf32>
          %add3A_480 = arith.addf %add3A_442, %unpack3A_478 : vector<16xf32>
          %add3A_481 = arith.addf %add3A_443, %unpack3A_479 : vector<16xf32>
          %get3A_482 = arith.constant 0 : i32
          %get3A_483 = arith.index_cast %get3A_482 : i32 to index
          %get3A_484 = arith.index_cast %add3A_464 : i32 to index
          %get3A_485 = arith.constant 32 : index
          %get3A_486 = tpu.vector_load %arg6[%get3A_483, %get3A_484, %get3A_485] {strides = array<i32>} : memref<4x200x64xbf16, #tpu.memory_space<vmem>>, vector<32xbf16>,
          %add3A_487 = arith.constant 1 : i32
          %add3A_488 = arith.addi %add3A_464, %add3A_487 : i32
          %get3A_489 = arith.constant 0 : i32
          %get3A_490 = arith.index_cast %get3A_489 : i32 to index
          %get3A_491 = arith.index_cast %add3A_488 : i32 to index
          %get3A_492 = arith.constant 32 : index
          %get3A_493 = tpu.vector_load %arg6[%get3A_490, %get3A_491, %get3A_492] {strides = array<i32>} : memref<4x200x64xbf16, #tpu.memory_space<vmem>>, vector<32xbf16>,
          %add3A_494 = arith.addf %get3A_486, %get3A_493 : vector<32xbf16>
          %unpack3A_495 = tpu.unpack_subelements %add3A_494, 0 {pack_format = #tpu.pack_format<interleaved>} : vector<32xbf16> -> vector<16xf32>
          %unpack3A_496 = tpu.unpack_subelements %add3A_494, 1 {pack_format = #tpu.pack_format<interleaved>} : vector<32xbf16> -> vector<16xf32>
          %add3A_497 = arith.addf %add3A_459, %unpack3A_495 : vector<16xf32>
          %add3A_498 = arith.addf %add3A_460, %unpack3A_496 : vector<16xf32>
          %mul3A_499 = arith.constant 20 : i32
          %mul3A_500 = arith.muli %scan3A_344, %mul3A_499 : i32
          %add3A_501 = arith.constant 8 : i32
          %add3A_502 = arith.addi %mul3A_500, %add3A_501 : i32
          %get3A_503 = arith.constant 0 : i32
          %get3A_504 = arith.index_cast %get3A_503 : i32 to index
          %get3A_505 = arith.index_cast %add3A_502 : i32 to index
          %get3A_506 = arith.constant 0 : index
          %get3A_507 = tpu.vector_load %arg6[%get3A_504, %get3A_505, %get3A_506] {strides = array<i32>} : memref<4x200x64xbf16, #tpu.memory_space<vmem>>, vector<32xbf16>,
          %add3A_508 = arith.constant 1 : i32
          %add3A_509 = arith.addi %add3A_502, %add3A_508 : i32
          %get3A_510 = arith.constant 0 : i32
          %get3A_511 = arith.index_cast %get3A_510 : i32 to index
          %get3A_512 = arith.index_cast %add3A_509 : i32 to index
          %get3A_513 = arith.constant 0 : index
          %get3A_514 = tpu.vector_load %arg6[%get3A_511, %get3A_512, %get3A_513] {strides = array<i32>} : memref<4x200x64xbf16, #tpu.memory_space<vmem>>, vector<32xbf16>,
          %add3A_515 = arith.addf %get3A_507, %get3A_514 : vector<32xbf16>
          %unpack3A_516 = tpu.unpack_subelements %add3A_515, 0 {pack_format = #tpu.pack_format<interleaved>} : vector<32xbf16> -> vector<16xf32>
          %unpack3A_517 = tpu.unpack_subelements %add3A_515, 1 {pack_format = #tpu.pack_format<interleaved>} : vector<32xbf16> -> vector<16xf32>
          %add3A_518 = arith.addf %add3A_480, %unpack3A_516 : vector<16xf32>
          %add3A_519 = arith.addf %add3A_481, %unpack3A_517 : vector<16xf32>
          %get3A_520 = arith.constant 0 : i32
          %get3A_521 = arith.index_cast %get3A_520 : i32 to index
          %get3A_522 = arith.index_cast %add3A_502 : i32 to index
          %get3A_523 = arith.constant 32 : index
          %get3A_524 = tpu.vector_load %arg6[%get3A_521, %get3A_522, %get3A_523] {strides = array<i32>} : memref<4x200x64xbf16, #tpu.memory_space<vmem>>, vector<32xbf16>,
          %add3A_525 = arith.constant 1 : i32
          %add3A_526 = arith.addi %add3A_502, %add3A_525 : i32
          %get3A_527 = arith.constant 0 : i32
          %get3A_528 = arith.index_cast %get3A_527 : i32 to index
          %get3A_529 = arith.index_cast %add3A_526 : i32 to index
          %get3A_530 = arith.constant 32 : index
          %get3A_531 = tpu.vector_load %arg6[%get3A_528, %get3A_529, %get3A_530] {strides = array<i32>} : memref<4x200x64xbf16, #tpu.memory_space<vmem>>, vector<32xbf16>,
          %add3A_532 = arith.addf %get3A_524, %get3A_531 : vector<32xbf16>
          %unpack3A_533 = tpu.unpack_subelements %add3A_532, 0 {pack_format = #tpu.pack_format<interleaved>} : vector<32xbf16> -> vector<16xf32>
          %unpack3A_534 = tpu.unpack_subelements %add3A_532, 1 {pack_format = #tpu.pack_format<interleaved>} : vector<32xbf16> -> vector<16xf32>
          %add3A_535 = arith.addf %add3A_497, %unpack3A_533 : vector<16xf32>
          %add3A_536 = arith.addf %add3A_498, %unpack3A_534 : vector<16xf32>
          %mul3A_537 = arith.constant 20 : i32
          %mul3A_538 = arith.muli %scan3A_344, %mul3A_537 : i32
          %add3A_539 = arith.constant 10 : i32
          %add3A_540 = arith.addi %mul3A_538, %add3A_539 : i32
          %get3A_541 = arith.constant 0 : i32
          %get3A_542 = arith.index_cast %get3A_541 : i32 to index
          %get3A_543 = arith.index_cast %add3A_540 : i32 to index
          %get3A_544 = arith.constant 0 : index
          %get3A_545 = tpu.vector_load %arg6[%get3A_542, %get3A_543, %get3A_544] {strides = array<i32>} : memref<4x200x64xbf16, #tpu.memory_space<vmem>>, vector<32xbf16>,
          %add3A_546 = arith.constant 1 : i32
          %add3A_547 = arith.addi %add3A_540, %add3A_546 : i32
          %get3A_548 = arith.constant 0 : i32
          %get3A_549 = arith.index_cast %get3A_548 : i32 to index
          %get3A_550 = arith.index_cast %add3A_547 : i32 to index
          %get3A_551 = arith.constant 0 : index
          %get3A_552 = tpu.vector_load %arg6[%get3A_549, %get3A_550, %get3A_551] {strides = array<i32>} : memref<4x200x64xbf16, #tpu.memory_space<vmem>>, vector<32xbf16>,
          %add3A_553 = arith.addf %get3A_545, %get3A_552 : vector<32xbf16>
          %unpack3A_554 = tpu.unpack_subelements %add3A_553, 0 {pack_format = #tpu.pack_format<interleaved>} : vector<32xbf16> -> vector<16xf32>
          %unpack3A_555 = tpu.unpack_subelements %add3A_553, 1 {pack_format = #tpu.pack_format<interleaved>} : vector<32xbf16> -> vector<16xf32>
          %add3A_556 = arith.addf %add3A_518, %unpack3A_554 : vector<16xf32>
          %add3A_557 = arith.addf %add3A_519, %unpack3A_555 : vector<16xf32>
          %get3A_558 = arith.constant 0 : i32
          %get3A_559 = arith.index_cast %get3A_558 : i32 to index
          %get3A_560 = arith.index_cast %add3A_540 : i32 to index
          %get3A_561 = arith.constant 32 : index
          %get3A_562 = tpu.vector_load %arg6[%get3A_559, %get3A_560, %get3A_561] {strides = array<i32>} : memref<4x200x64xbf16, #tpu.memory_space<vmem>>, vector<32xbf16>,
          %add3A_563 = arith.constant 1 : i32
          %add3A_564 = arith.addi %add3A_540, %add3A_563 : i32
          %get3A_565 = arith.constant 0 : i32
          %get3A_566 = arith.index_cast %get3A_565 : i32 to index
          %get3A_567 = arith.index_cast %add3A_564 : i32 to index
          %get3A_568 = arith.constant 32 : index
          %get3A_569 = tpu.vector_load %arg6[%get3A_566, %get3A_567, %get3A_568] {strides = array<i32>} : memref<4x200x64xbf16, #tpu.memory_space<vmem>>, vector<32xbf16>,
          %add3A_570 = arith.addf %get3A_562, %get3A_569 : vector<32xbf16>
          %unpack3A_571 = tpu.unpack_subelements %add3A_570, 0 {pack_format = #tpu.pack_format<interleaved>} : vector<32xbf16> -> vector<16xf32>
          %unpack3A_572 = tpu.unpack_subelements %add3A_570, 1 {pack_format = #tpu.pack_format<interleaved>} : vector<32xbf16> -> vector<16xf32>
          %add3A_573 = arith.addf %add3A_535, %unpack3A_571 : vector<16xf32>
          %add3A_574 = arith.addf %add3A_536, %unpack3A_572 : vector<16xf32>
          %mul3A_575 = arith.constant 20 : i32
          %mul3A_576 = arith.muli %scan3A_344, %mul3A_575 : i32
          %add3A_577 = arith.constant 12 : i32
          %add3A_578 = arith.addi %mul3A_576, %add3A_577 : i32
          %get3A_579 = arith.constant 0 : i32
          %get3A_580 = arith.index_cast %get3A_579 : i32 to index
          %get3A_581 = arith.index_cast %add3A_578 : i32 to index
          %get3A_582 = arith.constant 0 : index
          %get3A_583 = tpu.vector_load %arg6[%get3A_580, %get3A_581, %get3A_582] {strides = array<i32>} : memref<4x200x64xbf16, #tpu.memory_space<vmem>>, vector<32xbf16>,
          %add3A_584 = arith.constant 1 : i32
          %add3A_585 = arith.addi %add3A_578, %add3A_584 : i32
          %get3A_586 = arith.constant 0 : i32
          %get3A_587 = arith.index_cast %get3A_586 : i32 to index
          %get3A_588 = arith.index_cast %add3A_585 : i32 to index
          %get3A_589 = arith.constant 0 : index
          %get3A_590 = tpu.vector_load %arg6[%get3A_587, %get3A_588, %get3A_589] {strides = array<i32>} : memref<4x200x64xbf16, #tpu.memory_space<vmem>>, vector<32xbf16>,
          %add3A_591 = arith.addf %get3A_583, %get3A_590 : vector<32xbf16>
          %unpack3A_592 = tpu.unpack_subelements %add3A_591, 0 {pack_format = #tpu.pack_format<interleaved>} : vector<32xbf16> -> vector<16xf32>
          %unpack3A_593 = tpu.unpack_subelements %add3A_591, 1 {pack_format = #tpu.pack_format<interleaved>} : vector<32xbf16> -> vector<16xf32>
          %add3A_594 = arith.addf %add3A_556, %unpack3A_592 : vector<16xf32>
          %add3A_595 = arith.addf %add3A_557, %unpack3A_593 : vector<16xf32>
          %get3A_596 = arith.constant 0 : i32
          %get3A_597 = arith.index_cast %get3A_596 : i32 to index
          %get3A_598 = arith.index_cast %add3A_578 : i32 to index
          %get3A_599 = arith.constant 32 : index
          %get3A_600 = tpu.vector_load %arg6[%get3A_597, %get3A_598, %get3A_599] {strides = array<i32>} : memref<4x200x64xbf16, #tpu.memory_space<vmem>>, vector<32xbf16>,
          %add3A_601 = arith.constant 1 : i32
          %add3A_602 = arith.addi %add3A_578, %add3A_601 : i32
          %get3A_603 = arith.constant 0 : i32
          %get3A_604 = arith.index_cast %get3A_603 : i32 to index
          %get3A_605 = arith.index_cast %add3A_602 : i32 to index
          %get3A_606 = arith.constant 32 : index
          %get3A_607 = tpu.vector_load %arg6[%get3A_604, %get3A_605, %get3A_606] {strides = array<i32>} : memref<4x200x64xbf16, #tpu.memory_space<vmem>>, vector<32xbf16>,
          %add3A_608 = arith.addf %get3A_600, %get3A_607 : vector<32xbf16>
          %unpack3A_609 = tpu.unpack_subelements %add3A_608, 0 {pack_format = #tpu.pack_format<interleaved>} : vector<32xbf16> -> vector<16xf32>
          %unpack3A_610 = tpu.unpack_subelements %add3A_608, 1 {pack_format = #tpu.pack_format<interleaved>} : vector<32xbf16> -> vector<16xf32>
          %add3A_611 = arith.addf %add3A_573, %unpack3A_609 : vector<16xf32>
          %add3A_612 = arith.addf %add3A_574, %unpack3A_610 : vector<16xf32>
          %mul3A_613 = arith.constant 20 : i32
          %mul3A_614 = arith.muli %scan3A_344, %mul3A_613 : i32
          %add3A_615 = arith.constant 14 : i32
          %add3A_616 = arith.addi %mul3A_614, %add3A_615 : i32
          %get3A_617 = arith.constant 0 : i32
          %get3A_618 = arith.index_cast %get3A_617 : i32 to index
          %get3A_619 = arith.index_cast %add3A_616 : i32 to index
          %get3A_620 = arith.constant 0 : index
          %get3A_621 = tpu.vector_load %arg6[%get3A_618, %get3A_619, %get3A_620] {strides = array<i32>} : memref<4x200x64xbf16, #tpu.memory_space<vmem>>, vector<32xbf16>,
          %add3A_622 = arith.constant 1 : i32
          %add3A_623 = arith.addi %add3A_616, %add3A_622 : i32
          %get3A_624 = arith.constant 0 : i32
          %get3A_625 = arith.index_cast %get3A_624 : i32 to index
          %get3A_626 = arith.index_cast %add3A_623 : i32 to index
          %get3A_627 = arith.constant 0 : index
          %get3A_628 = tpu.vector_load %arg6[%get3A_625, %get3A_626, %get3A_627] {strides = array<i32>} : memref<4x200x64xbf16, #tpu.memory_space<vmem>>, vector<32xbf16>,
          %add3A_629 = arith.addf %get3A_621, %get3A_628 : vector<32xbf16>
          %unpack3A_630 = tpu.unpack_subelements %add3A_629, 0 {pack_format = #tpu.pack_format<interleaved>} : vector<32xbf16> -> vector<16xf32>
          %unpack3A_631 = tpu.unpack_subelements %add3A_629, 1 {pack_format = #tpu.pack_format<interleaved>} : vector<32xbf16> -> vector<16xf32>
          %add3A_632 = arith.addf %add3A_594, %unpack3A_630 : vector<16xf32>
          %add3A_633 = arith.addf %add3A_595, %unpack3A_631 : vector<16xf32>
          %get3A_634 = arith.constant 0 : i32
          %get3A_635 = arith.index_cast %get3A_634 : i32 to index
          %get3A_636 = arith.index_cast %add3A_616 : i32 to index
          %get3A_637 = arith.constant 32 : index
          %get3A_638 = tpu.vector_load %arg6[%get3A_635, %get3A_636, %get3A_637] {strides = array<i32>} : memref<4x200x64xbf16, #tpu.memory_space<vmem>>, vector<32xbf16>,
          %add3A_639 = arith.constant 1 : i32
          %add3A_640 = arith.addi %add3A_616, %add3A_639 : i32
          %get3A_641 = arith.constant 0 : i32
          %get3A_642 = arith.index_cast %get3A_641 : i32 to index
          %get3A_643 = arith.index_cast %add3A_640 : i32 to index
          %get3A_644 = arith.constant 32 : index
          %get3A_645 = tpu.vector_load %arg6[%get3A_642, %get3A_643, %get3A_644] {strides = array<i32>} : memref<4x200x64xbf16, #tpu.memory_space<vmem>>, vector<32xbf16>,
          %add3A_646 = arith.addf %get3A_638, %get3A_645 : vector<32xbf16>
          %unpack3A_647 = tpu.unpack_subelements %add3A_646, 0 {pack_format = #tpu.pack_format<interleaved>} : vector<32xbf16> -> vector<16xf32>
          %unpack3A_648 = tpu.unpack_subelements %add3A_646, 1 {pack_format = #tpu.pack_format<interleaved>} : vector<32xbf16> -> vector<16xf32>
          %add3A_649 = arith.addf %add3A_611, %unpack3A_647 : vector<16xf32>
          %add3A_650 = arith.addf %add3A_612, %unpack3A_648 : vector<16xf32>
          %mul3A_651 = arith.constant 20 : i32
          %mul3A_652 = arith.muli %scan3A_344, %mul3A_651 : i32
          %add3A_653 = arith.constant 16 : i32
          %add3A_654 = arith.addi %mul3A_652, %add3A_653 : i32
          %get3A_655 = arith.constant 0 : i32
          %get3A_656 = arith.index_cast %get3A_655 : i32 to index
          %get3A_657 = arith.index_cast %add3A_654 : i32 to index
          %get3A_658 = arith.constant 0 : index
          %get3A_659 = tpu.vector_load %arg6[%get3A_656, %get3A_657, %get3A_658] {strides = array<i32>} : memref<4x200x64xbf16, #tpu.memory_space<vmem>>, vector<32xbf16>,
          %add3A_660 = arith.constant 1 : i32
          %add3A_661 = arith.addi %add3A_654, %add3A_660 : i32
          %get3A_662 = arith.constant 0 : i32
          %get3A_663 = arith.index_cast %get3A_662 : i32 to index
          %get3A_664 = arith.index_cast %add3A_661 : i32 to index
          %get3A_665 = arith.constant 0 : index
          %get3A_666 = tpu.vector_load %arg6[%get3A_663, %get3A_664, %get3A_665] {strides = array<i32>} : memref<4x200x64xbf16, #tpu.memory_space<vmem>>, vector<32xbf16>,
          %add3A_667 = arith.addf %get3A_659, %get3A_666 : vector<32xbf16>
          %unpack3A_668 = tpu.unpack_subelements %add3A_667, 0 {pack_format = #tpu.pack_format<interleaved>} : vector<32xbf16> -> vector<16xf32>
          %unpack3A_669 = tpu.unpack_subelements %add3A_667, 1 {pack_format = #tpu.pack_format<interleaved>} : vector<32xbf16> -> vector<16xf32>
          %add3A_670 = arith.addf %add3A_632, %unpack3A_668 : vector<16xf32>
          %add3A_671 = arith.addf %add3A_633, %unpack3A_669 : vector<16xf32>
          %get3A_672 = arith.constant 0 : i32
          %get3A_673 = arith.index_cast %get3A_672 : i32 to index
          %get3A_674 = arith.index_cast %add3A_654 : i32 to index
          %get3A_675 = arith.constant 32 : index
          %get3A_676 = tpu.vector_load %arg6[%get3A_673, %get3A_674, %get3A_675] {strides = array<i32>} : memref<4x200x64xbf16, #tpu.memory_space<vmem>>, vector<32xbf16>,
          %add3A_677 = arith.constant 1 : i32
          %add3A_678 = arith.addi %add3A_654, %add3A_677 : i32
          %get3A_679 = arith.constant 0 : i32
          %get3A_680 = arith.index_cast %get3A_679 : i32 to index
          %get3A_681 = arith.index_cast %add3A_678 : i32 to index
          %get3A_682 = arith.constant 32 : index
          %get3A_683 = tpu.vector_load %arg6[%get3A_680, %get3A_681, %get3A_682] {strides = array<i32>} : memref<4x200x64xbf16, #tpu.memory_space<vmem>>, vector<32xbf16>,
          %add3A_684 = arith.addf %get3A_676, %get3A_683 : vector<32xbf16>
          %unpack3A_685 = tpu.unpack_subelements %add3A_684, 0 {pack_format = #tpu.pack_format<interleaved>} : vector<32xbf16> -> vector<16xf32>
          %unpack3A_686 = tpu.unpack_subelements %add3A_684, 1 {pack_format = #tpu.pack_format<interleaved>} : vector<32xbf16> -> vector<16xf32>
          %add3A_687 = arith.addf %add3A_649, %unpack3A_685 : vector<16xf32>
          %add3A_688 = arith.addf %add3A_650, %unpack3A_686 : vector<16xf32>
          %mul3A_689 = arith.constant 20 : i32
          %mul3A_690 = arith.muli %scan3A_344, %mul3A_689 : i32
          %add3A_691 = arith.constant 18 : i32
          %add3A_692 = arith.addi %mul3A_690, %add3A_691 : i32
          %get3A_693 = arith.constant 0 : i32
          %get3A_694 = arith.index_cast %get3A_693 : i32 to index
          %get3A_695 = arith.index_cast %add3A_692 : i32 to index
          %get3A_696 = arith.constant 0 : index
          %get3A_697 = tpu.vector_load %arg6[%get3A_694, %get3A_695, %get3A_696] {strides = array<i32>} : memref<4x200x64xbf16, #tpu.memory_space<vmem>>, vector<32xbf16>,
          %add3A_698 = arith.constant 1 : i32
          %add3A_699 = arith.addi %add3A_692, %add3A_698 : i32
          %get3A_700 = arith.constant 0 : i32
          %get3A_701 = arith.index_cast %get3A_700 : i32 to index
          %get3A_702 = arith.index_cast %add3A_699 : i32 to index
          %get3A_703 = arith.constant 0 : index
          %get3A_704 = tpu.vector_load %arg6[%get3A_701, %get3A_702, %get3A_703] {strides = array<i32>} : memref<4x200x64xbf16, #tpu.memory_space<vmem>>, vector<32xbf16>,
          %add3A_705 = arith.addf %get3A_697, %get3A_704 : vector<32xbf16>
          %unpack3A_706 = tpu.unpack_subelements %add3A_705, 0 {pack_format = #tpu.pack_format<interleaved>} : vector<32xbf16> -> vector<16xf32>
          %unpack3A_707 = tpu.unpack_subelements %add3A_705, 1 {pack_format = #tpu.pack_format<interleaved>} : vector<32xbf16> -> vector<16xf32>
          %add3A_708 = arith.addf %add3A_670, %unpack3A_706 : vector<16xf32>
          %add3A_709 = arith.addf %add3A_671, %unpack3A_707 : vector<16xf32>
          %get3A_710 = arith.constant 0 : i32
          %get3A_711 = arith.index_cast %get3A_710 : i32 to index
          %get3A_712 = arith.index_cast %add3A_692 : i32 to index
          %get3A_713 = arith.constant 32 : index
          %get3A_714 = tpu.vector_load %arg6[%get3A_711, %get3A_712, %get3A_713] {strides = array<i32>} : memref<4x200x64xbf16, #tpu.memory_space<vmem>>, vector<32xbf16>,
          %add3A_715 = arith.constant 1 : i32
          %add3A_716 = arith.addi %add3A_692, %add3A_715 : i32
          %get3A_717 = arith.constant 0 : i32
          %get3A_718 = arith.index_cast %get3A_717 : i32 to index
          %get3A_719 = arith.index_cast %add3A_716 : i32 to index
          %get3A_720 = arith.constant 32 : index
          %get3A_721 = tpu.vector_load %arg6[%get3A_718, %get3A_719, %get3A_720] {strides = array<i32>} : memref<4x200x64xbf16, #tpu.memory_space<vmem>>, vector<32xbf16>,
          %add3A_722 = arith.addf %get3A_714, %get3A_721 : vector<32xbf16>
          %unpack3A_723 = tpu.unpack_subelements %add3A_722, 0 {pack_format = #tpu.pack_format<interleaved>} : vector<32xbf16> -> vector<16xf32>
          %unpack3A_724 = tpu.unpack_subelements %add3A_722, 1 {pack_format = #tpu.pack_format<interleaved>} : vector<32xbf16> -> vector<16xf32>
          %add3A_725 = arith.addf %add3A_687, %unpack3A_723 : vector<16xf32>
          %add3A_726 = arith.addf %add3A_688, %unpack3A_724 : vector<16xf32>
          scf.yield %add3A_708, %add3A_709, %add3A_725, %add3A_726 : vector<16xf32>, vector<16xf32>, vector<16xf32>, vector<16xf32>
        }
        %scan3A_155 = arith.constant 10 : i32
        %swap3A = arith.index_cast %add3A_120 : i32 to index
        %swap3A_156 = arith.constant 0 : index
        %swap3A_157 = tpu.vector_load %arg7[%swap3A, %swap3A_156] {strides = array<i32>} : memref<128x64xf32, #tpu.memory_space<vmem>>, vector<16xf32>,
        tpu.vector_store %arg7[%swap3A, %swap3A_156], %scan3A_154#0 {strides = array<i32>} : memref<128x64xf32, #tpu.memory_space<vmem>>, vector<16xf32>,
        %swap3A_158 = arith.index_cast %add3A_120 : i32 to index
        %swap3A_159 = arith.constant 16 : index
        %swap3A_160 = tpu.vector_load %arg7[%swap3A_158, %swap3A_159] {strides = array<i32>} : memref<128x64xf32, #tpu.memory_space<vmem>>, vector<16xf32>,
        tpu.vector_store %arg7[%swap3A_158, %swap3A_159], %scan3A_154#1 {strides = array<i32>} : memref<128x64xf32, #tpu.memory_space<vmem>>, vector<16xf32>,
        %swap3A_161 = arith.index_cast %add3A_120 : i32 to index
        %swap3A_162 = arith.constant 32 : index
        %swap3A_163 = tpu.vector_load %arg7[%swap3A_161, %swap3A_162] {strides = array<i32>} : memref<128x64xf32, #tpu.memory_space<vmem>>, vector<16xf32>,
        tpu.vector_store %arg7[%swap3A_161, %swap3A_162], %scan3A_154#2 {strides = array<i32>} : memref<128x64xf32, #tpu.memory_space<vmem>>, vector<16xf32>,
        %swap3A_164 = arith.index_cast %add3A_120 : i32 to index
        %swap3A_165 = arith.constant 48 : index
        %swap3A_166 = tpu.vector_load %arg7[%swap3A_164, %swap3A_165] {strides = array<i32>} : memref<128x64xf32, #tpu.memory_space<vmem>>, vector<16xf32>,
        tpu.vector_store %arg7[%swap3A_164, %swap3A_165], %scan3A_154#3 {strides = array<i32>} : memref<128x64xf32, #tpu.memory_space<vmem>>, vector<16xf32>,
        %add3A_167 = arith.constant 4 : i32
        %add3A_168 = arith.addi %add3A_120, %add3A_167 : i32
        %lt3A = arith.constant 128 : i32
        %lt3A_169 = arith.cmpi slt, %add3A_168, %lt3A : i32
        %convert_element_type3A_170 = arith.extui %lt3A_169 : i1 to i32
        %cond3A_171 = arith.constant 0 : i32
        %cond3A_172 = arith.cmpi ne, %convert_element_type3A_170, %cond3A_171 : i32
        scf.if %cond3A_172 {
          %add3A_344 = arith.constant 4 : i32
          %add3A_345 = arith.addi %add3A_120, %add3A_344 : i32
          %dma_start3A_346 = arith.constant 0 : i32
          %dma_start3A_347 = arith.constant 0 : i32
          %dma_start3A_348 = arith.constant 0 : i32
          %dma_start3A_349 = tpu.memref_slice %arg6[%dma_start3A_346, %dma_start3A_347, %dma_start3A_348] : memref<4x200x64xbf16, #tpu.memory_space<vmem>> -> memref<1x112x64xbf16, #tpu.memory_space<vmem>>
          %dma_start3A_350 = tpu.memref_squeeze %dma_start3A_349 : memref<1x112x64xbf16, #tpu.memory_space<vmem>> -> memref<112x64xbf16, #tpu.memory_space<vmem>>
          %dma_start3A_351 = arith.constant 0 : i32
          %dma_start3A_352 = tpu.memref_slice %arg5[%add3A_345, %dma_start3A_351] : memref<128x200xi32, #tpu.memory_space<vmem>> -> memref<1x112xi32, #tpu.memory_space<vmem>>
          %dma_start3A_353 = tpu.memref_squeeze %dma_start3A_352 : memref<1x112xi32, #tpu.memory_space<vmem>> -> memref<112xi32, #tpu.memory_space<vmem>>
          %dma_start3A_354 = arith.constant 0 : i32
          %dma_start3A_355 = arith.constant 0 : i32
          %dma_start3A_356 = tpu.memref_slice %arg8[%dma_start3A_354, %dma_start3A_355] : memref<10000x64xbf16, #tpu.memory_space<vmem_shared>> -> memref<10000x64xbf16, #tpu.memory_space<vmem_shared>>
          tpu.enqueue_indirect_dma source(%dma_start3A_356 : memref<10000x64xbf16, #tpu.memory_space<vmem_shared>>) target(%dma_start3A_350 : memref<112x64xbf16, #tpu.memory_space<vmem>>) offsets(%dma_start3A_353 : memref<112xi32, #tpu.memory_space<vmem>>) semaphore(%arg9 : memref<!tpu.dma_semaphore, #tpu.memory_space<semaphore_mem>>)
          %dma_start3A_357 = arith.constant 0 : i32
          %dma_start3A_358 = arith.constant 112 : i32
          %dma_start3A_359 = arith.constant 0 : i32
          %dma_start3A_360 = tpu.memref_slice %arg6[%dma_start3A_357, %dma_start3A_358, %dma_start3A_359] : memref<4x200x64xbf16, #tpu.memory_space<vmem>> -> memref<1x88x64xbf16, #tpu.memory_space<vmem>>
          %dma_start3A_361 = tpu.memref_squeeze %dma_start3A_360 : memref<1x88x64xbf16, #tpu.memory_space<vmem>> -> memref<88x64xbf16, #tpu.memory_space<vmem>>
          %dma_start3A_362 = arith.constant 112 : i32
          %dma_start3A_363 = tpu.memref_slice %arg5[%add3A_345, %dma_start3A_362] : memref<128x200xi32, #tpu.memory_space<vmem>> -> memref<1x88xi32, #tpu.memory_space<vmem>>
          %dma_start3A_364 = tpu.memref_squeeze %dma_start3A_363 : memref<1x88xi32, #tpu.memory_space<vmem>> -> memref<88xi32, #tpu.memory_space<vmem>>
          %dma_start3A_365 = arith.constant 0 : i32
          %dma_start3A_366 = arith.constant 0 : i32
          %dma_start3A_367 = tpu.memref_slice %arg3[%dma_start3A_365, %dma_start3A_366] : memref<10000x64xbf16, #tpu.memory_space<hbm>> -> memref<10000x64xbf16, #tpu.memory_space<hbm>>
          tpu.enqueue_indirect_dma source(%dma_start3A_367 : memref<10000x64xbf16, #tpu.memory_space<hbm>>) target(%dma_start3A_361 : memref<88x64xbf16, #tpu.memory_space<vmem>>) offsets(%dma_start3A_364 : memref<88xi32, #tpu.memory_space<vmem>>) semaphore(%arg13 : memref<!tpu.dma_semaphore, #tpu.memory_space<semaphore_mem>>)
        } else {
        }
        %add3A_173 = arith.constant 1 : i32
        %add3A_174 = arith.addi %mul3A_118, %add3A_173 : i32
        %dma_wait3A_175 = arith.constant 1 : i32
        %dma_wait3A_176 = arith.constant 0 : i32
        %dma_wait3A_177 = arith.constant 0 : i32
        %dma_wait3A_178 = tpu.memref_slice %arg6[%dma_wait3A_175, %dma_wait3A_176, %dma_wait3A_177] : memref<4x200x64xbf16, #tpu.memory_space<vmem>> -> memref<1x112x64xbf16, #tpu.memory_space<vmem>>
        %dma_wait3A_179 = tpu.memref_squeeze %dma_wait3A_178 : memref<1x112x64xbf16, #tpu.memory_space<vmem>> -> memref<112x64xbf16, #tpu.memory_space<vmem>>
        %dma_wait3A_180 = arith.constant 0 : i32
        %dma_wait3A_181 = arith.constant 0 : i32
        %dma_wait3A_182 = tpu.memref_slice %arg3[%dma_wait3A_180, %dma_wait3A_181] : memref<10000x64xbf16, #tpu.memory_space<hbm>> -> memref<112x64xbf16, #tpu.memory_space<hbm>>
        %dma_wait3A_183 = arith.constant 0 : i32
        %dma_wait3A_184 = arith.constant 0 : i32
        %dma_wait3A_185 = tpu.memref_slice %arg6[%dma_wait3A_175, %dma_wait3A_183, %dma_wait3A_184] : memref<4x200x64xbf16, #tpu.memory_space<vmem>> -> memref<1x112x64xbf16, #tpu.memory_space<vmem>>
        %dma_wait3A_186 = tpu.memref_squeeze %dma_wait3A_185 : memref<1x112x64xbf16, #tpu.memory_space<vmem>> -> memref<112x64xbf16, #tpu.memory_space<vmem>>
        %dma_wait3A_187 = arith.constant 0 : i32
        %dma_wait3A_188 = arith.constant 0 : i32
        %dma_wait3A_189 = tpu.memref_slice %arg3[%dma_wait3A_187, %dma_wait3A_188] : memref<10000x64xbf16, #tpu.memory_space<hbm>> -> memref<112x64xbf16, #tpu.memory_space<hbm>>
        tpu.wait_dma2 semaphore(%arg10 : memref<!tpu.dma_semaphore, #tpu.memory_space<semaphore_mem>>) src(%dma_wait3A_189 : memref<112x64xbf16, #tpu.memory_space<hbm>>) dst(%dma_wait3A_186 : memref<112x64xbf16, #tpu.memory_space<vmem>>)
        %dma_wait3A_190 = arith.constant 1 : i32
        %dma_wait3A_191 = arith.constant 112 : i32
        %dma_wait3A_192 = arith.constant 0 : i32
        %dma_wait3A_193 = tpu.memref_slice %arg6[%dma_wait3A_190, %dma_wait3A_191, %dma_wait3A_192] : memref<4x200x64xbf16, #tpu.memory_space<vmem>> -> memref<1x88x64xbf16, #tpu.memory_space<vmem>>
        %dma_wait3A_194 = tpu.memref_squeeze %dma_wait3A_193 : memref<1x88x64xbf16, #tpu.memory_space<vmem>> -> memref<88x64xbf16, #tpu.memory_space<vmem>>
        %dma_wait3A_195 = arith.constant 0 : i32
        %dma_wait3A_196 = arith.constant 0 : i32
        %dma_wait3A_197 = tpu.memref_slice %arg3[%dma_wait3A_195, %dma_wait3A_196] : memref<10000x64xbf16, #tpu.memory_space<hbm>> -> memref<88x64xbf16, #tpu.memory_space<hbm>>
        %dma_wait3A_198 = arith.constant 112 : i32
        %dma_wait3A_199 = arith.constant 0 : i32
        %dma_wait3A_200 = tpu.memref_slice %arg6[%dma_wait3A_190, %dma_wait3A_198, %dma_wait3A_199] : memref<4x200x64xbf16, #tpu.memory_space<vmem>> -> memref<1x88x64xbf16, #tpu.memory_space<vmem>>
        %dma_wait3A_201 = tpu.memref_squeeze %dma_wait3A_200 : memref<1x88x64xbf16, #tpu.memory_space<vmem>> -> memref<88x64xbf16, #tpu.memory_space<vmem>>
        %dma_wait3A_202 = arith.constant 0 : i32
        %dma_wait3A_203 = arith.constant 0 : i32
        %dma_wait3A_204 = tpu.memref_slice %arg3[%dma_wait3A_202, %dma_wait3A_203] : memref<10000x64xbf16, #tpu.memory_space<hbm>> -> memref<88x64xbf16, #tpu.memory_space<hbm>>
        tpu.wait_dma2 semaphore(%arg14 : memref<!tpu.dma_semaphore, #tpu.memory_space<semaphore_mem>>) src(%dma_wait3A_204 : memref<88x64xbf16, #tpu.memory_space<hbm>>) dst(%dma_wait3A_201 : memref<88x64xbf16, #tpu.memory_space<vmem>>)
        %scan3A_205 = arith.constant 0 : i32
        %scan3A_206 = arith.constant 10 : i32
        %scan3A_207 = arith.addi %scan3A_205, %scan3A_206 : i32
        %scan3A_208 = arith.constant 1 : i32
        %scan3A_209:4 = scf.for %scan3A_344 = %scan3A_205 to %scan3A_207 step %scan3A_208 iter_args(%scan3A_345 = %broadcast_in_dim3A_3, %scan3A_346 = %broadcast_in_dim3A_3, %scan3A_347 = %broadcast_in_dim3A_3, %scan3A_348 = %broadcast_in_dim3A_3) -> (vector<16xf32>, vector<16xf32>, vector<16xf32>, vector<16xf32>)  : i32 {
          %mul3A_349 = arith.constant 20 : i32
          %mul3A_350 = arith.muli %scan3A_344, %mul3A_349 : i32
          %add3A_351 = arith.constant 0 : i32
          %add3A_352 = arith.addi %mul3A_350, %add3A_351 : i32
          %get3A = arith.constant 1 : i32
          %get3A_353 = arith.index_cast %get3A : i32 to index
          %get3A_354 = arith.index_cast %add3A_352 : i32 to index
          %get3A_355 = arith.constant 0 : index
          %get3A_356 = tpu.vector_load %arg6[%get3A_353, %get3A_354, %get3A_355] {strides = array<i32>} : memref<4x200x64xbf16, #tpu.memory_space<vmem>>, vector<32xbf16>,
          %add3A_357 = arith.constant 1 : i32
          %add3A_358 = arith.addi %add3A_352, %add3A_357 : i32
          %get3A_359 = arith.constant 1 : i32
          %get3A_360 = arith.index_cast %get3A_359 : i32 to index
          %get3A_361 = arith.index_cast %add3A_358 : i32 to index
          %get3A_362 = arith.constant 0 : index
          %get3A_363 = tpu.vector_load %arg6[%get3A_360, %get3A_361, %get3A_362] {strides = array<i32>} : memref<4x200x64xbf16, #tpu.memory_space<vmem>>, vector<32xbf16>,
          %add3A_364 = arith.addf %get3A_356, %get3A_363 : vector<32xbf16>
          %unpack3A = tpu.unpack_subelements %add3A_364, 0 {pack_format = #tpu.pack_format<interleaved>} : vector<32xbf16> -> vector<16xf32>
          %unpack3A_365 = tpu.unpack_subelements %add3A_364, 1 {pack_format = #tpu.pack_format<interleaved>} : vector<32xbf16> -> vector<16xf32>
          %add3A_366 = arith.addf %scan3A_345, %unpack3A : vector<16xf32>
          %add3A_367 = arith.addf %scan3A_346, %unpack3A_365 : vector<16xf32>
          %get3A_368 = arith.constant 1 : i32
          %get3A_369 = arith.index_cast %get3A_368 : i32 to index
          %get3A_370 = arith.index_cast %add3A_352 : i32 to index
          %get3A_371 = arith.constant 32 : index
          %get3A_372 = tpu.vector_load %arg6[%get3A_369, %get3A_370, %get3A_371] {strides = array<i32>} : memref<4x200x64xbf16, #tpu.memory_space<vmem>>, vector<32xbf16>,
          %add3A_373 = arith.constant 1 : i32
          %add3A_374 = arith.addi %add3A_352, %add3A_373 : i32
          %get3A_375 = arith.constant 1 : i32
          %get3A_376 = arith.index_cast %get3A_375 : i32 to index
          %get3A_377 = arith.index_cast %add3A_374 : i32 to index
          %get3A_378 = arith.constant 32 : index
          %get3A_379 = tpu.vector_load %arg6[%get3A_376, %get3A_377, %get3A_378] {strides = array<i32>} : memref<4x200x64xbf16, #tpu.memory_space<vmem>>, vector<32xbf16>,
          %add3A_380 = arith.addf %get3A_372, %get3A_379 : vector<32xbf16>
          %unpack3A_381 = tpu.unpack_subelements %add3A_380, 0 {pack_format = #tpu.pack_format<interleaved>} : vector<32xbf16> -> vector<16xf32>
          %unpack3A_382 = tpu.unpack_subelements %add3A_380, 1 {pack_format = #tpu.pack_format<interleaved>} : vector<32xbf16> -> vector<16xf32>
          %add3A_383 = arith.addf %scan3A_347, %unpack3A_381 : vector<16xf32>
          %add3A_384 = arith.addf %scan3A_348, %unpack3A_382 : vector<16xf32>
          %mul3A_385 = arith.constant 20 : i32
          %mul3A_386 = arith.muli %scan3A_344, %mul3A_385 : i32
          %add3A_387 = arith.constant 2 : i32
          %add3A_388 = arith.addi %mul3A_386, %add3A_387 : i32
          %get3A_389 = arith.constant 1 : i32
          %get3A_390 = arith.index_cast %get3A_389 : i32 to index
          %get3A_391 = arith.index_cast %add3A_388 : i32 to index
          %get3A_392 = arith.constant 0 : index
          %get3A_393 = tpu.vector_load %arg6[%get3A_390, %get3A_391, %get3A_392] {strides = array<i32>} : memref<4x200x64xbf16, #tpu.memory_space<vmem>>, vector<32xbf16>,
          %add3A_394 = arith.constant 1 : i32
          %add3A_395 = arith.addi %add3A_388, %add3A_394 : i32
          %get3A_396 = arith.constant 1 : i32
          %get3A_397 = arith.index_cast %get3A_396 : i32 to index
          %get3A_398 = arith.index_cast %add3A_395 : i32 to index
          %get3A_399 = arith.constant 0 : index
          %get3A_400 = tpu.vector_load %arg6[%get3A_397, %get3A_398, %get3A_399] {strides = array<i32>} : memref<4x200x64xbf16, #tpu.memory_space<vmem>>, vector<32xbf16>,
          %add3A_401 = arith.addf %get3A_393, %get3A_400 : vector<32xbf16>
          %unpack3A_402 = tpu.unpack_subelements %add3A_401, 0 {pack_format = #tpu.pack_format<interleaved>} : vector<32xbf16> -> vector<16xf32>
          %unpack3A_403 = tpu.unpack_subelements %add3A_401, 1 {pack_format = #tpu.pack_format<interleaved>} : vector<32xbf16> -> vector<16xf32>
          %add3A_404 = arith.addf %add3A_366, %unpack3A_402 : vector<16xf32>
          %add3A_405 = arith.addf %add3A_367, %unpack3A_403 : vector<16xf32>
          %get3A_406 = arith.constant 1 : i32
          %get3A_407 = arith.index_cast %get3A_406 : i32 to index
          %get3A_408 = arith.index_cast %add3A_388 : i32 to index
          %get3A_409 = arith.constant 32 : index
          %get3A_410 = tpu.vector_load %arg6[%get3A_407, %get3A_408, %get3A_409] {strides = array<i32>} : memref<4x200x64xbf16, #tpu.memory_space<vmem>>, vector<32xbf16>,
          %add3A_411 = arith.constant 1 : i32
          %add3A_412 = arith.addi %add3A_388, %add3A_411 : i32
          %get3A_413 = arith.constant 1 : i32
          %get3A_414 = arith.index_cast %get3A_413 : i32 to index
          %get3A_415 = arith.index_cast %add3A_412 : i32 to index
          %get3A_416 = arith.constant 32 : index
          %get3A_417 = tpu.vector_load %arg6[%get3A_414, %get3A_415, %get3A_416] {strides = array<i32>} : memref<4x200x64xbf16, #tpu.memory_space<vmem>>, vector<32xbf16>,
          %add3A_418 = arith.addf %get3A_410, %get3A_417 : vector<32xbf16>
          %unpack3A_419 = tpu.unpack_subelements %add3A_418, 0 {pack_format = #tpu.pack_format<interleaved>} : vector<32xbf16> -> vector<16xf32>
          %unpack3A_420 = tpu.unpack_subelements %add3A_418, 1 {pack_format = #tpu.pack_format<interleaved>} : vector<32xbf16> -> vector<16xf32>
          %add3A_421 = arith.addf %add3A_383, %unpack3A_419 : vector<16xf32>
          %add3A_422 = arith.addf %add3A_384, %unpack3A_420 : vector<16xf32>
          %mul3A_423 = arith.constant 20 : i32
          %mul3A_424 = arith.muli %scan3A_344, %mul3A_423 : i32
          %add3A_425 = arith.constant 4 : i32
          %add3A_426 = arith.addi %mul3A_424, %add3A_425 : i32
          %get3A_427 = arith.constant 1 : i32
          %get3A_428 = arith.index_cast %get3A_427 : i32 to index
          %get3A_429 = arith.index_cast %add3A_426 : i32 to index
          %get3A_430 = arith.constant 0 : index
          %get3A_431 = tpu.vector_load %arg6[%get3A_428, %get3A_429, %get3A_430] {strides = array<i32>} : memref<4x200x64xbf16, #tpu.memory_space<vmem>>, vector<32xbf16>,
          %add3A_432 = arith.constant 1 : i32
          %add3A_433 = arith.addi %add3A_426, %add3A_432 : i32
          %get3A_434 = arith.constant 1 : i32
          %get3A_435 = arith.index_cast %get3A_434 : i32 to index
          %get3A_436 = arith.index_cast %add3A_433 : i32 to index
          %get3A_437 = arith.constant 0 : index
          %get3A_438 = tpu.vector_load %arg6[%get3A_435, %get3A_436, %get3A_437] {strides = array<i32>} : memref<4x200x64xbf16, #tpu.memory_space<vmem>>, vector<32xbf16>,
          %add3A_439 = arith.addf %get3A_431, %get3A_438 : vector<32xbf16>
          %unpack3A_440 = tpu.unpack_subelements %add3A_439, 0 {pack_format = #tpu.pack_format<interleaved>} : vector<32xbf16> -> vector<16xf32>
          %unpack3A_441 = tpu.unpack_subelements %add3A_439, 1 {pack_format = #tpu.pack_format<interleaved>} : vector<32xbf16> -> vector<16xf32>
          %add3A_442 = arith.addf %add3A_404, %unpack3A_440 : vector<16xf32>
          %add3A_443 = arith.addf %add3A_405, %unpack3A_441 : vector<16xf32>
          %get3A_444 = arith.constant 1 : i32
          %get3A_445 = arith.index_cast %get3A_444 : i32 to index
          %get3A_446 = arith.index_cast %add3A_426 : i32 to index
          %get3A_447 = arith.constant 32 : index
          %get3A_448 = tpu.vector_load %arg6[%get3A_445, %get3A_446, %get3A_447] {strides = array<i32>} : memref<4x200x64xbf16, #tpu.memory_space<vmem>>, vector<32xbf16>,
          %add3A_449 = arith.constant 1 : i32
          %add3A_450 = arith.addi %add3A_426, %add3A_449 : i32
          %get3A_451 = arith.constant 1 : i32
          %get3A_452 = arith.index_cast %get3A_451 : i32 to index
          %get3A_453 = arith.index_cast %add3A_450 : i32 to index
          %get3A_454 = arith.constant 32 : index
          %get3A_455 = tpu.vector_load %arg6[%get3A_452, %get3A_453, %get3A_454] {strides = array<i32>} : memref<4x200x64xbf16, #tpu.memory_space<vmem>>, vector<32xbf16>,
          %add3A_456 = arith.addf %get3A_448, %get3A_455 : vector<32xbf16>
          %unpack3A_457 = tpu.unpack_subelements %add3A_456, 0 {pack_format = #tpu.pack_format<interleaved>} : vector<32xbf16> -> vector<16xf32>
          %unpack3A_458 = tpu.unpack_subelements %add3A_456, 1 {pack_format = #tpu.pack_format<interleaved>} : vector<32xbf16> -> vector<16xf32>
          %add3A_459 = arith.addf %add3A_421, %unpack3A_457 : vector<16xf32>
          %add3A_460 = arith.addf %add3A_422, %unpack3A_458 : vector<16xf32>
          %mul3A_461 = arith.constant 20 : i32
          %mul3A_462 = arith.muli %scan3A_344, %mul3A_461 : i32
          %add3A_463 = arith.constant 6 : i32
          %add3A_464 = arith.addi %mul3A_462, %add3A_463 : i32
          %get3A_465 = arith.constant 1 : i32
          %get3A_466 = arith.index_cast %get3A_465 : i32 to index
          %get3A_467 = arith.index_cast %add3A_464 : i32 to index
          %get3A_468 = arith.constant 0 : index
          %get3A_469 = tpu.vector_load %arg6[%get3A_466, %get3A_467, %get3A_468] {strides = array<i32>} : memref<4x200x64xbf16, #tpu.memory_space<vmem>>, vector<32xbf16>,
          %add3A_470 = arith.constant 1 : i32
          %add3A_471 = arith.addi %add3A_464, %add3A_470 : i32
          %get3A_472 = arith.constant 1 : i32
          %get3A_473 = arith.index_cast %get3A_472 : i32 to index
          %get3A_474 = arith.index_cast %add3A_471 : i32 to index
          %get3A_475 = arith.constant 0 : index
          %get3A_476 = tpu.vector_load %arg6[%get3A_473, %get3A_474, %get3A_475] {strides = array<i32>} : memref<4x200x64xbf16, #tpu.memory_space<vmem>>, vector<32xbf16>,
          %add3A_477 = arith.addf %get3A_469, %get3A_476 : vector<32xbf16>
          %unpack3A_478 = tpu.unpack_subelements %add3A_477, 0 {pack_format = #tpu.pack_format<interleaved>} : vector<32xbf16> -> vector<16xf32>
          %unpack3A_479 = tpu.unpack_subelements %add3A_477, 1 {pack_format = #tpu.pack_format<interleaved>} : vector<32xbf16> -> vector<16xf32>
          %add3A_480 = arith.addf %add3A_442, %unpack3A_478 : vector<16xf32>
          %add3A_481 = arith.addf %add3A_443, %unpack3A_479 : vector<16xf32>
          %get3A_482 = arith.constant 1 : i32
          %get3A_483 = arith.index_cast %get3A_482 : i32 to index
          %get3A_484 = arith.index_cast %add3A_464 : i32 to index
          %get3A_485 = arith.constant 32 : index
          %get3A_486 = tpu.vector_load %arg6[%get3A_483, %get3A_484, %get3A_485] {strides = array<i32>} : memref<4x200x64xbf16, #tpu.memory_space<vmem>>, vector<32xbf16>,
          %add3A_487 = arith.constant 1 : i32
          %add3A_488 = arith.addi %add3A_464, %add3A_487 : i32
          %get3A_489 = arith.constant 1 : i32
          %get3A_490 = arith.index_cast %get3A_489 : i32 to index
          %get3A_491 = arith.index_cast %add3A_488 : i32 to index
          %get3A_492 = arith.constant 32 : index
          %get3A_493 = tpu.vector_load %arg6[%get3A_490, %get3A_491, %get3A_492] {strides = array<i32>} : memref<4x200x64xbf16, #tpu.memory_space<vmem>>, vector<32xbf16>,
          %add3A_494 = arith.addf %get3A_486, %get3A_493 : vector<32xbf16>
          %unpack3A_495 = tpu.unpack_subelements %add3A_494, 0 {pack_format = #tpu.pack_format<interleaved>} : vector<32xbf16> -> vector<16xf32>
          %unpack3A_496 = tpu.unpack_subelements %add3A_494, 1 {pack_format = #tpu.pack_format<interleaved>} : vector<32xbf16> -> vector<16xf32>
          %add3A_497 = arith.addf %add3A_459, %unpack3A_495 : vector<16xf32>
          %add3A_498 = arith.addf %add3A_460, %unpack3A_496 : vector<16xf32>
          %mul3A_499 = arith.constant 20 : i32
          %mul3A_500 = arith.muli %scan3A_344, %mul3A_499 : i32
          %add3A_501 = arith.constant 8 : i32
          %add3A_502 = arith.addi %mul3A_500, %add3A_501 : i32
          %get3A_503 = arith.constant 1 : i32
          %get3A_504 = arith.index_cast %get3A_503 : i32 to index
          %get3A_505 = arith.index_cast %add3A_502 : i32 to index
          %get3A_506 = arith.constant 0 : index
          %get3A_507 = tpu.vector_load %arg6[%get3A_504, %get3A_505, %get3A_506] {strides = array<i32>} : memref<4x200x64xbf16, #tpu.memory_space<vmem>>, vector<32xbf16>,
          %add3A_508 = arith.constant 1 : i32
          %add3A_509 = arith.addi %add3A_502, %add3A_508 : i32
          %get3A_510 = arith.constant 1 : i32
          %get3A_511 = arith.index_cast %get3A_510 : i32 to index
          %get3A_512 = arith.index_cast %add3A_509 : i32 to index
          %get3A_513 = arith.constant 0 : index
          %get3A_514 = tpu.vector_load %arg6[%get3A_511, %get3A_512, %get3A_513] {strides = array<i32>} : memref<4x200x64xbf16, #tpu.memory_space<vmem>>, vector<32xbf16>,
          %add3A_515 = arith.addf %get3A_507, %get3A_514 : vector<32xbf16>
          %unpack3A_516 = tpu.unpack_subelements %add3A_515, 0 {pack_format = #tpu.pack_format<interleaved>} : vector<32xbf16> -> vector<16xf32>
          %unpack3A_517 = tpu.unpack_subelements %add3A_515, 1 {pack_format = #tpu.pack_format<interleaved>} : vector<32xbf16> -> vector<16xf32>
          %add3A_518 = arith.addf %add3A_480, %unpack3A_516 : vector<16xf32>
          %add3A_519 = arith.addf %add3A_481, %unpack3A_517 : vector<16xf32>
          %get3A_520 = arith.constant 1 : i32
          %get3A_521 = arith.index_cast %get3A_520 : i32 to index
          %get3A_522 = arith.index_cast %add3A_502 : i32 to index
          %get3A_523 = arith.constant 32 : index
          %get3A_524 = tpu.vector_load %arg6[%get3A_521, %get3A_522, %get3A_523] {strides = array<i32>} : memref<4x200x64xbf16, #tpu.memory_space<vmem>>, vector<32xbf16>,
          %add3A_525 = arith.constant 1 : i32
          %add3A_526 = arith.addi %add3A_502, %add3A_525 : i32
          %get3A_527 = arith.constant 1 : i32
          %get3A_528 = arith.index_cast %get3A_527 : i32 to index
          %get3A_529 = arith.index_cast %add3A_526 : i32 to index
          %get3A_530 = arith.constant 32 : index
          %get3A_531 = tpu.vector_load %arg6[%get3A_528, %get3A_529, %get3A_530] {strides = array<i32>} : memref<4x200x64xbf16, #tpu.memory_space<vmem>>, vector<32xbf16>,
          %add3A_532 = arith.addf %get3A_524, %get3A_531 : vector<32xbf16>
          %unpack3A_533 = tpu.unpack_subelements %add3A_532, 0 {pack_format = #tpu.pack_format<interleaved>} : vector<32xbf16> -> vector<16xf32>
          %unpack3A_534 = tpu.unpack_subelements %add3A_532, 1 {pack_format = #tpu.pack_format<interleaved>} : vector<32xbf16> -> vector<16xf32>
          %add3A_535 = arith.addf %add3A_497, %unpack3A_533 : vector<16xf32>
          %add3A_536 = arith.addf %add3A_498, %unpack3A_534 : vector<16xf32>
          %mul3A_537 = arith.constant 20 : i32
          %mul3A_538 = arith.muli %scan3A_344, %mul3A_537 : i32
          %add3A_539 = arith.constant 10 : i32
          %add3A_540 = arith.addi %mul3A_538, %add3A_539 : i32
          %get3A_541 = arith.constant 1 : i32
          %get3A_542 = arith.index_cast %get3A_541 : i32 to index
          %get3A_543 = arith.index_cast %add3A_540 : i32 to index
          %get3A_544 = arith.constant 0 : index
          %get3A_545 = tpu.vector_load %arg6[%get3A_542, %get3A_543, %get3A_544] {strides = array<i32>} : memref<4x200x64xbf16, #tpu.memory_space<vmem>>, vector<32xbf16>,
          %add3A_546 = arith.constant 1 : i32
          %add3A_547 = arith.addi %add3A_540, %add3A_546 : i32
          %get3A_548 = arith.constant 1 : i32
          %get3A_549 = arith.index_cast %get3A_548 : i32 to index
          %get3A_550 = arith.index_cast %add3A_547 : i32 to index
          %get3A_551 = arith.constant 0 : index
          %get3A_552 = tpu.vector_load %arg6[%get3A_549, %get3A_550, %get3A_551] {strides = array<i32>} : memref<4x200x64xbf16, #tpu.memory_space<vmem>>, vector<32xbf16>,
          %add3A_553 = arith.addf %get3A_545, %get3A_552 : vector<32xbf16>
          %unpack3A_554 = tpu.unpack_subelements %add3A_553, 0 {pack_format = #tpu.pack_format<interleaved>} : vector<32xbf16> -> vector<16xf32>
          %unpack3A_555 = tpu.unpack_subelements %add3A_553, 1 {pack_format = #tpu.pack_format<interleaved>} : vector<32xbf16> -> vector<16xf32>
          %add3A_556 = arith.addf %add3A_518, %unpack3A_554 : vector<16xf32>
          %add3A_557 = arith.addf %add3A_519, %unpack3A_555 : vector<16xf32>
          %get3A_558 = arith.constant 1 : i32
          %get3A_559 = arith.index_cast %get3A_558 : i32 to index
          %get3A_560 = arith.index_cast %add3A_540 : i32 to index
          %get3A_561 = arith.constant 32 : index
          %get3A_562 = tpu.vector_load %arg6[%get3A_559, %get3A_560, %get3A_561] {strides = array<i32>} : memref<4x200x64xbf16, #tpu.memory_space<vmem>>, vector<32xbf16>,
          %add3A_563 = arith.constant 1 : i32
          %add3A_564 = arith.addi %add3A_540, %add3A_563 : i32
          %get3A_565 = arith.constant 1 : i32
          %get3A_566 = arith.index_cast %get3A_565 : i32 to index
          %get3A_567 = arith.index_cast %add3A_564 : i32 to index
          %get3A_568 = arith.constant 32 : index
          %get3A_569 = tpu.vector_load %arg6[%get3A_566, %get3A_567, %get3A_568] {strides = array<i32>} : memref<4x200x64xbf16, #tpu.memory_space<vmem>>, vector<32xbf16>,
          %add3A_570 = arith.addf %get3A_562, %get3A_569 : vector<32xbf16>
          %unpack3A_571 = tpu.unpack_subelements %add3A_570, 0 {pack_format = #tpu.pack_format<interleaved>} : vector<32xbf16> -> vector<16xf32>
          %unpack3A_572 = tpu.unpack_subelements %add3A_570, 1 {pack_format = #tpu.pack_format<interleaved>} : vector<32xbf16> -> vector<16xf32>
          %add3A_573 = arith.addf %add3A_535, %unpack3A_571 : vector<16xf32>
          %add3A_574 = arith.addf %add3A_536, %unpack3A_572 : vector<16xf32>
          %mul3A_575 = arith.constant 20 : i32
          %mul3A_576 = arith.muli %scan3A_344, %mul3A_575 : i32
          %add3A_577 = arith.constant 12 : i32
          %add3A_578 = arith.addi %mul3A_576, %add3A_577 : i32
          %get3A_579 = arith.constant 1 : i32
          %get3A_580 = arith.index_cast %get3A_579 : i32 to index
          %get3A_581 = arith.index_cast %add3A_578 : i32 to index
          %get3A_582 = arith.constant 0 : index
          %get3A_583 = tpu.vector_load %arg6[%get3A_580, %get3A_581, %get3A_582] {strides = array<i32>} : memref<4x200x64xbf16, #tpu.memory_space<vmem>>, vector<32xbf16>,
          %add3A_584 = arith.constant 1 : i32
          %add3A_585 = arith.addi %add3A_578, %add3A_584 : i32
          %get3A_586 = arith.constant 1 : i32
          %get3A_587 = arith.index_cast %get3A_586 : i32 to index
          %get3A_588 = arith.index_cast %add3A_585 : i32 to index
          %get3A_589 = arith.constant 0 : index
          %get3A_590 = tpu.vector_load %arg6[%get3A_587, %get3A_588, %get3A_589] {strides = array<i32>} : memref<4x200x64xbf16, #tpu.memory_space<vmem>>, vector<32xbf16>,
          %add3A_591 = arith.addf %get3A_583, %get3A_590 : vector<32xbf16>
          %unpack3A_592 = tpu.unpack_subelements %add3A_591, 0 {pack_format = #tpu.pack_format<interleaved>} : vector<32xbf16> -> vector<16xf32>
          %unpack3A_593 = tpu.unpack_subelements %add3A_591, 1 {pack_format = #tpu.pack_format<interleaved>} : vector<32xbf16> -> vector<16xf32>
          %add3A_594 = arith.addf %add3A_556, %unpack3A_592 : vector<16xf32>
          %add3A_595 = arith.addf %add3A_557, %unpack3A_593 : vector<16xf32>
          %get3A_596 = arith.constant 1 : i32
          %get3A_597 = arith.index_cast %get3A_596 : i32 to index
          %get3A_598 = arith.index_cast %add3A_578 : i32 to index
          %get3A_599 = arith.constant 32 : index
          %get3A_600 = tpu.vector_load %arg6[%get3A_597, %get3A_598, %get3A_599] {strides = array<i32>} : memref<4x200x64xbf16, #tpu.memory_space<vmem>>, vector<32xbf16>,
          %add3A_601 = arith.constant 1 : i32
          %add3A_602 = arith.addi %add3A_578, %add3A_601 : i32
          %get3A_603 = arith.constant 1 : i32
          %get3A_604 = arith.index_cast %get3A_603 : i32 to index
          %get3A_605 = arith.index_cast %add3A_602 : i32 to index
          %get3A_606 = arith.constant 32 : index
          %get3A_607 = tpu.vector_load %arg6[%get3A_604, %get3A_605, %get3A_606] {strides = array<i32>} : memref<4x200x64xbf16, #tpu.memory_space<vmem>>, vector<32xbf16>,
          %add3A_608 = arith.addf %get3A_600, %get3A_607 : vector<32xbf16>
          %unpack3A_609 = tpu.unpack_subelements %add3A_608, 0 {pack_format = #tpu.pack_format<interleaved>} : vector<32xbf16> -> vector<16xf32>
          %unpack3A_610 = tpu.unpack_subelements %add3A_608, 1 {pack_format = #tpu.pack_format<interleaved>} : vector<32xbf16> -> vector<16xf32>
          %add3A_611 = arith.addf %add3A_573, %unpack3A_609 : vector<16xf32>
          %add3A_612 = arith.addf %add3A_574, %unpack3A_610 : vector<16xf32>
          %mul3A_613 = arith.constant 20 : i32
          %mul3A_614 = arith.muli %scan3A_344, %mul3A_613 : i32
          %add3A_615 = arith.constant 14 : i32
          %add3A_616 = arith.addi %mul3A_614, %add3A_615 : i32
          %get3A_617 = arith.constant 1 : i32
          %get3A_618 = arith.index_cast %get3A_617 : i32 to index
          %get3A_619 = arith.index_cast %add3A_616 : i32 to index
          %get3A_620 = arith.constant 0 : index
          %get3A_621 = tpu.vector_load %arg6[%get3A_618, %get3A_619, %get3A_620] {strides = array<i32>} : memref<4x200x64xbf16, #tpu.memory_space<vmem>>, vector<32xbf16>,
          %add3A_622 = arith.constant 1 : i32
          %add3A_623 = arith.addi %add3A_616, %add3A_622 : i32
          %get3A_624 = arith.constant 1 : i32
          %get3A_625 = arith.index_cast %get3A_624 : i32 to index
          %get3A_626 = arith.index_cast %add3A_623 : i32 to index
          %get3A_627 = arith.constant 0 : index
          %get3A_628 = tpu.vector_load %arg6[%get3A_625, %get3A_626, %get3A_627] {strides = array<i32>} : memref<4x200x64xbf16, #tpu.memory_space<vmem>>, vector<32xbf16>,
          %add3A_629 = arith.addf %get3A_621, %get3A_628 : vector<32xbf16>
          %unpack3A_630 = tpu.unpack_subelements %add3A_629, 0 {pack_format = #tpu.pack_format<interleaved>} : vector<32xbf16> -> vector<16xf32>
          %unpack3A_631 = tpu.unpack_subelements %add3A_629, 1 {pack_format = #tpu.pack_format<interleaved>} : vector<32xbf16> -> vector<16xf32>
          %add3A_632 = arith.addf %add3A_594, %unpack3A_630 : vector<16xf32>
          %add3A_633 = arith.addf %add3A_595, %unpack3A_631 : vector<16xf32>
          %get3A_634 = arith.constant 1 : i32
          %get3A_635 = arith.index_cast %get3A_634 : i32 to index
          %get3A_636 = arith.index_cast %add3A_616 : i32 to index
          %get3A_637 = arith.constant 32 : index
          %get3A_638 = tpu.vector_load %arg6[%get3A_635, %get3A_636, %get3A_637] {strides = array<i32>} : memref<4x200x64xbf16, #tpu.memory_space<vmem>>, vector<32xbf16>,
          %add3A_639 = arith.constant 1 : i32
          %add3A_640 = arith.addi %add3A_616, %add3A_639 : i32
          %get3A_641 = arith.constant 1 : i32
          %get3A_642 = arith.index_cast %get3A_641 : i32 to index
          %get3A_643 = arith.index_cast %add3A_640 : i32 to index
          %get3A_644 = arith.constant 32 : index
          %get3A_645 = tpu.vector_load %arg6[%get3A_642, %get3A_643, %get3A_644] {strides = array<i32>} : memref<4x200x64xbf16, #tpu.memory_space<vmem>>, vector<32xbf16>,
          %add3A_646 = arith.addf %get3A_638, %get3A_645 : vector<32xbf16>
          %unpack3A_647 = tpu.unpack_subelements %add3A_646, 0 {pack_format = #tpu.pack_format<interleaved>} : vector<32xbf16> -> vector<16xf32>
          %unpack3A_648 = tpu.unpack_subelements %add3A_646, 1 {pack_format = #tpu.pack_format<interleaved>} : vector<32xbf16> -> vector<16xf32>
          %add3A_649 = arith.addf %add3A_611, %unpack3A_647 : vector<16xf32>
          %add3A_650 = arith.addf %add3A_612, %unpack3A_648 : vector<16xf32>
          %mul3A_651 = arith.constant 20 : i32
          %mul3A_652 = arith.muli %scan3A_344, %mul3A_651 : i32
          %add3A_653 = arith.constant 16 : i32
          %add3A_654 = arith.addi %mul3A_652, %add3A_653 : i32
          %get3A_655 = arith.constant 1 : i32
          %get3A_656 = arith.index_cast %get3A_655 : i32 to index
          %get3A_657 = arith.index_cast %add3A_654 : i32 to index
          %get3A_658 = arith.constant 0 : index
          %get3A_659 = tpu.vector_load %arg6[%get3A_656, %get3A_657, %get3A_658] {strides = array<i32>} : memref<4x200x64xbf16, #tpu.memory_space<vmem>>, vector<32xbf16>,
          %add3A_660 = arith.constant 1 : i32
          %add3A_661 = arith.addi %add3A_654, %add3A_660 : i32
          %get3A_662 = arith.constant 1 : i32
          %get3A_663 = arith.index_cast %get3A_662 : i32 to index
          %get3A_664 = arith.index_cast %add3A_661 : i32 to index
          %get3A_665 = arith.constant 0 : index
          %get3A_666 = tpu.vector_load %arg6[%get3A_663, %get3A_664, %get3A_665] {strides = array<i32>} : memref<4x200x64xbf16, #tpu.memory_space<vmem>>, vector<32xbf16>,
          %add3A_667 = arith.addf %get3A_659, %get3A_666 : vector<32xbf16>
          %unpack3A_668 = tpu.unpack_subelements %add3A_667, 0 {pack_format = #tpu.pack_format<interleaved>} : vector<32xbf16> -> vector<16xf32>
          %unpack3A_669 = tpu.unpack_subelements %add3A_667, 1 {pack_format = #tpu.pack_format<interleaved>} : vector<32xbf16> -> vector<16xf32>
          %add3A_670 = arith.addf %add3A_632, %unpack3A_668 : vector<16xf32>
          %add3A_671 = arith.addf %add3A_633, %unpack3A_669 : vector<16xf32>
          %get3A_672 = arith.constant 1 : i32
          %get3A_673 = arith.index_cast %get3A_672 : i32 to index
          %get3A_674 = arith.index_cast %add3A_654 : i32 to index
          %get3A_675 = arith.constant 32 : index
          %get3A_676 = tpu.vector_load %arg6[%get3A_673, %get3A_674, %get3A_675] {strides = array<i32>} : memref<4x200x64xbf16, #tpu.memory_space<vmem>>, vector<32xbf16>,
          %add3A_677 = arith.constant 1 : i32
          %add3A_678 = arith.addi %add3A_654, %add3A_677 : i32
          %get3A_679 = arith.constant 1 : i32
          %get3A_680 = arith.index_cast %get3A_679 : i32 to index
          %get3A_681 = arith.index_cast %add3A_678 : i32 to index
          %get3A_682 = arith.constant 32 : index
          %get3A_683 = tpu.vector_load %arg6[%get3A_680, %get3A_681, %get3A_682] {strides = array<i32>} : memref<4x200x64xbf16, #tpu.memory_space<vmem>>, vector<32xbf16>,
          %add3A_684 = arith.addf %get3A_676, %get3A_683 : vector<32xbf16>
          %unpack3A_685 = tpu.unpack_subelements %add3A_684, 0 {pack_format = #tpu.pack_format<interleaved>} : vector<32xbf16> -> vector<16xf32>
          %unpack3A_686 = tpu.unpack_subelements %add3A_684, 1 {pack_format = #tpu.pack_format<interleaved>} : vector<32xbf16> -> vector<16xf32>
          %add3A_687 = arith.addf %add3A_649, %unpack3A_685 : vector<16xf32>
          %add3A_688 = arith.addf %add3A_650, %unpack3A_686 : vector<16xf32>
          %mul3A_689 = arith.constant 20 : i32
          %mul3A_690 = arith.muli %scan3A_344, %mul3A_689 : i32
          %add3A_691 = arith.constant 18 : i32
          %add3A_692 = arith.addi %mul3A_690, %add3A_691 : i32
          %get3A_693 = arith.constant 1 : i32
          %get3A_694 = arith.index_cast %get3A_693 : i32 to index
          %get3A_695 = arith.index_cast %add3A_692 : i32 to index
          %get3A_696 = arith.constant 0 : index
          %get3A_697 = tpu.vector_load %arg6[%get3A_694, %get3A_695, %get3A_696] {strides = array<i32>} : memref<4x200x64xbf16, #tpu.memory_space<vmem>>, vector<32xbf16>,
          %add3A_698 = arith.constant 1 : i32
          %add3A_699 = arith.addi %add3A_692, %add3A_698 : i32
          %get3A_700 = arith.constant 1 : i32
          %get3A_701 = arith.index_cast %get3A_700 : i32 to index
          %get3A_702 = arith.index_cast %add3A_699 : i32 to index
          %get3A_703 = arith.constant 0 : index
          %get3A_704 = tpu.vector_load %arg6[%get3A_701, %get3A_702, %get3A_703] {strides = array<i32>} : memref<4x200x64xbf16, #tpu.memory_space<vmem>>, vector<32xbf16>,
          %add3A_705 = arith.addf %get3A_697, %get3A_704 : vector<32xbf16>
          %unpack3A_706 = tpu.unpack_subelements %add3A_705, 0 {pack_format = #tpu.pack_format<interleaved>} : vector<32xbf16> -> vector<16xf32>
          %unpack3A_707 = tpu.unpack_subelements %add3A_705, 1 {pack_format = #tpu.pack_format<interleaved>} : vector<32xbf16> -> vector<16xf32>
          %add3A_708 = arith.addf %add3A_670, %unpack3A_706 : vector<16xf32>
          %add3A_709 = arith.addf %add3A_671, %unpack3A_707 : vector<16xf32>
          %get3A_710 = arith.constant 1 : i32
          %get3A_711 = arith.index_cast %get3A_710 : i32 to index
          %get3A_712 = arith.index_cast %add3A_692 : i32 to index
          %get3A_713 = arith.constant 32 : index
          %get3A_714 = tpu.vector_load %arg6[%get3A_711, %get3A_712, %get3A_713] {strides = array<i32>} : memref<4x200x64xbf16, #tpu.memory_space<vmem>>, vector<32xbf16>,
          %add3A_715 = arith.constant 1 : i32
          %add3A_716 = arith.addi %add3A_692, %add3A_715 : i32
          %get3A_717 = arith.constant 1 : i32
          %get3A_718 = arith.index_cast %get3A_717 : i32 to index
          %get3A_719 = arith.index_cast %add3A_716 : i32 to index
          %get3A_720 = arith.constant 32 : index
          %get3A_721 = tpu.vector_load %arg6[%get3A_718, %get3A_719, %get3A_720] {strides = array<i32>} : memref<4x200x64xbf16, #tpu.memory_space<vmem>>, vector<32xbf16>,
          %add3A_722 = arith.addf %get3A_714, %get3A_721 : vector<32xbf16>
          %unpack3A_723 = tpu.unpack_subelements %add3A_722, 0 {pack_format = #tpu.pack_format<interleaved>} : vector<32xbf16> -> vector<16xf32>
          %unpack3A_724 = tpu.unpack_subelements %add3A_722, 1 {pack_format = #tpu.pack_format<interleaved>} : vector<32xbf16> -> vector<16xf32>
          %add3A_725 = arith.addf %add3A_687, %unpack3A_723 : vector<16xf32>
          %add3A_726 = arith.addf %add3A_688, %unpack3A_724 : vector<16xf32>
          scf.yield %add3A_708, %add3A_709, %add3A_725, %add3A_726 : vector<16xf32>, vector<16xf32>, vector<16xf32>, vector<16xf32>
        }
        %scan3A_210 = arith.constant 10 : i32
        %swap3A_211 = arith.index_cast %add3A_174 : i32 to index
        %swap3A_212 = arith.constant 0 : index
        %swap3A_213 = tpu.vector_load %arg7[%swap3A_211, %swap3A_212] {strides = array<i32>} : memref<128x64xf32, #tpu.memory_space<vmem>>, vector<16xf32>,
        tpu.vector_store %arg7[%swap3A_211, %swap3A_212], %scan3A_209#0 {strides = array<i32>} : memref<128x64xf32, #tpu.memory_space<vmem>>, vector<16xf32>,
        %swap3A_214 = arith.index_cast %add3A_174 : i32 to index
        %swap3A_215 = arith.constant 16 : index
        %swap3A_216 = tpu.vector_load %arg7[%swap3A_214, %swap3A_215] {strides = array<i32>} : memref<128x64xf32, #tpu.memory_space<vmem>>, vector<16xf32>,
        tpu.vector_store %arg7[%swap3A_214, %swap3A_215], %scan3A_209#1 {strides = array<i32>} : memref<128x64xf32, #tpu.memory_space<vmem>>, vector<16xf32>,
        %swap3A_217 = arith.index_cast %add3A_174 : i32 to index
        %swap3A_218 = arith.constant 32 : index
        %swap3A_219 = tpu.vector_load %arg7[%swap3A_217, %swap3A_218] {strides = array<i32>} : memref<128x64xf32, #tpu.memory_space<vmem>>, vector<16xf32>,
        tpu.vector_store %arg7[%swap3A_217, %swap3A_218], %scan3A_209#2 {strides = array<i32>} : memref<128x64xf32, #tpu.memory_space<vmem>>, vector<16xf32>,
        %swap3A_220 = arith.index_cast %add3A_174 : i32 to index
        %swap3A_221 = arith.constant 48 : index
        %swap3A_222 = tpu.vector_load %arg7[%swap3A_220, %swap3A_221] {strides = array<i32>} : memref<128x64xf32, #tpu.memory_space<vmem>>, vector<16xf32>,
        tpu.vector_store %arg7[%swap3A_220, %swap3A_221], %scan3A_209#3 {strides = array<i32>} : memref<128x64xf32, #tpu.memory_space<vmem>>, vector<16xf32>,
        %add3A_223 = arith.constant 4 : i32
        %add3A_224 = arith.addi %add3A_174, %add3A_223 : i32
        %lt3A_225 = arith.constant 128 : i32
        %lt3A_226 = arith.cmpi slt, %add3A_224, %lt3A_225 : i32
        %convert_element_type3A_227 = arith.extui %lt3A_226 : i1 to i32
        %cond3A_228 = arith.constant 0 : i32
        %cond3A_229 = arith.cmpi ne, %convert_element_type3A_227, %cond3A_228 : i32
        scf.if %cond3A_229 {
          %add3A_344 = arith.constant 4 : i32
          %add3A_345 = arith.addi %add3A_174, %add3A_344 : i32
          %dma_start3A_346 = arith.constant 1 : i32
          %dma_start3A_347 = arith.constant 0 : i32
          %dma_start3A_348 = arith.constant 0 : i32
          %dma_start3A_349 = tpu.memref_slice %arg6[%dma_start3A_346, %dma_start3A_347, %dma_start3A_348] : memref<4x200x64xbf16, #tpu.memory_space<vmem>> -> memref<1x112x64xbf16, #tpu.memory_space<vmem>>
          %dma_start3A_350 = tpu.memref_squeeze %dma_start3A_349 : memref<1x112x64xbf16, #tpu.memory_space<vmem>> -> memref<112x64xbf16, #tpu.memory_space<vmem>>
          %dma_start3A_351 = arith.constant 0 : i32
          %dma_start3A_352 = tpu.memref_slice %arg5[%add3A_345, %dma_start3A_351] : memref<128x200xi32, #tpu.memory_space<vmem>> -> memref<1x112xi32, #tpu.memory_space<vmem>>
          %dma_start3A_353 = tpu.memref_squeeze %dma_start3A_352 : memref<1x112xi32, #tpu.memory_space<vmem>> -> memref<112xi32, #tpu.memory_space<vmem>>
          %dma_start3A_354 = arith.constant 0 : i32
          %dma_start3A_355 = arith.constant 0 : i32
          %dma_start3A_356 = tpu.memref_slice %arg8[%dma_start3A_354, %dma_start3A_355] : memref<10000x64xbf16, #tpu.memory_space<vmem_shared>> -> memref<10000x64xbf16, #tpu.memory_space<vmem_shared>>
          tpu.enqueue_indirect_dma source(%dma_start3A_356 : memref<10000x64xbf16, #tpu.memory_space<vmem_shared>>) target(%dma_start3A_350 : memref<112x64xbf16, #tpu.memory_space<vmem>>) offsets(%dma_start3A_353 : memref<112xi32, #tpu.memory_space<vmem>>) semaphore(%arg10 : memref<!tpu.dma_semaphore, #tpu.memory_space<semaphore_mem>>)
          %dma_start3A_357 = arith.constant 1 : i32
          %dma_start3A_358 = arith.constant 112 : i32
          %dma_start3A_359 = arith.constant 0 : i32
          %dma_start3A_360 = tpu.memref_slice %arg6[%dma_start3A_357, %dma_start3A_358, %dma_start3A_359] : memref<4x200x64xbf16, #tpu.memory_space<vmem>> -> memref<1x88x64xbf16, #tpu.memory_space<vmem>>
          %dma_start3A_361 = tpu.memref_squeeze %dma_start3A_360 : memref<1x88x64xbf16, #tpu.memory_space<vmem>> -> memref<88x64xbf16, #tpu.memory_space<vmem>>
          %dma_start3A_362 = arith.constant 112 : i32
          %dma_start3A_363 = tpu.memref_slice %arg5[%add3A_345, %dma_start3A_362] : memref<128x200xi32, #tpu.memory_space<vmem>> -> memref<1x88xi32, #tpu.memory_space<vmem>>
          %dma_start3A_364 = tpu.memref_squeeze %dma_start3A_363 : memref<1x88xi32, #tpu.memory_space<vmem>> -> memref<88xi32, #tpu.memory_space<vmem>>
          %dma_start3A_365 = arith.constant 0 : i32
          %dma_start3A_366 = arith.constant 0 : i32
          %dma_start3A_367 = tpu.memref_slice %arg3[%dma_start3A_365, %dma_start3A_366] : memref<10000x64xbf16, #tpu.memory_space<hbm>> -> memref<10000x64xbf16, #tpu.memory_space<hbm>>
          tpu.enqueue_indirect_dma source(%dma_start3A_367 : memref<10000x64xbf16, #tpu.memory_space<hbm>>) target(%dma_start3A_361 : memref<88x64xbf16, #tpu.memory_space<vmem>>) offsets(%dma_start3A_364 : memref<88xi32, #tpu.memory_space<vmem>>) semaphore(%arg14 : memref<!tpu.dma_semaphore, #tpu.memory_space<semaphore_mem>>)
        } else {
        }
        %add3A_230 = arith.constant 2 : i32
        %add3A_231 = arith.addi %mul3A_118, %add3A_230 : i32
        %dma_wait3A_232 = arith.constant 2 : i32
        %dma_wait3A_233 = arith.constant 0 : i32
        %dma_wait3A_234 = arith.constant 0 : i32
        %dma_wait3A_235 = tpu.memref_slice %arg6[%dma_wait3A_232, %dma_wait3A_233, %dma_wait3A_234] : memref<4x200x64xbf16, #tpu.memory_space<vmem>> -> memref<1x112x64xbf16, #tpu.memory_space<vmem>>
        %dma_wait3A_236 = tpu.memref_squeeze %dma_wait3A_235 : memref<1x112x64xbf16, #tpu.memory_space<vmem>> -> memref<112x64xbf16, #tpu.memory_space<vmem>>
        %dma_wait3A_237 = arith.constant 0 : i32
        %dma_wait3A_238 = arith.constant 0 : i32
        %dma_wait3A_239 = tpu.memref_slice %arg3[%dma_wait3A_237, %dma_wait3A_238] : memref<10000x64xbf16, #tpu.memory_space<hbm>> -> memref<112x64xbf16, #tpu.memory_space<hbm>>
        %dma_wait3A_240 = arith.constant 0 : i32
        %dma_wait3A_241 = arith.constant 0 : i32
        %dma_wait3A_242 = tpu.memref_slice %arg6[%dma_wait3A_232, %dma_wait3A_240, %dma_wait3A_241] : memref<4x200x64xbf16, #tpu.memory_space<vmem>> -> memref<1x112x64xbf16, #tpu.memory_space<vmem>>
        %dma_wait3A_243 = tpu.memref_squeeze %dma_wait3A_242 : memref<1x112x64xbf16, #tpu.memory_space<vmem>> -> memref<112x64xbf16, #tpu.memory_space<vmem>>
        %dma_wait3A_244 = arith.constant 0 : i32
        %dma_wait3A_245 = arith.constant 0 : i32
        %dma_wait3A_246 = tpu.memref_slice %arg3[%dma_wait3A_244, %dma_wait3A_245] : memref<10000x64xbf16, #tpu.memory_space<hbm>> -> memref<112x64xbf16, #tpu.memory_space<hbm>>
        tpu.wait_dma2 semaphore(%arg11 : memref<!tpu.dma_semaphore, #tpu.memory_space<semaphore_mem>>) src(%dma_wait3A_246 : memref<112x64xbf16, #tpu.memory_space<hbm>>) dst(%dma_wait3A_243 : memref<112x64xbf16, #tpu.memory_space<vmem>>)
        %dma_wait3A_247 = arith.constant 2 : i32
        %dma_wait3A_248 = arith.constant 112 : i32
        %dma_wait3A_249 = arith.constant 0 : i32
        %dma_wait3A_250 = tpu.memref_slice %arg6[%dma_wait3A_247, %dma_wait3A_248, %dma_wait3A_249] : memref<4x200x64xbf16, #tpu.memory_space<vmem>> -> memref<1x88x64xbf16, #tpu.memory_space<vmem>>
        %dma_wait3A_251 = tpu.memref_squeeze %dma_wait3A_250 : memref<1x88x64xbf16, #tpu.memory_space<vmem>> -> memref<88x64xbf16, #tpu.memory_space<vmem>>
        %dma_wait3A_252 = arith.constant 0 : i32
        %dma_wait3A_253 = arith.constant 0 : i32
        %dma_wait3A_254 = tpu.memref_slice %arg3[%dma_wait3A_252, %dma_wait3A_253] : memref<10000x64xbf16, #tpu.memory_space<hbm>> -> memref<88x64xbf16, #tpu.memory_space<hbm>>
        %dma_wait3A_255 = arith.constant 112 : i32
        %dma_wait3A_256 = arith.constant 0 : i32
        %dma_wait3A_257 = tpu.memref_slice %arg6[%dma_wait3A_247, %dma_wait3A_255, %dma_wait3A_256] : memref<4x200x64xbf16, #tpu.memory_space<vmem>> -> memref<1x88x64xbf16, #tpu.memory_space<vmem>>
        %dma_wait3A_258 = tpu.memref_squeeze %dma_wait3A_257 : memref<1x88x64xbf16, #tpu.memory_space<vmem>> -> memref<88x64xbf16, #tpu.memory_space<vmem>>
        %dma_wait3A_259 = arith.constant 0 : i32
        %dma_wait3A_260 = arith.constant 0 : i32
        %dma_wait3A_261 = tpu.memref_slice %arg3[%dma_wait3A_259, %dma_wait3A_260] : memref<10000x64xbf16, #tpu.memory_space<hbm>> -> memref<88x64xbf16, #tpu.memory_space<hbm>>
        tpu.wait_dma2 semaphore(%arg15 : memref<!tpu.dma_semaphore, #tpu.memory_space<semaphore_mem>>) src(%dma_wait3A_261 : memref<88x64xbf16, #tpu.memory_space<hbm>>) dst(%dma_wait3A_258 : memref<88x64xbf16, #tpu.memory_space<vmem>>)
        %scan3A_262 = arith.constant 0 : i32
        %scan3A_263 = arith.constant 10 : i32
        %scan3A_264 = arith.addi %scan3A_262, %scan3A_263 : i32
        %scan3A_265 = arith.constant 1 : i32
        %scan3A_266:4 = scf.for %scan3A_344 = %scan3A_262 to %scan3A_264 step %scan3A_265 iter_args(%scan3A_345 = %broadcast_in_dim3A_3, %scan3A_346 = %broadcast_in_dim3A_3, %scan3A_347 = %broadcast_in_dim3A_3, %scan3A_348 = %broadcast_in_dim3A_3) -> (vector<16xf32>, vector<16xf32>, vector<16xf32>, vector<16xf32>)  : i32 {
          %mul3A_349 = arith.constant 20 : i32
          %mul3A_350 = arith.muli %scan3A_344, %mul3A_349 : i32
          %add3A_351 = arith.constant 0 : i32
          %add3A_352 = arith.addi %mul3A_350, %add3A_351 : i32
          %get3A = arith.constant 2 : i32
          %get3A_353 = arith.index_cast %get3A : i32 to index
          %get3A_354 = arith.index_cast %add3A_352 : i32 to index
          %get3A_355 = arith.constant 0 : index
          %get3A_356 = tpu.vector_load %arg6[%get3A_353, %get3A_354, %get3A_355] {strides = array<i32>} : memref<4x200x64xbf16, #tpu.memory_space<vmem>>, vector<32xbf16>,
          %add3A_357 = arith.constant 1 : i32
          %add3A_358 = arith.addi %add3A_352, %add3A_357 : i32
          %get3A_359 = arith.constant 2 : i32
          %get3A_360 = arith.index_cast %get3A_359 : i32 to index
          %get3A_361 = arith.index_cast %add3A_358 : i32 to index
          %get3A_362 = arith.constant 0 : index
          %get3A_363 = tpu.vector_load %arg6[%get3A_360, %get3A_361, %get3A_362] {strides = array<i32>} : memref<4x200x64xbf16, #tpu.memory_space<vmem>>, vector<32xbf16>,
          %add3A_364 = arith.addf %get3A_356, %get3A_363 : vector<32xbf16>
          %unpack3A = tpu.unpack_subelements %add3A_364, 0 {pack_format = #tpu.pack_format<interleaved>} : vector<32xbf16> -> vector<16xf32>
          %unpack3A_365 = tpu.unpack_subelements %add3A_364, 1 {pack_format = #tpu.pack_format<interleaved>} : vector<32xbf16> -> vector<16xf32>
          %add3A_366 = arith.addf %scan3A_345, %unpack3A : vector<16xf32>
          %add3A_367 = arith.addf %scan3A_346, %unpack3A_365 : vector<16xf32>
          %get3A_368 = arith.constant 2 : i32
          %get3A_369 = arith.index_cast %get3A_368 : i32 to index
          %get3A_370 = arith.index_cast %add3A_352 : i32 to index
          %get3A_371 = arith.constant 32 : index
          %get3A_372 = tpu.vector_load %arg6[%get3A_369, %get3A_370, %get3A_371] {strides = array<i32>} : memref<4x200x64xbf16, #tpu.memory_space<vmem>>, vector<32xbf16>,
          %add3A_373 = arith.constant 1 : i32
          %add3A_374 = arith.addi %add3A_352, %add3A_373 : i32
          %get3A_375 = arith.constant 2 : i32
          %get3A_376 = arith.index_cast %get3A_375 : i32 to index
          %get3A_377 = arith.index_cast %add3A_374 : i32 to index
          %get3A_378 = arith.constant 32 : index
          %get3A_379 = tpu.vector_load %arg6[%get3A_376, %get3A_377, %get3A_378] {strides = array<i32>} : memref<4x200x64xbf16, #tpu.memory_space<vmem>>, vector<32xbf16>,
          %add3A_380 = arith.addf %get3A_372, %get3A_379 : vector<32xbf16>
          %unpack3A_381 = tpu.unpack_subelements %add3A_380, 0 {pack_format = #tpu.pack_format<interleaved>} : vector<32xbf16> -> vector<16xf32>
          %unpack3A_382 = tpu.unpack_subelements %add3A_380, 1 {pack_format = #tpu.pack_format<interleaved>} : vector<32xbf16> -> vector<16xf32>
          %add3A_383 = arith.addf %scan3A_347, %unpack3A_381 : vector<16xf32>
          %add3A_384 = arith.addf %scan3A_348, %unpack3A_382 : vector<16xf32>
          %mul3A_385 = arith.constant 20 : i32
          %mul3A_386 = arith.muli %scan3A_344, %mul3A_385 : i32
          %add3A_387 = arith.constant 2 : i32
          %add3A_388 = arith.addi %mul3A_386, %add3A_387 : i32
          %get3A_389 = arith.constant 2 : i32
          %get3A_390 = arith.index_cast %get3A_389 : i32 to index
          %get3A_391 = arith.index_cast %add3A_388 : i32 to index
          %get3A_392 = arith.constant 0 : index
          %get3A_393 = tpu.vector_load %arg6[%get3A_390, %get3A_391, %get3A_392] {strides = array<i32>} : memref<4x200x64xbf16, #tpu.memory_space<vmem>>, vector<32xbf16>,
          %add3A_394 = arith.constant 1 : i32
          %add3A_395 = arith.addi %add3A_388, %add3A_394 : i32
          %get3A_396 = arith.constant 2 : i32
          %get3A_397 = arith.index_cast %get3A_396 : i32 to index
          %get3A_398 = arith.index_cast %add3A_395 : i32 to index
          %get3A_399 = arith.constant 0 : index
          %get3A_400 = tpu.vector_load %arg6[%get3A_397, %get3A_398, %get3A_399] {strides = array<i32>} : memref<4x200x64xbf16, #tpu.memory_space<vmem>>, vector<32xbf16>,
          %add3A_401 = arith.addf %get3A_393, %get3A_400 : vector<32xbf16>
          %unpack3A_402 = tpu.unpack_subelements %add3A_401, 0 {pack_format = #tpu.pack_format<interleaved>} : vector<32xbf16> -> vector<16xf32>
          %unpack3A_403 = tpu.unpack_subelements %add3A_401, 1 {pack_format = #tpu.pack_format<interleaved>} : vector<32xbf16> -> vector<16xf32>
          %add3A_404 = arith.addf %add3A_366, %unpack3A_402 : vector<16xf32>
          %add3A_405 = arith.addf %add3A_367, %unpack3A_403 : vector<16xf32>
          %get3A_406 = arith.constant 2 : i32
          %get3A_407 = arith.index_cast %get3A_406 : i32 to index
          %get3A_408 = arith.index_cast %add3A_388 : i32 to index
          %get3A_409 = arith.constant 32 : index
          %get3A_410 = tpu.vector_load %arg6[%get3A_407, %get3A_408, %get3A_409] {strides = array<i32>} : memref<4x200x64xbf16, #tpu.memory_space<vmem>>, vector<32xbf16>,
          %add3A_411 = arith.constant 1 : i32
          %add3A_412 = arith.addi %add3A_388, %add3A_411 : i32
          %get3A_413 = arith.constant 2 : i32
          %get3A_414 = arith.index_cast %get3A_413 : i32 to index
          %get3A_415 = arith.index_cast %add3A_412 : i32 to index
          %get3A_416 = arith.constant 32 : index
          %get3A_417 = tpu.vector_load %arg6[%get3A_414, %get3A_415, %get3A_416] {strides = array<i32>} : memref<4x200x64xbf16, #tpu.memory_space<vmem>>, vector<32xbf16>,
          %add3A_418 = arith.addf %get3A_410, %get3A_417 : vector<32xbf16>
          %unpack3A_419 = tpu.unpack_subelements %add3A_418, 0 {pack_format = #tpu.pack_format<interleaved>} : vector<32xbf16> -> vector<16xf32>
          %unpack3A_420 = tpu.unpack_subelements %add3A_418, 1 {pack_format = #tpu.pack_format<interleaved>} : vector<32xbf16> -> vector<16xf32>
          %add3A_421 = arith.addf %add3A_383, %unpack3A_419 : vector<16xf32>
          %add3A_422 = arith.addf %add3A_384, %unpack3A_420 : vector<16xf32>
          %mul3A_423 = arith.constant 20 : i32
          %mul3A_424 = arith.muli %scan3A_344, %mul3A_423 : i32
          %add3A_425 = arith.constant 4 : i32
          %add3A_426 = arith.addi %mul3A_424, %add3A_425 : i32
          %get3A_427 = arith.constant 2 : i32
          %get3A_428 = arith.index_cast %get3A_427 : i32 to index
          %get3A_429 = arith.index_cast %add3A_426 : i32 to index
          %get3A_430 = arith.constant 0 : index
          %get3A_431 = tpu.vector_load %arg6[%get3A_428, %get3A_429, %get3A_430] {strides = array<i32>} : memref<4x200x64xbf16, #tpu.memory_space<vmem>>, vector<32xbf16>,
          %add3A_432 = arith.constant 1 : i32
          %add3A_433 = arith.addi %add3A_426, %add3A_432 : i32
          %get3A_434 = arith.constant 2 : i32
          %get3A_435 = arith.index_cast %get3A_434 : i32 to index
          %get3A_436 = arith.index_cast %add3A_433 : i32 to index
          %get3A_437 = arith.constant 0 : index
          %get3A_438 = tpu.vector_load %arg6[%get3A_435, %get3A_436, %get3A_437] {strides = array<i32>} : memref<4x200x64xbf16, #tpu.memory_space<vmem>>, vector<32xbf16>,
          %add3A_439 = arith.addf %get3A_431, %get3A_438 : vector<32xbf16>
          %unpack3A_440 = tpu.unpack_subelements %add3A_439, 0 {pack_format = #tpu.pack_format<interleaved>} : vector<32xbf16> -> vector<16xf32>
          %unpack3A_441 = tpu.unpack_subelements %add3A_439, 1 {pack_format = #tpu.pack_format<interleaved>} : vector<32xbf16> -> vector<16xf32>
          %add3A_442 = arith.addf %add3A_404, %unpack3A_440 : vector<16xf32>
          %add3A_443 = arith.addf %add3A_405, %unpack3A_441 : vector<16xf32>
          %get3A_444 = arith.constant 2 : i32
          %get3A_445 = arith.index_cast %get3A_444 : i32 to index
          %get3A_446 = arith.index_cast %add3A_426 : i32 to index
          %get3A_447 = arith.constant 32 : index
          %get3A_448 = tpu.vector_load %arg6[%get3A_445, %get3A_446, %get3A_447] {strides = array<i32>} : memref<4x200x64xbf16, #tpu.memory_space<vmem>>, vector<32xbf16>,
          %add3A_449 = arith.constant 1 : i32
          %add3A_450 = arith.addi %add3A_426, %add3A_449 : i32
          %get3A_451 = arith.constant 2 : i32
          %get3A_452 = arith.index_cast %get3A_451 : i32 to index
          %get3A_453 = arith.index_cast %add3A_450 : i32 to index
          %get3A_454 = arith.constant 32 : index
          %get3A_455 = tpu.vector_load %arg6[%get3A_452, %get3A_453, %get3A_454] {strides = array<i32>} : memref<4x200x64xbf16, #tpu.memory_space<vmem>>, vector<32xbf16>,
          %add3A_456 = arith.addf %get3A_448, %get3A_455 : vector<32xbf16>
          %unpack3A_457 = tpu.unpack_subelements %add3A_456, 0 {pack_format = #tpu.pack_format<interleaved>} : vector<32xbf16> -> vector<16xf32>
          %unpack3A_458 = tpu.unpack_subelements %add3A_456, 1 {pack_format = #tpu.pack_format<interleaved>} : vector<32xbf16> -> vector<16xf32>
          %add3A_459 = arith.addf %add3A_421, %unpack3A_457 : vector<16xf32>
          %add3A_460 = arith.addf %add3A_422, %unpack3A_458 : vector<16xf32>
          %mul3A_461 = arith.constant 20 : i32
          %mul3A_462 = arith.muli %scan3A_344, %mul3A_461 : i32
          %add3A_463 = arith.constant 6 : i32
          %add3A_464 = arith.addi %mul3A_462, %add3A_463 : i32
          %get3A_465 = arith.constant 2 : i32
          %get3A_466 = arith.index_cast %get3A_465 : i32 to index
          %get3A_467 = arith.index_cast %add3A_464 : i32 to index
          %get3A_468 = arith.constant 0 : index
          %get3A_469 = tpu.vector_load %arg6[%get3A_466, %get3A_467, %get3A_468] {strides = array<i32>} : memref<4x200x64xbf16, #tpu.memory_space<vmem>>, vector<32xbf16>,
          %add3A_470 = arith.constant 1 : i32
          %add3A_471 = arith.addi %add3A_464, %add3A_470 : i32
          %get3A_472 = arith.constant 2 : i32
          %get3A_473 = arith.index_cast %get3A_472 : i32 to index
          %get3A_474 = arith.index_cast %add3A_471 : i32 to index
          %get3A_475 = arith.constant 0 : index
          %get3A_476 = tpu.vector_load %arg6[%get3A_473, %get3A_474, %get3A_475] {strides = array<i32>} : memref<4x200x64xbf16, #tpu.memory_space<vmem>>, vector<32xbf16>,
          %add3A_477 = arith.addf %get3A_469, %get3A_476 : vector<32xbf16>
          %unpack3A_478 = tpu.unpack_subelements %add3A_477, 0 {pack_format = #tpu.pack_format<interleaved>} : vector<32xbf16> -> vector<16xf32>
          %unpack3A_479 = tpu.unpack_subelements %add3A_477, 1 {pack_format = #tpu.pack_format<interleaved>} : vector<32xbf16> -> vector<16xf32>
          %add3A_480 = arith.addf %add3A_442, %unpack3A_478 : vector<16xf32>
          %add3A_481 = arith.addf %add3A_443, %unpack3A_479 : vector<16xf32>
          %get3A_482 = arith.constant 2 : i32
          %get3A_483 = arith.index_cast %get3A_482 : i32 to index
          %get3A_484 = arith.index_cast %add3A_464 : i32 to index
          %get3A_485 = arith.constant 32 : index
          %get3A_486 = tpu.vector_load %arg6[%get3A_483, %get3A_484, %get3A_485] {strides = array<i32>} : memref<4x200x64xbf16, #tpu.memory_space<vmem>>, vector<32xbf16>,
          %add3A_487 = arith.constant 1 : i32
          %add3A_488 = arith.addi %add3A_464, %add3A_487 : i32
          %get3A_489 = arith.constant 2 : i32
          %get3A_490 = arith.index_cast %get3A_489 : i32 to index
          %get3A_491 = arith.index_cast %add3A_488 : i32 to index
          %get3A_492 = arith.constant 32 : index
          %get3A_493 = tpu.vector_load %arg6[%get3A_490, %get3A_491, %get3A_492] {strides = array<i32>} : memref<4x200x64xbf16, #tpu.memory_space<vmem>>, vector<32xbf16>,
          %add3A_494 = arith.addf %get3A_486, %get3A_493 : vector<32xbf16>
          %unpack3A_495 = tpu.unpack_subelements %add3A_494, 0 {pack_format = #tpu.pack_format<interleaved>} : vector<32xbf16> -> vector<16xf32>
          %unpack3A_496 = tpu.unpack_subelements %add3A_494, 1 {pack_format = #tpu.pack_format<interleaved>} : vector<32xbf16> -> vector<16xf32>
          %add3A_497 = arith.addf %add3A_459, %unpack3A_495 : vector<16xf32>
          %add3A_498 = arith.addf %add3A_460, %unpack3A_496 : vector<16xf32>
          %mul3A_499 = arith.constant 20 : i32
          %mul3A_500 = arith.muli %scan3A_344, %mul3A_499 : i32
          %add3A_501 = arith.constant 8 : i32
          %add3A_502 = arith.addi %mul3A_500, %add3A_501 : i32
          %get3A_503 = arith.constant 2 : i32
          %get3A_504 = arith.index_cast %get3A_503 : i32 to index
          %get3A_505 = arith.index_cast %add3A_502 : i32 to index
          %get3A_506 = arith.constant 0 : index
          %get3A_507 = tpu.vector_load %arg6[%get3A_504, %get3A_505, %get3A_506] {strides = array<i32>} : memref<4x200x64xbf16, #tpu.memory_space<vmem>>, vector<32xbf16>,
          %add3A_508 = arith.constant 1 : i32
          %add3A_509 = arith.addi %add3A_502, %add3A_508 : i32
          %get3A_510 = arith.constant 2 : i32
          %get3A_511 = arith.index_cast %get3A_510 : i32 to index
          %get3A_512 = arith.index_cast %add3A_509 : i32 to index
          %get3A_513 = arith.constant 0 : index
          %get3A_514 = tpu.vector_load %arg6[%get3A_511, %get3A_512, %get3A_513] {strides = array<i32>} : memref<4x200x64xbf16, #tpu.memory_space<vmem>>, vector<32xbf16>,
          %add3A_515 = arith.addf %get3A_507, %get3A_514 : vector<32xbf16>
          %unpack3A_516 = tpu.unpack_subelements %add3A_515, 0 {pack_format = #tpu.pack_format<interleaved>} : vector<32xbf16> -> vector<16xf32>
          %unpack3A_517 = tpu.unpack_subelements %add3A_515, 1 {pack_format = #tpu.pack_format<interleaved>} : vector<32xbf16> -> vector<16xf32>
          %add3A_518 = arith.addf %add3A_480, %unpack3A_516 : vector<16xf32>
          %add3A_519 = arith.addf %add3A_481, %unpack3A_517 : vector<16xf32>
          %get3A_520 = arith.constant 2 : i32
          %get3A_521 = arith.index_cast %get3A_520 : i32 to index
          %get3A_522 = arith.index_cast %add3A_502 : i32 to index
          %get3A_523 = arith.constant 32 : index
          %get3A_524 = tpu.vector_load %arg6[%get3A_521, %get3A_522, %get3A_523] {strides = array<i32>} : memref<4x200x64xbf16, #tpu.memory_space<vmem>>, vector<32xbf16>,
          %add3A_525 = arith.constant 1 : i32
          %add3A_526 = arith.addi %add3A_502, %add3A_525 : i32
          %get3A_527 = arith.constant 2 : i32
          %get3A_528 = arith.index_cast %get3A_527 : i32 to index
          %get3A_529 = arith.index_cast %add3A_526 : i32 to index
          %get3A_530 = arith.constant 32 : index
          %get3A_531 = tpu.vector_load %arg6[%get3A_528, %get3A_529, %get3A_530] {strides = array<i32>} : memref<4x200x64xbf16, #tpu.memory_space<vmem>>, vector<32xbf16>,
          %add3A_532 = arith.addf %get3A_524, %get3A_531 : vector<32xbf16>
          %unpack3A_533 = tpu.unpack_subelements %add3A_532, 0 {pack_format = #tpu.pack_format<interleaved>} : vector<32xbf16> -> vector<16xf32>
          %unpack3A_534 = tpu.unpack_subelements %add3A_532, 1 {pack_format = #tpu.pack_format<interleaved>} : vector<32xbf16> -> vector<16xf32>
          %add3A_535 = arith.addf %add3A_497, %unpack3A_533 : vector<16xf32>
          %add3A_536 = arith.addf %add3A_498, %unpack3A_534 : vector<16xf32>
          %mul3A_537 = arith.constant 20 : i32
          %mul3A_538 = arith.muli %scan3A_344, %mul3A_537 : i32
          %add3A_539 = arith.constant 10 : i32
          %add3A_540 = arith.addi %mul3A_538, %add3A_539 : i32
          %get3A_541 = arith.constant 2 : i32
          %get3A_542 = arith.index_cast %get3A_541 : i32 to index
          %get3A_543 = arith.index_cast %add3A_540 : i32 to index
          %get3A_544 = arith.constant 0 : index
          %get3A_545 = tpu.vector_load %arg6[%get3A_542, %get3A_543, %get3A_544] {strides = array<i32>} : memref<4x200x64xbf16, #tpu.memory_space<vmem>>, vector<32xbf16>,
          %add3A_546 = arith.constant 1 : i32
          %add3A_547 = arith.addi %add3A_540, %add3A_546 : i32
          %get3A_548 = arith.constant 2 : i32
          %get3A_549 = arith.index_cast %get3A_548 : i32 to index
          %get3A_550 = arith.index_cast %add3A_547 : i32 to index
          %get3A_551 = arith.constant 0 : index
          %get3A_552 = tpu.vector_load %arg6[%get3A_549, %get3A_550, %get3A_551] {strides = array<i32>} : memref<4x200x64xbf16, #tpu.memory_space<vmem>>, vector<32xbf16>,
          %add3A_553 = arith.addf %get3A_545, %get3A_552 : vector<32xbf16>
          %unpack3A_554 = tpu.unpack_subelements %add3A_553, 0 {pack_format = #tpu.pack_format<interleaved>} : vector<32xbf16> -> vector<16xf32>
          %unpack3A_555 = tpu.unpack_subelements %add3A_553, 1 {pack_format = #tpu.pack_format<interleaved>} : vector<32xbf16> -> vector<16xf32>
          %add3A_556 = arith.addf %add3A_518, %unpack3A_554 : vector<16xf32>
          %add3A_557 = arith.addf %add3A_519, %unpack3A_555 : vector<16xf32>
          %get3A_558 = arith.constant 2 : i32
          %get3A_559 = arith.index_cast %get3A_558 : i32 to index
          %get3A_560 = arith.index_cast %add3A_540 : i32 to index
          %get3A_561 = arith.constant 32 : index
          %get3A_562 = tpu.vector_load %arg6[%get3A_559, %get3A_560, %get3A_561] {strides = array<i32>} : memref<4x200x64xbf16, #tpu.memory_space<vmem>>, vector<32xbf16>,
          %add3A_563 = arith.constant 1 : i32
          %add3A_564 = arith.addi %add3A_540, %add3A_563 : i32
          %get3A_565 = arith.constant 2 : i32
          %get3A_566 = arith.index_cast %get3A_565 : i32 to index
          %get3A_567 = arith.index_cast %add3A_564 : i32 to index
          %get3A_568 = arith.constant 32 : index
          %get3A_569 = tpu.vector_load %arg6[%get3A_566, %get3A_567, %get3A_568] {strides = array<i32>} : memref<4x200x64xbf16, #tpu.memory_space<vmem>>, vector<32xbf16>,
          %add3A_570 = arith.addf %get3A_562, %get3A_569 : vector<32xbf16>
          %unpack3A_571 = tpu.unpack_subelements %add3A_570, 0 {pack_format = #tpu.pack_format<interleaved>} : vector<32xbf16> -> vector<16xf32>
          %unpack3A_572 = tpu.unpack_subelements %add3A_570, 1 {pack_format = #tpu.pack_format<interleaved>} : vector<32xbf16> -> vector<16xf32>
          %add3A_573 = arith.addf %add3A_535, %unpack3A_571 : vector<16xf32>
          %add3A_574 = arith.addf %add3A_536, %unpack3A_572 : vector<16xf32>
          %mul3A_575 = arith.constant 20 : i32
          %mul3A_576 = arith.muli %scan3A_344, %mul3A_575 : i32
          %add3A_577 = arith.constant 12 : i32
          %add3A_578 = arith.addi %mul3A_576, %add3A_577 : i32
          %get3A_579 = arith.constant 2 : i32
          %get3A_580 = arith.index_cast %get3A_579 : i32 to index
          %get3A_581 = arith.index_cast %add3A_578 : i32 to index
          %get3A_582 = arith.constant 0 : index
          %get3A_583 = tpu.vector_load %arg6[%get3A_580, %get3A_581, %get3A_582] {strides = array<i32>} : memref<4x200x64xbf16, #tpu.memory_space<vmem>>, vector<32xbf16>,
          %add3A_584 = arith.constant 1 : i32
          %add3A_585 = arith.addi %add3A_578, %add3A_584 : i32
          %get3A_586 = arith.constant 2 : i32
          %get3A_587 = arith.index_cast %get3A_586 : i32 to index
          %get3A_588 = arith.index_cast %add3A_585 : i32 to index
          %get3A_589 = arith.constant 0 : index
          %get3A_590 = tpu.vector_load %arg6[%get3A_587, %get3A_588, %get3A_589] {strides = array<i32>} : memref<4x200x64xbf16, #tpu.memory_space<vmem>>, vector<32xbf16>,
          %add3A_591 = arith.addf %get3A_583, %get3A_590 : vector<32xbf16>
          %unpack3A_592 = tpu.unpack_subelements %add3A_591, 0 {pack_format = #tpu.pack_format<interleaved>} : vector<32xbf16> -> vector<16xf32>
          %unpack3A_593 = tpu.unpack_subelements %add3A_591, 1 {pack_format = #tpu.pack_format<interleaved>} : vector<32xbf16> -> vector<16xf32>
          %add3A_594 = arith.addf %add3A_556, %unpack3A_592 : vector<16xf32>
          %add3A_595 = arith.addf %add3A_557, %unpack3A_593 : vector<16xf32>
          %get3A_596 = arith.constant 2 : i32
          %get3A_597 = arith.index_cast %get3A_596 : i32 to index
          %get3A_598 = arith.index_cast %add3A_578 : i32 to index
          %get3A_599 = arith.constant 32 : index
          %get3A_600 = tpu.vector_load %arg6[%get3A_597, %get3A_598, %get3A_599] {strides = array<i32>} : memref<4x200x64xbf16, #tpu.memory_space<vmem>>, vector<32xbf16>,
          %add3A_601 = arith.constant 1 : i32
          %add3A_602 = arith.addi %add3A_578, %add3A_601 : i32
          %get3A_603 = arith.constant 2 : i32
          %get3A_604 = arith.index_cast %get3A_603 : i32 to index
          %get3A_605 = arith.index_cast %add3A_602 : i32 to index
          %get3A_606 = arith.constant 32 : index
          %get3A_607 = tpu.vector_load %arg6[%get3A_604, %get3A_605, %get3A_606] {strides = array<i32>} : memref<4x200x64xbf16, #tpu.memory_space<vmem>>, vector<32xbf16>,
          %add3A_608 = arith.addf %get3A_600, %get3A_607 : vector<32xbf16>
          %unpack3A_609 = tpu.unpack_subelements %add3A_608, 0 {pack_format = #tpu.pack_format<interleaved>} : vector<32xbf16> -> vector<16xf32>
          %unpack3A_610 = tpu.unpack_subelements %add3A_608, 1 {pack_format = #tpu.pack_format<interleaved>} : vector<32xbf16> -> vector<16xf32>
          %add3A_611 = arith.addf %add3A_573, %unpack3A_609 : vector<16xf32>
          %add3A_612 = arith.addf %add3A_574, %unpack3A_610 : vector<16xf32>
          %mul3A_613 = arith.constant 20 : i32
          %mul3A_614 = arith.muli %scan3A_344, %mul3A_613 : i32
          %add3A_615 = arith.constant 14 : i32
          %add3A_616 = arith.addi %mul3A_614, %add3A_615 : i32
          %get3A_617 = arith.constant 2 : i32
          %get3A_618 = arith.index_cast %get3A_617 : i32 to index
          %get3A_619 = arith.index_cast %add3A_616 : i32 to index
          %get3A_620 = arith.constant 0 : index
          %get3A_621 = tpu.vector_load %arg6[%get3A_618, %get3A_619, %get3A_620] {strides = array<i32>} : memref<4x200x64xbf16, #tpu.memory_space<vmem>>, vector<32xbf16>,
          %add3A_622 = arith.constant 1 : i32
          %add3A_623 = arith.addi %add3A_616, %add3A_622 : i32
          %get3A_624 = arith.constant 2 : i32
          %get3A_625 = arith.index_cast %get3A_624 : i32 to index
          %get3A_626 = arith.index_cast %add3A_623 : i32 to index
          %get3A_627 = arith.constant 0 : index
          %get3A_628 = tpu.vector_load %arg6[%get3A_625, %get3A_626, %get3A_627] {strides = array<i32>} : memref<4x200x64xbf16, #tpu.memory_space<vmem>>, vector<32xbf16>,
          %add3A_629 = arith.addf %get3A_621, %get3A_628 : vector<32xbf16>
          %unpack3A_630 = tpu.unpack_subelements %add3A_629, 0 {pack_format = #tpu.pack_format<interleaved>} : vector<32xbf16> -> vector<16xf32>
          %unpack3A_631 = tpu.unpack_subelements %add3A_629, 1 {pack_format = #tpu.pack_format<interleaved>} : vector<32xbf16> -> vector<16xf32>
          %add3A_632 = arith.addf %add3A_594, %unpack3A_630 : vector<16xf32>
          %add3A_633 = arith.addf %add3A_595, %unpack3A_631 : vector<16xf32>
          %get3A_634 = arith.constant 2 : i32
          %get3A_635 = arith.index_cast %get3A_634 : i32 to index
          %get3A_636 = arith.index_cast %add3A_616 : i32 to index
          %get3A_637 = arith.constant 32 : index
          %get3A_638 = tpu.vector_load %arg6[%get3A_635, %get3A_636, %get3A_637] {strides = array<i32>} : memref<4x200x64xbf16, #tpu.memory_space<vmem>>, vector<32xbf16>,
          %add3A_639 = arith.constant 1 : i32
          %add3A_640 = arith.addi %add3A_616, %add3A_639 : i32
          %get3A_641 = arith.constant 2 : i32
          %get3A_642 = arith.index_cast %get3A_641 : i32 to index
          %get3A_643 = arith.index_cast %add3A_640 : i32 to index
          %get3A_644 = arith.constant 32 : index
          %get3A_645 = tpu.vector_load %arg6[%get3A_642, %get3A_643, %get3A_644] {strides = array<i32>} : memref<4x200x64xbf16, #tpu.memory_space<vmem>>, vector<32xbf16>,
          %add3A_646 = arith.addf %get3A_638, %get3A_645 : vector<32xbf16>
          %unpack3A_647 = tpu.unpack_subelements %add3A_646, 0 {pack_format = #tpu.pack_format<interleaved>} : vector<32xbf16> -> vector<16xf32>
          %unpack3A_648 = tpu.unpack_subelements %add3A_646, 1 {pack_format = #tpu.pack_format<interleaved>} : vector<32xbf16> -> vector<16xf32>
          %add3A_649 = arith.addf %add3A_611, %unpack3A_647 : vector<16xf32>
          %add3A_650 = arith.addf %add3A_612, %unpack3A_648 : vector<16xf32>
          %mul3A_651 = arith.constant 20 : i32
          %mul3A_652 = arith.muli %scan3A_344, %mul3A_651 : i32
          %add3A_653 = arith.constant 16 : i32
          %add3A_654 = arith.addi %mul3A_652, %add3A_653 : i32
          %get3A_655 = arith.constant 2 : i32
          %get3A_656 = arith.index_cast %get3A_655 : i32 to index
          %get3A_657 = arith.index_cast %add3A_654 : i32 to index
          %get3A_658 = arith.constant 0 : index
          %get3A_659 = tpu.vector_load %arg6[%get3A_656, %get3A_657, %get3A_658] {strides = array<i32>} : memref<4x200x64xbf16, #tpu.memory_space<vmem>>, vector<32xbf16>,
          %add3A_660 = arith.constant 1 : i32
          %add3A_661 = arith.addi %add3A_654, %add3A_660 : i32
          %get3A_662 = arith.constant 2 : i32
          %get3A_663 = arith.index_cast %get3A_662 : i32 to index
          %get3A_664 = arith.index_cast %add3A_661 : i32 to index
          %get3A_665 = arith.constant 0 : index
          %get3A_666 = tpu.vector_load %arg6[%get3A_663, %get3A_664, %get3A_665] {strides = array<i32>} : memref<4x200x64xbf16, #tpu.memory_space<vmem>>, vector<32xbf16>,
          %add3A_667 = arith.addf %get3A_659, %get3A_666 : vector<32xbf16>
          %unpack3A_668 = tpu.unpack_subelements %add3A_667, 0 {pack_format = #tpu.pack_format<interleaved>} : vector<32xbf16> -> vector<16xf32>
          %unpack3A_669 = tpu.unpack_subelements %add3A_667, 1 {pack_format = #tpu.pack_format<interleaved>} : vector<32xbf16> -> vector<16xf32>
          %add3A_670 = arith.addf %add3A_632, %unpack3A_668 : vector<16xf32>
          %add3A_671 = arith.addf %add3A_633, %unpack3A_669 : vector<16xf32>
          %get3A_672 = arith.constant 2 : i32
          %get3A_673 = arith.index_cast %get3A_672 : i32 to index
          %get3A_674 = arith.index_cast %add3A_654 : i32 to index
          %get3A_675 = arith.constant 32 : index
          %get3A_676 = tpu.vector_load %arg6[%get3A_673, %get3A_674, %get3A_675] {strides = array<i32>} : memref<4x200x64xbf16, #tpu.memory_space<vmem>>, vector<32xbf16>,
          %add3A_677 = arith.constant 1 : i32
          %add3A_678 = arith.addi %add3A_654, %add3A_677 : i32
          %get3A_679 = arith.constant 2 : i32
          %get3A_680 = arith.index_cast %get3A_679 : i32 to index
          %get3A_681 = arith.index_cast %add3A_678 : i32 to index
          %get3A_682 = arith.constant 32 : index
          %get3A_683 = tpu.vector_load %arg6[%get3A_680, %get3A_681, %get3A_682] {strides = array<i32>} : memref<4x200x64xbf16, #tpu.memory_space<vmem>>, vector<32xbf16>,
          %add3A_684 = arith.addf %get3A_676, %get3A_683 : vector<32xbf16>
          %unpack3A_685 = tpu.unpack_subelements %add3A_684, 0 {pack_format = #tpu.pack_format<interleaved>} : vector<32xbf16> -> vector<16xf32>
          %unpack3A_686 = tpu.unpack_subelements %add3A_684, 1 {pack_format = #tpu.pack_format<interleaved>} : vector<32xbf16> -> vector<16xf32>
          %add3A_687 = arith.addf %add3A_649, %unpack3A_685 : vector<16xf32>
          %add3A_688 = arith.addf %add3A_650, %unpack3A_686 : vector<16xf32>
          %mul3A_689 = arith.constant 20 : i32
          %mul3A_690 = arith.muli %scan3A_344, %mul3A_689 : i32
          %add3A_691 = arith.constant 18 : i32
          %add3A_692 = arith.addi %mul3A_690, %add3A_691 : i32
          %get3A_693 = arith.constant 2 : i32
          %get3A_694 = arith.index_cast %get3A_693 : i32 to index
          %get3A_695 = arith.index_cast %add3A_692 : i32 to index
          %get3A_696 = arith.constant 0 : index
          %get3A_697 = tpu.vector_load %arg6[%get3A_694, %get3A_695, %get3A_696] {strides = array<i32>} : memref<4x200x64xbf16, #tpu.memory_space<vmem>>, vector<32xbf16>,
          %add3A_698 = arith.constant 1 : i32
          %add3A_699 = arith.addi %add3A_692, %add3A_698 : i32
          %get3A_700 = arith.constant 2 : i32
          %get3A_701 = arith.index_cast %get3A_700 : i32 to index
          %get3A_702 = arith.index_cast %add3A_699 : i32 to index
          %get3A_703 = arith.constant 0 : index
          %get3A_704 = tpu.vector_load %arg6[%get3A_701, %get3A_702, %get3A_703] {strides = array<i32>} : memref<4x200x64xbf16, #tpu.memory_space<vmem>>, vector<32xbf16>,
          %add3A_705 = arith.addf %get3A_697, %get3A_704 : vector<32xbf16>
          %unpack3A_706 = tpu.unpack_subelements %add3A_705, 0 {pack_format = #tpu.pack_format<interleaved>} : vector<32xbf16> -> vector<16xf32>
          %unpack3A_707 = tpu.unpack_subelements %add3A_705, 1 {pack_format = #tpu.pack_format<interleaved>} : vector<32xbf16> -> vector<16xf32>
          %add3A_708 = arith.addf %add3A_670, %unpack3A_706 : vector<16xf32>
          %add3A_709 = arith.addf %add3A_671, %unpack3A_707 : vector<16xf32>
          %get3A_710 = arith.constant 2 : i32
          %get3A_711 = arith.index_cast %get3A_710 : i32 to index
          %get3A_712 = arith.index_cast %add3A_692 : i32 to index
          %get3A_713 = arith.constant 32 : index
          %get3A_714 = tpu.vector_load %arg6[%get3A_711, %get3A_712, %get3A_713] {strides = array<i32>} : memref<4x200x64xbf16, #tpu.memory_space<vmem>>, vector<32xbf16>,
          %add3A_715 = arith.constant 1 : i32
          %add3A_716 = arith.addi %add3A_692, %add3A_715 : i32
          %get3A_717 = arith.constant 2 : i32
          %get3A_718 = arith.index_cast %get3A_717 : i32 to index
          %get3A_719 = arith.index_cast %add3A_716 : i32 to index
          %get3A_720 = arith.constant 32 : index
          %get3A_721 = tpu.vector_load %arg6[%get3A_718, %get3A_719, %get3A_720] {strides = array<i32>} : memref<4x200x64xbf16, #tpu.memory_space<vmem>>, vector<32xbf16>,
          %add3A_722 = arith.addf %get3A_714, %get3A_721 : vector<32xbf16>
          %unpack3A_723 = tpu.unpack_subelements %add3A_722, 0 {pack_format = #tpu.pack_format<interleaved>} : vector<32xbf16> -> vector<16xf32>
          %unpack3A_724 = tpu.unpack_subelements %add3A_722, 1 {pack_format = #tpu.pack_format<interleaved>} : vector<32xbf16> -> vector<16xf32>
          %add3A_725 = arith.addf %add3A_687, %unpack3A_723 : vector<16xf32>
          %add3A_726 = arith.addf %add3A_688, %unpack3A_724 : vector<16xf32>
          scf.yield %add3A_708, %add3A_709, %add3A_725, %add3A_726 : vector<16xf32>, vector<16xf32>, vector<16xf32>, vector<16xf32>
        }
        %scan3A_267 = arith.constant 10 : i32
        %swap3A_268 = arith.index_cast %add3A_231 : i32 to index
        %swap3A_269 = arith.constant 0 : index
        %swap3A_270 = tpu.vector_load %arg7[%swap3A_268, %swap3A_269] {strides = array<i32>} : memref<128x64xf32, #tpu.memory_space<vmem>>, vector<16xf32>,
        tpu.vector_store %arg7[%swap3A_268, %swap3A_269], %scan3A_266#0 {strides = array<i32>} : memref<128x64xf32, #tpu.memory_space<vmem>>, vector<16xf32>,
        %swap3A_271 = arith.index_cast %add3A_231 : i32 to index
        %swap3A_272 = arith.constant 16 : index
        %swap3A_273 = tpu.vector_load %arg7[%swap3A_271, %swap3A_272] {strides = array<i32>} : memref<128x64xf32, #tpu.memory_space<vmem>>, vector<16xf32>,
        tpu.vector_store %arg7[%swap3A_271, %swap3A_272], %scan3A_266#1 {strides = array<i32>} : memref<128x64xf32, #tpu.memory_space<vmem>>, vector<16xf32>,
        %swap3A_274 = arith.index_cast %add3A_231 : i32 to index
        %swap3A_275 = arith.constant 32 : index
        %swap3A_276 = tpu.vector_load %arg7[%swap3A_274, %swap3A_275] {strides = array<i32>} : memref<128x64xf32, #tpu.memory_space<vmem>>, vector<16xf32>,
        tpu.vector_store %arg7[%swap3A_274, %swap3A_275], %scan3A_266#2 {strides = array<i32>} : memref<128x64xf32, #tpu.memory_space<vmem>>, vector<16xf32>,
        %swap3A_277 = arith.index_cast %add3A_231 : i32 to index
        %swap3A_278 = arith.constant 48 : index
        %swap3A_279 = tpu.vector_load %arg7[%swap3A_277, %swap3A_278] {strides = array<i32>} : memref<128x64xf32, #tpu.memory_space<vmem>>, vector<16xf32>,
        tpu.vector_store %arg7[%swap3A_277, %swap3A_278], %scan3A_266#3 {strides = array<i32>} : memref<128x64xf32, #tpu.memory_space<vmem>>, vector<16xf32>,
        %add3A_280 = arith.constant 4 : i32
        %add3A_281 = arith.addi %add3A_231, %add3A_280 : i32
        %lt3A_282 = arith.constant 128 : i32
        %lt3A_283 = arith.cmpi slt, %add3A_281, %lt3A_282 : i32
        %convert_element_type3A_284 = arith.extui %lt3A_283 : i1 to i32
        %cond3A_285 = arith.constant 0 : i32
        %cond3A_286 = arith.cmpi ne, %convert_element_type3A_284, %cond3A_285 : i32
        scf.if %cond3A_286 {
          %add3A_344 = arith.constant 4 : i32
          %add3A_345 = arith.addi %add3A_231, %add3A_344 : i32
          %dma_start3A_346 = arith.constant 2 : i32
          %dma_start3A_347 = arith.constant 0 : i32
          %dma_start3A_348 = arith.constant 0 : i32
          %dma_start3A_349 = tpu.memref_slice %arg6[%dma_start3A_346, %dma_start3A_347, %dma_start3A_348] : memref<4x200x64xbf16, #tpu.memory_space<vmem>> -> memref<1x112x64xbf16, #tpu.memory_space<vmem>>
          %dma_start3A_350 = tpu.memref_squeeze %dma_start3A_349 : memref<1x112x64xbf16, #tpu.memory_space<vmem>> -> memref<112x64xbf16, #tpu.memory_space<vmem>>
          %dma_start3A_351 = arith.constant 0 : i32
          %dma_start3A_352 = tpu.memref_slice %arg5[%add3A_345, %dma_start3A_351] : memref<128x200xi32, #tpu.memory_space<vmem>> -> memref<1x112xi32, #tpu.memory_space<vmem>>
          %dma_start3A_353 = tpu.memref_squeeze %dma_start3A_352 : memref<1x112xi32, #tpu.memory_space<vmem>> -> memref<112xi32, #tpu.memory_space<vmem>>
          %dma_start3A_354 = arith.constant 0 : i32
          %dma_start3A_355 = arith.constant 0 : i32
          %dma_start3A_356 = tpu.memref_slice %arg8[%dma_start3A_354, %dma_start3A_355] : memref<10000x64xbf16, #tpu.memory_space<vmem_shared>> -> memref<10000x64xbf16, #tpu.memory_space<vmem_shared>>
          tpu.enqueue_indirect_dma source(%dma_start3A_356 : memref<10000x64xbf16, #tpu.memory_space<vmem_shared>>) target(%dma_start3A_350 : memref<112x64xbf16, #tpu.memory_space<vmem>>) offsets(%dma_start3A_353 : memref<112xi32, #tpu.memory_space<vmem>>) semaphore(%arg11 : memref<!tpu.dma_semaphore, #tpu.memory_space<semaphore_mem>>)
          %dma_start3A_357 = arith.constant 2 : i32
          %dma_start3A_358 = arith.constant 112 : i32
          %dma_start3A_359 = arith.constant 0 : i32
          %dma_start3A_360 = tpu.memref_slice %arg6[%dma_start3A_357, %dma_start3A_358, %dma_start3A_359] : memref<4x200x64xbf16, #tpu.memory_space<vmem>> -> memref<1x88x64xbf16, #tpu.memory_space<vmem>>
          %dma_start3A_361 = tpu.memref_squeeze %dma_start3A_360 : memref<1x88x64xbf16, #tpu.memory_space<vmem>> -> memref<88x64xbf16, #tpu.memory_space<vmem>>
          %dma_start3A_362 = arith.constant 112 : i32
          %dma_start3A_363 = tpu.memref_slice %arg5[%add3A_345, %dma_start3A_362] : memref<128x200xi32, #tpu.memory_space<vmem>> -> memref<1x88xi32, #tpu.memory_space<vmem>>
          %dma_start3A_364 = tpu.memref_squeeze %dma_start3A_363 : memref<1x88xi32, #tpu.memory_space<vmem>> -> memref<88xi32, #tpu.memory_space<vmem>>
          %dma_start3A_365 = arith.constant 0 : i32
          %dma_start3A_366 = arith.constant 0 : i32
          %dma_start3A_367 = tpu.memref_slice %arg3[%dma_start3A_365, %dma_start3A_366] : memref<10000x64xbf16, #tpu.memory_space<hbm>> -> memref<10000x64xbf16, #tpu.memory_space<hbm>>
          tpu.enqueue_indirect_dma source(%dma_start3A_367 : memref<10000x64xbf16, #tpu.memory_space<hbm>>) target(%dma_start3A_361 : memref<88x64xbf16, #tpu.memory_space<vmem>>) offsets(%dma_start3A_364 : memref<88xi32, #tpu.memory_space<vmem>>) semaphore(%arg15 : memref<!tpu.dma_semaphore, #tpu.memory_space<semaphore_mem>>)
        } else {
        }
        %add3A_287 = arith.constant 3 : i32
        %add3A_288 = arith.addi %mul3A_118, %add3A_287 : i32
        %dma_wait3A_289 = arith.constant 3 : i32
        %dma_wait3A_290 = arith.constant 0 : i32
        %dma_wait3A_291 = arith.constant 0 : i32
        %dma_wait3A_292 = tpu.memref_slice %arg6[%dma_wait3A_289, %dma_wait3A_290, %dma_wait3A_291] : memref<4x200x64xbf16, #tpu.memory_space<vmem>> -> memref<1x112x64xbf16, #tpu.memory_space<vmem>>
        %dma_wait3A_293 = tpu.memref_squeeze %dma_wait3A_292 : memref<1x112x64xbf16, #tpu.memory_space<vmem>> -> memref<112x64xbf16, #tpu.memory_space<vmem>>
        %dma_wait3A_294 = arith.constant 0 : i32
        %dma_wait3A_295 = arith.constant 0 : i32
        %dma_wait3A_296 = tpu.memref_slice %arg3[%dma_wait3A_294, %dma_wait3A_295] : memref<10000x64xbf16, #tpu.memory_space<hbm>> -> memref<112x64xbf16, #tpu.memory_space<hbm>>
        %dma_wait3A_297 = arith.constant 0 : i32
        %dma_wait3A_298 = arith.constant 0 : i32
        %dma_wait3A_299 = tpu.memref_slice %arg6[%dma_wait3A_289, %dma_wait3A_297, %dma_wait3A_298] : memref<4x200x64xbf16, #tpu.memory_space<vmem>> -> memref<1x112x64xbf16, #tpu.memory_space<vmem>>
        %dma_wait3A_300 = tpu.memref_squeeze %dma_wait3A_299 : memref<1x112x64xbf16, #tpu.memory_space<vmem>> -> memref<112x64xbf16, #tpu.memory_space<vmem>>
        %dma_wait3A_301 = arith.constant 0 : i32
        %dma_wait3A_302 = arith.constant 0 : i32
        %dma_wait3A_303 = tpu.memref_slice %arg3[%dma_wait3A_301, %dma_wait3A_302] : memref<10000x64xbf16, #tpu.memory_space<hbm>> -> memref<112x64xbf16, #tpu.memory_space<hbm>>
        tpu.wait_dma2 semaphore(%arg12 : memref<!tpu.dma_semaphore, #tpu.memory_space<semaphore_mem>>) src(%dma_wait3A_303 : memref<112x64xbf16, #tpu.memory_space<hbm>>) dst(%dma_wait3A_300 : memref<112x64xbf16, #tpu.memory_space<vmem>>)
        %dma_wait3A_304 = arith.constant 3 : i32
        %dma_wait3A_305 = arith.constant 112 : i32
        %dma_wait3A_306 = arith.constant 0 : i32
        %dma_wait3A_307 = tpu.memref_slice %arg6[%dma_wait3A_304, %dma_wait3A_305, %dma_wait3A_306] : memref<4x200x64xbf16, #tpu.memory_space<vmem>> -> memref<1x88x64xbf16, #tpu.memory_space<vmem>>
        %dma_wait3A_308 = tpu.memref_squeeze %dma_wait3A_307 : memref<1x88x64xbf16, #tpu.memory_space<vmem>> -> memref<88x64xbf16, #tpu.memory_space<vmem>>
        %dma_wait3A_309 = arith.constant 0 : i32
        %dma_wait3A_310 = arith.constant 0 : i32
        %dma_wait3A_311 = tpu.memref_slice %arg3[%dma_wait3A_309, %dma_wait3A_310] : memref<10000x64xbf16, #tpu.memory_space<hbm>> -> memref<88x64xbf16, #tpu.memory_space<hbm>>
        %dma_wait3A_312 = arith.constant 112 : i32
        %dma_wait3A_313 = arith.constant 0 : i32
        %dma_wait3A_314 = tpu.memref_slice %arg6[%dma_wait3A_304, %dma_wait3A_312, %dma_wait3A_313] : memref<4x200x64xbf16, #tpu.memory_space<vmem>> -> memref<1x88x64xbf16, #tpu.memory_space<vmem>>
        %dma_wait3A_315 = tpu.memref_squeeze %dma_wait3A_314 : memref<1x88x64xbf16, #tpu.memory_space<vmem>> -> memref<88x64xbf16, #tpu.memory_space<vmem>>
        %dma_wait3A_316 = arith.constant 0 : i32
        %dma_wait3A_317 = arith.constant 0 : i32
        %dma_wait3A_318 = tpu.memref_slice %arg3[%dma_wait3A_316, %dma_wait3A_317] : memref<10000x64xbf16, #tpu.memory_space<hbm>> -> memref<88x64xbf16, #tpu.memory_space<hbm>>
        tpu.wait_dma2 semaphore(%arg16 : memref<!tpu.dma_semaphore, #tpu.memory_space<semaphore_mem>>) src(%dma_wait3A_318 : memref<88x64xbf16, #tpu.memory_space<hbm>>) dst(%dma_wait3A_315 : memref<88x64xbf16, #tpu.memory_space<vmem>>)
        %scan3A_319 = arith.constant 0 : i32
        %scan3A_320 = arith.constant 10 : i32
        %scan3A_321 = arith.addi %scan3A_319, %scan3A_320 : i32
        %scan3A_322 = arith.constant 1 : i32
        %scan3A_323:4 = scf.for %scan3A_344 = %scan3A_319 to %scan3A_321 step %scan3A_322 iter_args(%scan3A_345 = %broadcast_in_dim3A_3, %scan3A_346 = %broadcast_in_dim3A_3, %scan3A_347 = %broadcast_in_dim3A_3, %scan3A_348 = %broadcast_in_dim3A_3) -> (vector<16xf32>, vector<16xf32>, vector<16xf32>, vector<16xf32>)  : i32 {
          %mul3A_349 = arith.constant 20 : i32
          %mul3A_350 = arith.muli %scan3A_344, %mul3A_349 : i32
          %add3A_351 = arith.constant 0 : i32
          %add3A_352 = arith.addi %mul3A_350, %add3A_351 : i32
          %get3A = arith.constant 3 : i32
          %get3A_353 = arith.index_cast %get3A : i32 to index
          %get3A_354 = arith.index_cast %add3A_352 : i32 to index
          %get3A_355 = arith.constant 0 : index
          %get3A_356 = tpu.vector_load %arg6[%get3A_353, %get3A_354, %get3A_355] {strides = array<i32>} : memref<4x200x64xbf16, #tpu.memory_space<vmem>>, vector<32xbf16>,
          %add3A_357 = arith.constant 1 : i32
          %add3A_358 = arith.addi %add3A_352, %add3A_357 : i32
          %get3A_359 = arith.constant 3 : i32
          %get3A_360 = arith.index_cast %get3A_359 : i32 to index
          %get3A_361 = arith.index_cast %add3A_358 : i32 to index
          %get3A_362 = arith.constant 0 : index
          %get3A_363 = tpu.vector_load %arg6[%get3A_360, %get3A_361, %get3A_362] {strides = array<i32>} : memref<4x200x64xbf16, #tpu.memory_space<vmem>>, vector<32xbf16>,
          %add3A_364 = arith.addf %get3A_356, %get3A_363 : vector<32xbf16>
          %unpack3A = tpu.unpack_subelements %add3A_364, 0 {pack_format = #tpu.pack_format<interleaved>} : vector<32xbf16> -> vector<16xf32>
          %unpack3A_365 = tpu.unpack_subelements %add3A_364, 1 {pack_format = #tpu.pack_format<interleaved>} : vector<32xbf16> -> vector<16xf32>
          %add3A_366 = arith.addf %scan3A_345, %unpack3A : vector<16xf32>
          %add3A_367 = arith.addf %scan3A_346, %unpack3A_365 : vector<16xf32>
          %get3A_368 = arith.constant 3 : i32
          %get3A_369 = arith.index_cast %get3A_368 : i32 to index
          %get3A_370 = arith.index_cast %add3A_352 : i32 to index
          %get3A_371 = arith.constant 32 : index
          %get3A_372 = tpu.vector_load %arg6[%get3A_369, %get3A_370, %get3A_371] {strides = array<i32>} : memref<4x200x64xbf16, #tpu.memory_space<vmem>>, vector<32xbf16>,
          %add3A_373 = arith.constant 1 : i32
          %add3A_374 = arith.addi %add3A_352, %add3A_373 : i32
          %get3A_375 = arith.constant 3 : i32
          %get3A_376 = arith.index_cast %get3A_375 : i32 to index
          %get3A_377 = arith.index_cast %add3A_374 : i32 to index
          %get3A_378 = arith.constant 32 : index
          %get3A_379 = tpu.vector_load %arg6[%get3A_376, %get3A_377, %get3A_378] {strides = array<i32>} : memref<4x200x64xbf16, #tpu.memory_space<vmem>>, vector<32xbf16>,
          %add3A_380 = arith.addf %get3A_372, %get3A_379 : vector<32xbf16>
          %unpack3A_381 = tpu.unpack_subelements %add3A_380, 0 {pack_format = #tpu.pack_format<interleaved>} : vector<32xbf16> -> vector<16xf32>
          %unpack3A_382 = tpu.unpack_subelements %add3A_380, 1 {pack_format = #tpu.pack_format<interleaved>} : vector<32xbf16> -> vector<16xf32>
          %add3A_383 = arith.addf %scan3A_347, %unpack3A_381 : vector<16xf32>
          %add3A_384 = arith.addf %scan3A_348, %unpack3A_382 : vector<16xf32>
          %mul3A_385 = arith.constant 20 : i32
          %mul3A_386 = arith.muli %scan3A_344, %mul3A_385 : i32
          %add3A_387 = arith.constant 2 : i32
          %add3A_388 = arith.addi %mul3A_386, %add3A_387 : i32
          %get3A_389 = arith.constant 3 : i32
          %get3A_390 = arith.index_cast %get3A_389 : i32 to index
          %get3A_391 = arith.index_cast %add3A_388 : i32 to index
          %get3A_392 = arith.constant 0 : index
          %get3A_393 = tpu.vector_load %arg6[%get3A_390, %get3A_391, %get3A_392] {strides = array<i32>} : memref<4x200x64xbf16, #tpu.memory_space<vmem>>, vector<32xbf16>,
          %add3A_394 = arith.constant 1 : i32
          %add3A_395 = arith.addi %add3A_388, %add3A_394 : i32
          %get3A_396 = arith.constant 3 : i32
          %get3A_397 = arith.index_cast %get3A_396 : i32 to index
          %get3A_398 = arith.index_cast %add3A_395 : i32 to index
          %get3A_399 = arith.constant 0 : index
          %get3A_400 = tpu.vector_load %arg6[%get3A_397, %get3A_398, %get3A_399] {strides = array<i32>} : memref<4x200x64xbf16, #tpu.memory_space<vmem>>, vector<32xbf16>,
          %add3A_401 = arith.addf %get3A_393, %get3A_400 : vector<32xbf16>
          %unpack3A_402 = tpu.unpack_subelements %add3A_401, 0 {pack_format = #tpu.pack_format<interleaved>} : vector<32xbf16> -> vector<16xf32>
          %unpack3A_403 = tpu.unpack_subelements %add3A_401, 1 {pack_format = #tpu.pack_format<interleaved>} : vector<32xbf16> -> vector<16xf32>
          %add3A_404 = arith.addf %add3A_366, %unpack3A_402 : vector<16xf32>
          %add3A_405 = arith.addf %add3A_367, %unpack3A_403 : vector<16xf32>
          %get3A_406 = arith.constant 3 : i32
          %get3A_407 = arith.index_cast %get3A_406 : i32 to index
          %get3A_408 = arith.index_cast %add3A_388 : i32 to index
          %get3A_409 = arith.constant 32 : index
          %get3A_410 = tpu.vector_load %arg6[%get3A_407, %get3A_408, %get3A_409] {strides = array<i32>} : memref<4x200x64xbf16, #tpu.memory_space<vmem>>, vector<32xbf16>,
          %add3A_411 = arith.constant 1 : i32
          %add3A_412 = arith.addi %add3A_388, %add3A_411 : i32
          %get3A_413 = arith.constant 3 : i32
          %get3A_414 = arith.index_cast %get3A_413 : i32 to index
          %get3A_415 = arith.index_cast %add3A_412 : i32 to index
          %get3A_416 = arith.constant 32 : index
          %get3A_417 = tpu.vector_load %arg6[%get3A_414, %get3A_415, %get3A_416] {strides = array<i32>} : memref<4x200x64xbf16, #tpu.memory_space<vmem>>, vector<32xbf16>,
          %add3A_418 = arith.addf %get3A_410, %get3A_417 : vector<32xbf16>
          %unpack3A_419 = tpu.unpack_subelements %add3A_418, 0 {pack_format = #tpu.pack_format<interleaved>} : vector<32xbf16> -> vector<16xf32>
          %unpack3A_420 = tpu.unpack_subelements %add3A_418, 1 {pack_format = #tpu.pack_format<interleaved>} : vector<32xbf16> -> vector<16xf32>
          %add3A_421 = arith.addf %add3A_383, %unpack3A_419 : vector<16xf32>
          %add3A_422 = arith.addf %add3A_384, %unpack3A_420 : vector<16xf32>
          %mul3A_423 = arith.constant 20 : i32
          %mul3A_424 = arith.muli %scan3A_344, %mul3A_423 : i32
          %add3A_425 = arith.constant 4 : i32
          %add3A_426 = arith.addi %mul3A_424, %add3A_425 : i32
          %get3A_427 = arith.constant 3 : i32
          %get3A_428 = arith.index_cast %get3A_427 : i32 to index
          %get3A_429 = arith.index_cast %add3A_426 : i32 to index
          %get3A_430 = arith.constant 0 : index
          %get3A_431 = tpu.vector_load %arg6[%get3A_428, %get3A_429, %get3A_430] {strides = array<i32>} : memref<4x200x64xbf16, #tpu.memory_space<vmem>>, vector<32xbf16>,
          %add3A_432 = arith.constant 1 : i32
          %add3A_433 = arith.addi %add3A_426, %add3A_432 : i32
          %get3A_434 = arith.constant 3 : i32
          %get3A_435 = arith.index_cast %get3A_434 : i32 to index
          %get3A_436 = arith.index_cast %add3A_433 : i32 to index
          %get3A_437 = arith.constant 0 : index
          %get3A_438 = tpu.vector_load %arg6[%get3A_435, %get3A_436, %get3A_437] {strides = array<i32>} : memref<4x200x64xbf16, #tpu.memory_space<vmem>>, vector<32xbf16>,
          %add3A_439 = arith.addf %get3A_431, %get3A_438 : vector<32xbf16>
          %unpack3A_440 = tpu.unpack_subelements %add3A_439, 0 {pack_format = #tpu.pack_format<interleaved>} : vector<32xbf16> -> vector<16xf32>
          %unpack3A_441 = tpu.unpack_subelements %add3A_439, 1 {pack_format = #tpu.pack_format<interleaved>} : vector<32xbf16> -> vector<16xf32>
          %add3A_442 = arith.addf %add3A_404, %unpack3A_440 : vector<16xf32>
          %add3A_443 = arith.addf %add3A_405, %unpack3A_441 : vector<16xf32>
          %get3A_444 = arith.constant 3 : i32
          %get3A_445 = arith.index_cast %get3A_444 : i32 to index
          %get3A_446 = arith.index_cast %add3A_426 : i32 to index
          %get3A_447 = arith.constant 32 : index
          %get3A_448 = tpu.vector_load %arg6[%get3A_445, %get3A_446, %get3A_447] {strides = array<i32>} : memref<4x200x64xbf16, #tpu.memory_space<vmem>>, vector<32xbf16>,
          %add3A_449 = arith.constant 1 : i32
          %add3A_450 = arith.addi %add3A_426, %add3A_449 : i32
          %get3A_451 = arith.constant 3 : i32
          %get3A_452 = arith.index_cast %get3A_451 : i32 to index
          %get3A_453 = arith.index_cast %add3A_450 : i32 to index
          %get3A_454 = arith.constant 32 : index
          %get3A_455 = tpu.vector_load %arg6[%get3A_452, %get3A_453, %get3A_454] {strides = array<i32>} : memref<4x200x64xbf16, #tpu.memory_space<vmem>>, vector<32xbf16>,
          %add3A_456 = arith.addf %get3A_448, %get3A_455 : vector<32xbf16>
          %unpack3A_457 = tpu.unpack_subelements %add3A_456, 0 {pack_format = #tpu.pack_format<interleaved>} : vector<32xbf16> -> vector<16xf32>
          %unpack3A_458 = tpu.unpack_subelements %add3A_456, 1 {pack_format = #tpu.pack_format<interleaved>} : vector<32xbf16> -> vector<16xf32>
          %add3A_459 = arith.addf %add3A_421, %unpack3A_457 : vector<16xf32>
          %add3A_460 = arith.addf %add3A_422, %unpack3A_458 : vector<16xf32>
          %mul3A_461 = arith.constant 20 : i32
          %mul3A_462 = arith.muli %scan3A_344, %mul3A_461 : i32
          %add3A_463 = arith.constant 6 : i32
          %add3A_464 = arith.addi %mul3A_462, %add3A_463 : i32
          %get3A_465 = arith.constant 3 : i32
          %get3A_466 = arith.index_cast %get3A_465 : i32 to index
          %get3A_467 = arith.index_cast %add3A_464 : i32 to index
          %get3A_468 = arith.constant 0 : index
          %get3A_469 = tpu.vector_load %arg6[%get3A_466, %get3A_467, %get3A_468] {strides = array<i32>} : memref<4x200x64xbf16, #tpu.memory_space<vmem>>, vector<32xbf16>,
          %add3A_470 = arith.constant 1 : i32
          %add3A_471 = arith.addi %add3A_464, %add3A_470 : i32
          %get3A_472 = arith.constant 3 : i32
          %get3A_473 = arith.index_cast %get3A_472 : i32 to index
          %get3A_474 = arith.index_cast %add3A_471 : i32 to index
          %get3A_475 = arith.constant 0 : index
          %get3A_476 = tpu.vector_load %arg6[%get3A_473, %get3A_474, %get3A_475] {strides = array<i32>} : memref<4x200x64xbf16, #tpu.memory_space<vmem>>, vector<32xbf16>,
          %add3A_477 = arith.addf %get3A_469, %get3A_476 : vector<32xbf16>
          %unpack3A_478 = tpu.unpack_subelements %add3A_477, 0 {pack_format = #tpu.pack_format<interleaved>} : vector<32xbf16> -> vector<16xf32>
          %unpack3A_479 = tpu.unpack_subelements %add3A_477, 1 {pack_format = #tpu.pack_format<interleaved>} : vector<32xbf16> -> vector<16xf32>
          %add3A_480 = arith.addf %add3A_442, %unpack3A_478 : vector<16xf32>
          %add3A_481 = arith.addf %add3A_443, %unpack3A_479 : vector<16xf32>
          %get3A_482 = arith.constant 3 : i32
          %get3A_483 = arith.index_cast %get3A_482 : i32 to index
          %get3A_484 = arith.index_cast %add3A_464 : i32 to index
          %get3A_485 = arith.constant 32 : index
          %get3A_486 = tpu.vector_load %arg6[%get3A_483, %get3A_484, %get3A_485] {strides = array<i32>} : memref<4x200x64xbf16, #tpu.memory_space<vmem>>, vector<32xbf16>,
          %add3A_487 = arith.constant 1 : i32
          %add3A_488 = arith.addi %add3A_464, %add3A_487 : i32
          %get3A_489 = arith.constant 3 : i32
          %get3A_490 = arith.index_cast %get3A_489 : i32 to index
          %get3A_491 = arith.index_cast %add3A_488 : i32 to index
          %get3A_492 = arith.constant 32 : index
          %get3A_493 = tpu.vector_load %arg6[%get3A_490, %get3A_491, %get3A_492] {strides = array<i32>} : memref<4x200x64xbf16, #tpu.memory_space<vmem>>, vector<32xbf16>,
          %add3A_494 = arith.addf %get3A_486, %get3A_493 : vector<32xbf16>
          %unpack3A_495 = tpu.unpack_subelements %add3A_494, 0 {pack_format = #tpu.pack_format<interleaved>} : vector<32xbf16> -> vector<16xf32>
          %unpack3A_496 = tpu.unpack_subelements %add3A_494, 1 {pack_format = #tpu.pack_format<interleaved>} : vector<32xbf16> -> vector<16xf32>
          %add3A_497 = arith.addf %add3A_459, %unpack3A_495 : vector<16xf32>
          %add3A_498 = arith.addf %add3A_460, %unpack3A_496 : vector<16xf32>
          %mul3A_499 = arith.constant 20 : i32
          %mul3A_500 = arith.muli %scan3A_344, %mul3A_499 : i32
          %add3A_501 = arith.constant 8 : i32
          %add3A_502 = arith.addi %mul3A_500, %add3A_501 : i32
          %get3A_503 = arith.constant 3 : i32
          %get3A_504 = arith.index_cast %get3A_503 : i32 to index
          %get3A_505 = arith.index_cast %add3A_502 : i32 to index
          %get3A_506 = arith.constant 0 : index
          %get3A_507 = tpu.vector_load %arg6[%get3A_504, %get3A_505, %get3A_506] {strides = array<i32>} : memref<4x200x64xbf16, #tpu.memory_space<vmem>>, vector<32xbf16>,
          %add3A_508 = arith.constant 1 : i32
          %add3A_509 = arith.addi %add3A_502, %add3A_508 : i32
          %get3A_510 = arith.constant 3 : i32
          %get3A_511 = arith.index_cast %get3A_510 : i32 to index
          %get3A_512 = arith.index_cast %add3A_509 : i32 to index
          %get3A_513 = arith.constant 0 : index
          %get3A_514 = tpu.vector_load %arg6[%get3A_511, %get3A_512, %get3A_513] {strides = array<i32>} : memref<4x200x64xbf16, #tpu.memory_space<vmem>>, vector<32xbf16>,
          %add3A_515 = arith.addf %get3A_507, %get3A_514 : vector<32xbf16>
          %unpack3A_516 = tpu.unpack_subelements %add3A_515, 0 {pack_format = #tpu.pack_format<interleaved>} : vector<32xbf16> -> vector<16xf32>
          %unpack3A_517 = tpu.unpack_subelements %add3A_515, 1 {pack_format = #tpu.pack_format<interleaved>} : vector<32xbf16> -> vector<16xf32>
          %add3A_518 = arith.addf %add3A_480, %unpack3A_516 : vector<16xf32>
          %add3A_519 = arith.addf %add3A_481, %unpack3A_517 : vector<16xf32>
          %get3A_520 = arith.constant 3 : i32
          %get3A_521 = arith.index_cast %get3A_520 : i32 to index
          %get3A_522 = arith.index_cast %add3A_502 : i32 to index
          %get3A_523 = arith.constant 32 : index
          %get3A_524 = tpu.vector_load %arg6[%get3A_521, %get3A_522, %get3A_523] {strides = array<i32>} : memref<4x200x64xbf16, #tpu.memory_space<vmem>>, vector<32xbf16>,
          %add3A_525 = arith.constant 1 : i32
          %add3A_526 = arith.addi %add3A_502, %add3A_525 : i32
          %get3A_527 = arith.constant 3 : i32
          %get3A_528 = arith.index_cast %get3A_527 : i32 to index
          %get3A_529 = arith.index_cast %add3A_526 : i32 to index
          %get3A_530 = arith.constant 32 : index
          %get3A_531 = tpu.vector_load %arg6[%get3A_528, %get3A_529, %get3A_530] {strides = array<i32>} : memref<4x200x64xbf16, #tpu.memory_space<vmem>>, vector<32xbf16>,
          %add3A_532 = arith.addf %get3A_524, %get3A_531 : vector<32xbf16>
          %unpack3A_533 = tpu.unpack_subelements %add3A_532, 0 {pack_format = #tpu.pack_format<interleaved>} : vector<32xbf16> -> vector<16xf32>
          %unpack3A_534 = tpu.unpack_subelements %add3A_532, 1 {pack_format = #tpu.pack_format<interleaved>} : vector<32xbf16> -> vector<16xf32>
          %add3A_535 = arith.addf %add3A_497, %unpack3A_533 : vector<16xf32>
          %add3A_536 = arith.addf %add3A_498, %unpack3A_534 : vector<16xf32>
          %mul3A_537 = arith.constant 20 : i32
          %mul3A_538 = arith.muli %scan3A_344, %mul3A_537 : i32
          %add3A_539 = arith.constant 10 : i32
          %add3A_540 = arith.addi %mul3A_538, %add3A_539 : i32
          %get3A_541 = arith.constant 3 : i32
          %get3A_542 = arith.index_cast %get3A_541 : i32 to index
          %get3A_543 = arith.index_cast %add3A_540 : i32 to index
          %get3A_544 = arith.constant 0 : index
          %get3A_545 = tpu.vector_load %arg6[%get3A_542, %get3A_543, %get3A_544] {strides = array<i32>} : memref<4x200x64xbf16, #tpu.memory_space<vmem>>, vector<32xbf16>,
          %add3A_546 = arith.constant 1 : i32
          %add3A_547 = arith.addi %add3A_540, %add3A_546 : i32
          %get3A_548 = arith.constant 3 : i32
          %get3A_549 = arith.index_cast %get3A_548 : i32 to index
          %get3A_550 = arith.index_cast %add3A_547 : i32 to index
          %get3A_551 = arith.constant 0 : index
          %get3A_552 = tpu.vector_load %arg6[%get3A_549, %get3A_550, %get3A_551] {strides = array<i32>} : memref<4x200x64xbf16, #tpu.memory_space<vmem>>, vector<32xbf16>,
          %add3A_553 = arith.addf %get3A_545, %get3A_552 : vector<32xbf16>
          %unpack3A_554 = tpu.unpack_subelements %add3A_553, 0 {pack_format = #tpu.pack_format<interleaved>} : vector<32xbf16> -> vector<16xf32>
          %unpack3A_555 = tpu.unpack_subelements %add3A_553, 1 {pack_format = #tpu.pack_format<interleaved>} : vector<32xbf16> -> vector<16xf32>
          %add3A_556 = arith.addf %add3A_518, %unpack3A_554 : vector<16xf32>
          %add3A_557 = arith.addf %add3A_519, %unpack3A_555 : vector<16xf32>
          %get3A_558 = arith.constant 3 : i32
          %get3A_559 = arith.index_cast %get3A_558 : i32 to index
          %get3A_560 = arith.index_cast %add3A_540 : i32 to index
          %get3A_561 = arith.constant 32 : index
          %get3A_562 = tpu.vector_load %arg6[%get3A_559, %get3A_560, %get3A_561] {strides = array<i32>} : memref<4x200x64xbf16, #tpu.memory_space<vmem>>, vector<32xbf16>,
          %add3A_563 = arith.constant 1 : i32
          %add3A_564 = arith.addi %add3A_540, %add3A_563 : i32
          %get3A_565 = arith.constant 3 : i32
          %get3A_566 = arith.index_cast %get3A_565 : i32 to index
          %get3A_567 = arith.index_cast %add3A_564 : i32 to index
          %get3A_568 = arith.constant 32 : index
          %get3A_569 = tpu.vector_load %arg6[%get3A_566, %get3A_567, %get3A_568] {strides = array<i32>} : memref<4x200x64xbf16, #tpu.memory_space<vmem>>, vector<32xbf16>,
          %add3A_570 = arith.addf %get3A_562, %get3A_569 : vector<32xbf16>
          %unpack3A_571 = tpu.unpack_subelements %add3A_570, 0 {pack_format = #tpu.pack_format<interleaved>} : vector<32xbf16> -> vector<16xf32>
          %unpack3A_572 = tpu.unpack_subelements %add3A_570, 1 {pack_format = #tpu.pack_format<interleaved>} : vector<32xbf16> -> vector<16xf32>
          %add3A_573 = arith.addf %add3A_535, %unpack3A_571 : vector<16xf32>
          %add3A_574 = arith.addf %add3A_536, %unpack3A_572 : vector<16xf32>
          %mul3A_575 = arith.constant 20 : i32
          %mul3A_576 = arith.muli %scan3A_344, %mul3A_575 : i32
          %add3A_577 = arith.constant 12 : i32
          %add3A_578 = arith.addi %mul3A_576, %add3A_577 : i32
          %get3A_579 = arith.constant 3 : i32
          %get3A_580 = arith.index_cast %get3A_579 : i32 to index
          %get3A_581 = arith.index_cast %add3A_578 : i32 to index
          %get3A_582 = arith.constant 0 : index
          %get3A_583 = tpu.vector_load %arg6[%get3A_580, %get3A_581, %get3A_582] {strides = array<i32>} : memref<4x200x64xbf16, #tpu.memory_space<vmem>>, vector<32xbf16>,
          %add3A_584 = arith.constant 1 : i32
          %add3A_585 = arith.addi %add3A_578, %add3A_584 : i32
          %get3A_586 = arith.constant 3 : i32
          %get3A_587 = arith.index_cast %get3A_586 : i32 to index
          %get3A_588 = arith.index_cast %add3A_585 : i32 to index
          %get3A_589 = arith.constant 0 : index
          %get3A_590 = tpu.vector_load %arg6[%get3A_587, %get3A_588, %get3A_589] {strides = array<i32>} : memref<4x200x64xbf16, #tpu.memory_space<vmem>>, vector<32xbf16>,
          %add3A_591 = arith.addf %get3A_583, %get3A_590 : vector<32xbf16>
          %unpack3A_592 = tpu.unpack_subelements %add3A_591, 0 {pack_format = #tpu.pack_format<interleaved>} : vector<32xbf16> -> vector<16xf32>
          %unpack3A_593 = tpu.unpack_subelements %add3A_591, 1 {pack_format = #tpu.pack_format<interleaved>} : vector<32xbf16> -> vector<16xf32>
          %add3A_594 = arith.addf %add3A_556, %unpack3A_592 : vector<16xf32>
          %add3A_595 = arith.addf %add3A_557, %unpack3A_593 : vector<16xf32>
          %get3A_596 = arith.constant 3 : i32
          %get3A_597 = arith.index_cast %get3A_596 : i32 to index
          %get3A_598 = arith.index_cast %add3A_578 : i32 to index
          %get3A_599 = arith.constant 32 : index
          %get3A_600 = tpu.vector_load %arg6[%get3A_597, %get3A_598, %get3A_599] {strides = array<i32>} : memref<4x200x64xbf16, #tpu.memory_space<vmem>>, vector<32xbf16>,
          %add3A_601 = arith.constant 1 : i32
          %add3A_602 = arith.addi %add3A_578, %add3A_601 : i32
          %get3A_603 = arith.constant 3 : i32
          %get3A_604 = arith.index_cast %get3A_603 : i32 to index
          %get3A_605 = arith.index_cast %add3A_602 : i32 to index
          %get3A_606 = arith.constant 32 : index
          %get3A_607 = tpu.vector_load %arg6[%get3A_604, %get3A_605, %get3A_606] {strides = array<i32>} : memref<4x200x64xbf16, #tpu.memory_space<vmem>>, vector<32xbf16>,
          %add3A_608 = arith.addf %get3A_600, %get3A_607 : vector<32xbf16>
          %unpack3A_609 = tpu.unpack_subelements %add3A_608, 0 {pack_format = #tpu.pack_format<interleaved>} : vector<32xbf16> -> vector<16xf32>
          %unpack3A_610 = tpu.unpack_subelements %add3A_608, 1 {pack_format = #tpu.pack_format<interleaved>} : vector<32xbf16> -> vector<16xf32>
          %add3A_611 = arith.addf %add3A_573, %unpack3A_609 : vector<16xf32>
          %add3A_612 = arith.addf %add3A_574, %unpack3A_610 : vector<16xf32>
          %mul3A_613 = arith.constant 20 : i32
          %mul3A_614 = arith.muli %scan3A_344, %mul3A_613 : i32
          %add3A_615 = arith.constant 14 : i32
          %add3A_616 = arith.addi %mul3A_614, %add3A_615 : i32
          %get3A_617 = arith.constant 3 : i32
          %get3A_618 = arith.index_cast %get3A_617 : i32 to index
          %get3A_619 = arith.index_cast %add3A_616 : i32 to index
          %get3A_620 = arith.constant 0 : index
          %get3A_621 = tpu.vector_load %arg6[%get3A_618, %get3A_619, %get3A_620] {strides = array<i32>} : memref<4x200x64xbf16, #tpu.memory_space<vmem>>, vector<32xbf16>,
          %add3A_622 = arith.constant 1 : i32
          %add3A_623 = arith.addi %add3A_616, %add3A_622 : i32
          %get3A_624 = arith.constant 3 : i32
          %get3A_625 = arith.index_cast %get3A_624 : i32 to index
          %get3A_626 = arith.index_cast %add3A_623 : i32 to index
          %get3A_627 = arith.constant 0 : index
          %get3A_628 = tpu.vector_load %arg6[%get3A_625, %get3A_626, %get3A_627] {strides = array<i32>} : memref<4x200x64xbf16, #tpu.memory_space<vmem>>, vector<32xbf16>,
          %add3A_629 = arith.addf %get3A_621, %get3A_628 : vector<32xbf16>
          %unpack3A_630 = tpu.unpack_subelements %add3A_629, 0 {pack_format = #tpu.pack_format<interleaved>} : vector<32xbf16> -> vector<16xf32>
          %unpack3A_631 = tpu.unpack_subelements %add3A_629, 1 {pack_format = #tpu.pack_format<interleaved>} : vector<32xbf16> -> vector<16xf32>
          %add3A_632 = arith.addf %add3A_594, %unpack3A_630 : vector<16xf32>
          %add3A_633 = arith.addf %add3A_595, %unpack3A_631 : vector<16xf32>
          %get3A_634 = arith.constant 3 : i32
          %get3A_635 = arith.index_cast %get3A_634 : i32 to index
          %get3A_636 = arith.index_cast %add3A_616 : i32 to index
          %get3A_637 = arith.constant 32 : index
          %get3A_638 = tpu.vector_load %arg6[%get3A_635, %get3A_636, %get3A_637] {strides = array<i32>} : memref<4x200x64xbf16, #tpu.memory_space<vmem>>, vector<32xbf16>,
          %add3A_639 = arith.constant 1 : i32
          %add3A_640 = arith.addi %add3A_616, %add3A_639 : i32
          %get3A_641 = arith.constant 3 : i32
          %get3A_642 = arith.index_cast %get3A_641 : i32 to index
          %get3A_643 = arith.index_cast %add3A_640 : i32 to index
          %get3A_644 = arith.constant 32 : index
          %get3A_645 = tpu.vector_load %arg6[%get3A_642, %get3A_643, %get3A_644] {strides = array<i32>} : memref<4x200x64xbf16, #tpu.memory_space<vmem>>, vector<32xbf16>,
          %add3A_646 = arith.addf %get3A_638, %get3A_645 : vector<32xbf16>
          %unpack3A_647 = tpu.unpack_subelements %add3A_646, 0 {pack_format = #tpu.pack_format<interleaved>} : vector<32xbf16> -> vector<16xf32>
          %unpack3A_648 = tpu.unpack_subelements %add3A_646, 1 {pack_format = #tpu.pack_format<interleaved>} : vector<32xbf16> -> vector<16xf32>
          %add3A_649 = arith.addf %add3A_611, %unpack3A_647 : vector<16xf32>
          %add3A_650 = arith.addf %add3A_612, %unpack3A_648 : vector<16xf32>
          %mul3A_651 = arith.constant 20 : i32
          %mul3A_652 = arith.muli %scan3A_344, %mul3A_651 : i32
          %add3A_653 = arith.constant 16 : i32
          %add3A_654 = arith.addi %mul3A_652, %add3A_653 : i32
          %get3A_655 = arith.constant 3 : i32
          %get3A_656 = arith.index_cast %get3A_655 : i32 to index
          %get3A_657 = arith.index_cast %add3A_654 : i32 to index
          %get3A_658 = arith.constant 0 : index
          %get3A_659 = tpu.vector_load %arg6[%get3A_656, %get3A_657, %get3A_658] {strides = array<i32>} : memref<4x200x64xbf16, #tpu.memory_space<vmem>>, vector<32xbf16>,
          %add3A_660 = arith.constant 1 : i32
          %add3A_661 = arith.addi %add3A_654, %add3A_660 : i32
          %get3A_662 = arith.constant 3 : i32
          %get3A_663 = arith.index_cast %get3A_662 : i32 to index
          %get3A_664 = arith.index_cast %add3A_661 : i32 to index
          %get3A_665 = arith.constant 0 : index
          %get3A_666 = tpu.vector_load %arg6[%get3A_663, %get3A_664, %get3A_665] {strides = array<i32>} : memref<4x200x64xbf16, #tpu.memory_space<vmem>>, vector<32xbf16>,
          %add3A_667 = arith.addf %get3A_659, %get3A_666 : vector<32xbf16>
          %unpack3A_668 = tpu.unpack_subelements %add3A_667, 0 {pack_format = #tpu.pack_format<interleaved>} : vector<32xbf16> -> vector<16xf32>
          %unpack3A_669 = tpu.unpack_subelements %add3A_667, 1 {pack_format = #tpu.pack_format<interleaved>} : vector<32xbf16> -> vector<16xf32>
          %add3A_670 = arith.addf %add3A_632, %unpack3A_668 : vector<16xf32>
          %add3A_671 = arith.addf %add3A_633, %unpack3A_669 : vector<16xf32>
          %get3A_672 = arith.constant 3 : i32
          %get3A_673 = arith.index_cast %get3A_672 : i32 to index
          %get3A_674 = arith.index_cast %add3A_654 : i32 to index
          %get3A_675 = arith.constant 32 : index
          %get3A_676 = tpu.vector_load %arg6[%get3A_673, %get3A_674, %get3A_675] {strides = array<i32>} : memref<4x200x64xbf16, #tpu.memory_space<vmem>>, vector<32xbf16>,
          %add3A_677 = arith.constant 1 : i32
          %add3A_678 = arith.addi %add3A_654, %add3A_677 : i32
          %get3A_679 = arith.constant 3 : i32
          %get3A_680 = arith.index_cast %get3A_679 : i32 to index
          %get3A_681 = arith.index_cast %add3A_678 : i32 to index
          %get3A_682 = arith.constant 32 : index
          %get3A_683 = tpu.vector_load %arg6[%get3A_680, %get3A_681, %get3A_682] {strides = array<i32>} : memref<4x200x64xbf16, #tpu.memory_space<vmem>>, vector<32xbf16>,
          %add3A_684 = arith.addf %get3A_676, %get3A_683 : vector<32xbf16>
          %unpack3A_685 = tpu.unpack_subelements %add3A_684, 0 {pack_format = #tpu.pack_format<interleaved>} : vector<32xbf16> -> vector<16xf32>
          %unpack3A_686 = tpu.unpack_subelements %add3A_684, 1 {pack_format = #tpu.pack_format<interleaved>} : vector<32xbf16> -> vector<16xf32>
          %add3A_687 = arith.addf %add3A_649, %unpack3A_685 : vector<16xf32>
          %add3A_688 = arith.addf %add3A_650, %unpack3A_686 : vector<16xf32>
          %mul3A_689 = arith.constant 20 : i32
          %mul3A_690 = arith.muli %scan3A_344, %mul3A_689 : i32
          %add3A_691 = arith.constant 18 : i32
          %add3A_692 = arith.addi %mul3A_690, %add3A_691 : i32
          %get3A_693 = arith.constant 3 : i32
          %get3A_694 = arith.index_cast %get3A_693 : i32 to index
          %get3A_695 = arith.index_cast %add3A_692 : i32 to index
          %get3A_696 = arith.constant 0 : index
          %get3A_697 = tpu.vector_load %arg6[%get3A_694, %get3A_695, %get3A_696] {strides = array<i32>} : memref<4x200x64xbf16, #tpu.memory_space<vmem>>, vector<32xbf16>,
          %add3A_698 = arith.constant 1 : i32
          %add3A_699 = arith.addi %add3A_692, %add3A_698 : i32
          %get3A_700 = arith.constant 3 : i32
          %get3A_701 = arith.index_cast %get3A_700 : i32 to index
          %get3A_702 = arith.index_cast %add3A_699 : i32 to index
          %get3A_703 = arith.constant 0 : index
          %get3A_704 = tpu.vector_load %arg6[%get3A_701, %get3A_702, %get3A_703] {strides = array<i32>} : memref<4x200x64xbf16, #tpu.memory_space<vmem>>, vector<32xbf16>,
          %add3A_705 = arith.addf %get3A_697, %get3A_704 : vector<32xbf16>
          %unpack3A_706 = tpu.unpack_subelements %add3A_705, 0 {pack_format = #tpu.pack_format<interleaved>} : vector<32xbf16> -> vector<16xf32>
          %unpack3A_707 = tpu.unpack_subelements %add3A_705, 1 {pack_format = #tpu.pack_format<interleaved>} : vector<32xbf16> -> vector<16xf32>
          %add3A_708 = arith.addf %add3A_670, %unpack3A_706 : vector<16xf32>
          %add3A_709 = arith.addf %add3A_671, %unpack3A_707 : vector<16xf32>
          %get3A_710 = arith.constant 3 : i32
          %get3A_711 = arith.index_cast %get3A_710 : i32 to index
          %get3A_712 = arith.index_cast %add3A_692 : i32 to index
          %get3A_713 = arith.constant 32 : index
          %get3A_714 = tpu.vector_load %arg6[%get3A_711, %get3A_712, %get3A_713] {strides = array<i32>} : memref<4x200x64xbf16, #tpu.memory_space<vmem>>, vector<32xbf16>,
          %add3A_715 = arith.constant 1 : i32
          %add3A_716 = arith.addi %add3A_692, %add3A_715 : i32
          %get3A_717 = arith.constant 3 : i32
          %get3A_718 = arith.index_cast %get3A_717 : i32 to index
          %get3A_719 = arith.index_cast %add3A_716 : i32 to index
          %get3A_720 = arith.constant 32 : index
          %get3A_721 = tpu.vector_load %arg6[%get3A_718, %get3A_719, %get3A_720] {strides = array<i32>} : memref<4x200x64xbf16, #tpu.memory_space<vmem>>, vector<32xbf16>,
          %add3A_722 = arith.addf %get3A_714, %get3A_721 : vector<32xbf16>
          %unpack3A_723 = tpu.unpack_subelements %add3A_722, 0 {pack_format = #tpu.pack_format<interleaved>} : vector<32xbf16> -> vector<16xf32>
          %unpack3A_724 = tpu.unpack_subelements %add3A_722, 1 {pack_format = #tpu.pack_format<interleaved>} : vector<32xbf16> -> vector<16xf32>
          %add3A_725 = arith.addf %add3A_687, %unpack3A_723 : vector<16xf32>
          %add3A_726 = arith.addf %add3A_688, %unpack3A_724 : vector<16xf32>
          scf.yield %add3A_708, %add3A_709, %add3A_725, %add3A_726 : vector<16xf32>, vector<16xf32>, vector<16xf32>, vector<16xf32>
        }
        %scan3A_324 = arith.constant 10 : i32
        %swap3A_325 = arith.index_cast %add3A_288 : i32 to index
        %swap3A_326 = arith.constant 0 : index
        %swap3A_327 = tpu.vector_load %arg7[%swap3A_325, %swap3A_326] {strides = array<i32>} : memref<128x64xf32, #tpu.memory_space<vmem>>, vector<16xf32>,
        tpu.vector_store %arg7[%swap3A_325, %swap3A_326], %scan3A_323#0 {strides = array<i32>} : memref<128x64xf32, #tpu.memory_space<vmem>>, vector<16xf32>,
        %swap3A_328 = arith.index_cast %add3A_288 : i32 to index
        %swap3A_329 = arith.constant 16 : index
        %swap3A_330 = tpu.vector_load %arg7[%swap3A_328, %swap3A_329] {strides = array<i32>} : memref<128x64xf32, #tpu.memory_space<vmem>>, vector<16xf32>,
        tpu.vector_store %arg7[%swap3A_328, %swap3A_329], %scan3A_323#1 {strides = array<i32>} : memref<128x64xf32, #tpu.memory_space<vmem>>, vector<16xf32>,
        %swap3A_331 = arith.index_cast %add3A_288 : i32 to index
        %swap3A_332 = arith.constant 32 : index
        %swap3A_333 = tpu.vector_load %arg7[%swap3A_331, %swap3A_332] {strides = array<i32>} : memref<128x64xf32, #tpu.memory_space<vmem>>, vector<16xf32>,
        tpu.vector_store %arg7[%swap3A_331, %swap3A_332], %scan3A_323#2 {strides = array<i32>} : memref<128x64xf32, #tpu.memory_space<vmem>>, vector<16xf32>,
        %swap3A_334 = arith.index_cast %add3A_288 : i32 to index
        %swap3A_335 = arith.constant 48 : index
        %swap3A_336 = tpu.vector_load %arg7[%swap3A_334, %swap3A_335] {strides = array<i32>} : memref<128x64xf32, #tpu.memory_space<vmem>>, vector<16xf32>,
        tpu.vector_store %arg7[%swap3A_334, %swap3A_335], %scan3A_323#3 {strides = array<i32>} : memref<128x64xf32, #tpu.memory_space<vmem>>, vector<16xf32>,
        %add3A_337 = arith.constant 4 : i32
        %add3A_338 = arith.addi %add3A_288, %add3A_337 : i32
        %lt3A_339 = arith.constant 128 : i32
        %lt3A_340 = arith.cmpi slt, %add3A_338, %lt3A_339 : i32
        %convert_element_type3A_341 = arith.extui %lt3A_340 : i1 to i32
        %cond3A_342 = arith.constant 0 : i32
        %cond3A_343 = arith.cmpi ne, %convert_element_type3A_341, %cond3A_342 : i32
        scf.if %cond3A_343 {
          %add3A_344 = arith.constant 4 : i32
          %add3A_345 = arith.addi %add3A_288, %add3A_344 : i32
          %dma_start3A_346 = arith.constant 3 : i32
          %dma_start3A_347 = arith.constant 0 : i32
          %dma_start3A_348 = arith.constant 0 : i32
          %dma_start3A_349 = tpu.memref_slice %arg6[%dma_start3A_346, %dma_start3A_347, %dma_start3A_348] : memref<4x200x64xbf16, #tpu.memory_space<vmem>> -> memref<1x112x64xbf16, #tpu.memory_space<vmem>>
          %dma_start3A_350 = tpu.memref_squeeze %dma_start3A_349 : memref<1x112x64xbf16, #tpu.memory_space<vmem>> -> memref<112x64xbf16, #tpu.memory_space<vmem>>
          %dma_start3A_351 = arith.constant 0 : i32
          %dma_start3A_352 = tpu.memref_slice %arg5[%add3A_345, %dma_start3A_351] : memref<128x200xi32, #tpu.memory_space<vmem>> -> memref<1x112xi32, #tpu.memory_space<vmem>>
          %dma_start3A_353 = tpu.memref_squeeze %dma_start3A_352 : memref<1x112xi32, #tpu.memory_space<vmem>> -> memref<112xi32, #tpu.memory_space<vmem>>
          %dma_start3A_354 = arith.constant 0 : i32
          %dma_start3A_355 = arith.constant 0 : i32
          %dma_start3A_356 = tpu.memref_slice %arg8[%dma_start3A_354, %dma_start3A_355] : memref<10000x64xbf16, #tpu.memory_space<vmem_shared>> -> memref<10000x64xbf16, #tpu.memory_space<vmem_shared>>
          tpu.enqueue_indirect_dma source(%dma_start3A_356 : memref<10000x64xbf16, #tpu.memory_space<vmem_shared>>) target(%dma_start3A_350 : memref<112x64xbf16, #tpu.memory_space<vmem>>) offsets(%dma_start3A_353 : memref<112xi32, #tpu.memory_space<vmem>>) semaphore(%arg12 : memref<!tpu.dma_semaphore, #tpu.memory_space<semaphore_mem>>)
          %dma_start3A_357 = arith.constant 3 : i32
          %dma_start3A_358 = arith.constant 112 : i32
          %dma_start3A_359 = arith.constant 0 : i32
          %dma_start3A_360 = tpu.memref_slice %arg6[%dma_start3A_357, %dma_start3A_358, %dma_start3A_359] : memref<4x200x64xbf16, #tpu.memory_space<vmem>> -> memref<1x88x64xbf16, #tpu.memory_space<vmem>>
          %dma_start3A_361 = tpu.memref_squeeze %dma_start3A_360 : memref<1x88x64xbf16, #tpu.memory_space<vmem>> -> memref<88x64xbf16, #tpu.memory_space<vmem>>
          %dma_start3A_362 = arith.constant 112 : i32
          %dma_start3A_363 = tpu.memref_slice %arg5[%add3A_345, %dma_start3A_362] : memref<128x200xi32, #tpu.memory_space<vmem>> -> memref<1x88xi32, #tpu.memory_space<vmem>>
          %dma_start3A_364 = tpu.memref_squeeze %dma_start3A_363 : memref<1x88xi32, #tpu.memory_space<vmem>> -> memref<88xi32, #tpu.memory_space<vmem>>
          %dma_start3A_365 = arith.constant 0 : i32
          %dma_start3A_366 = arith.constant 0 : i32
          %dma_start3A_367 = tpu.memref_slice %arg3[%dma_start3A_365, %dma_start3A_366] : memref<10000x64xbf16, #tpu.memory_space<hbm>> -> memref<10000x64xbf16, #tpu.memory_space<hbm>>
          tpu.enqueue_indirect_dma source(%dma_start3A_367 : memref<10000x64xbf16, #tpu.memory_space<hbm>>) target(%dma_start3A_361 : memref<88x64xbf16, #tpu.memory_space<vmem>>) offsets(%dma_start3A_364 : memref<88xi32, #tpu.memory_space<vmem>>) semaphore(%arg16 : memref<!tpu.dma_semaphore, #tpu.memory_space<semaphore_mem>>)
        } else {
        }
      }
      %scan3A_115 = arith.constant 32 : i32
      "tpu.region"() ({
        %run_scoped3A = tpu.sem_alloc : memref<!tpu.dma_semaphore, #tpu.memory_space<semaphore_mem>>
        %dma_start3A_116 = arith.constant 0 : i32
        %dma_start3A_117 = tpu.memref_slice %arg4[%add3A_14, %dma_start3A_116] : memref<16384x64xf32, #tpu.memory_space<hbm>> -> memref<128x64xf32, #tpu.memory_space<hbm>>
        %dma_start3A_118 = arith.constant 0 : i32
        %dma_start3A_119 = tpu.memref_slice %arg4[%add3A_14, %dma_start3A_118] : memref<16384x64xf32, #tpu.memory_space<hbm>> -> memref<128x64xf32, #tpu.memory_space<hbm>>
        tpu.enqueue_dma source(%arg7 : memref<128x64xf32, #tpu.memory_space<vmem>>) target(%dma_start3A_119 : memref<128x64xf32, #tpu.memory_space<hbm>>) target_semaphore(%run_scoped3A : memref<!tpu.dma_semaphore, #tpu.memory_space<semaphore_mem>>)
        %dma_wait3A = arith.constant 0 : i32
        %dma_wait3A_120 = tpu.memref_slice %arg4[%add3A_14, %dma_wait3A] : memref<16384x64xf32, #tpu.memory_space<hbm>> -> memref<128x64xf32, #tpu.memory_space<hbm>>
        %dma_wait3A_121 = arith.constant 0 : i32
        %dma_wait3A_122 = tpu.memref_slice %arg4[%add3A_14, %dma_wait3A_121] : memref<16384x64xf32, #tpu.memory_space<hbm>> -> memref<128x64xf32, #tpu.memory_space<hbm>>
        tpu.wait_dma2 semaphore(%run_scoped3A : memref<!tpu.dma_semaphore, #tpu.memory_space<semaphore_mem>>) src(%arg7 : memref<128x64xf32, #tpu.memory_space<vmem>>) dst(%dma_wait3A_122 : memref<128x64xf32, #tpu.memory_space<hbm>>)
        tpu.yield
      }) : () -> ()
    }
    %scan3A_10 = arith.constant 4 : i32
    return
  }
}

module attributes {stable_mosaic.version = 14 : i64} {
  func.func @_mlp_block(%arg0: i32, %arg1: memref<2048x64xf32, #tpu.memory_space<vmem>>, %arg2: memref<64x128xf32, #tpu.memory_space<vmem>>, %arg3: memref<1x128xf32, #tpu.memory_space<vmem>>, %arg4: memref<1x128xf32, #tpu.memory_space<vmem>>, %arg5: memref<1x1xf32, #tpu.memory_space<vmem>>, %arg6: memref<2048x1xf32, #tpu.memory_space<vmem>>) attributes {dimension_semantics = [#tpu.dimension_semantics<arbitrary>], iteration_bounds = array<i64: 8>, scalar_prefetch = 0 : i64, scratch_operands = 0 : i64, tpu.core_type = #tpu.core_type<tc>, window_params = [{transform_indices = @transform_0, window_bounds = array<i64: 2048, 64>}, {pipeline_mode = #tpu.pipeline_mode<synchronous>, transform_indices = @transform_1, window_bounds = array<i64: 64, 128>}, {pipeline_mode = #tpu.pipeline_mode<synchronous>, transform_indices = @transform_2, window_bounds = array<i64: 1, 128>}, {pipeline_mode = #tpu.pipeline_mode<synchronous>, transform_indices = @transform_3, window_bounds = array<i64: 1, 128>}, {pipeline_mode = #tpu.pipeline_mode<synchronous>, transform_indices = @transform_4, window_bounds = array<i64: 1, 1>}, {transform_indices = @transform_5, window_bounds = array<i64: 2048, 1>}]} {
    %get3A = arith.constant 0 : index
    %get3A_0 = arith.constant 0 : index
    %get3A_1 = vector.load %arg1[%get3A, %get3A_0] : memref<2048x64xf32, #tpu.memory_space<vmem>>, vector<2048x64xf32>
    %mul3A = arith.constant 5.000000e-03 : f32
    %mul3A_2 = vector.broadcast %mul3A : f32 to vector<2048x64xf32>
    %mul3A_3 = arith.mulf %get3A_1, %mul3A_2 : vector<2048x64xf32>
    %get3A_4 = arith.constant 0 : index
    %get3A_5 = arith.constant 0 : index
    %get3A_6 = vector.load %arg2[%get3A_4, %get3A_5] : memref<64x128xf32, #tpu.memory_space<vmem>>, vector<64x128xf32>
    %dot_general3A = arith.constant dense<0.000000e+00> : vector<2048x128xf32>
    %dot_general3A_7 = tpu.matmul %mul3A_3, %get3A_6, %dot_general3A {dimension_numbers = #tpu.dot_dimension_numbers<[1], [0], [0], [1], [0, 0, 1, 1], [], []>, transpose_lhs_hint = false} : vector<2048x64xf32>, vector<64x128xf32>, vector<2048x128xf32> -> vector<2048x128xf32>
    %get3A_8 = arith.constant 0 : index
    %get3A_9 = arith.constant 0 : index
    %get3A_10 = vector.load %arg3[%get3A_8, %get3A_9] : memref<1x128xf32, #tpu.memory_space<vmem>>, vector<1x128xf32>
    %add3A = vector.broadcast %get3A_10 : vector<1x128xf32> to vector<2048x128xf32>
    %add3A_11 = arith.addf %dot_general3A_7, %add3A : vector<2048x128xf32>
    %max3A = arith.constant 0.000000e+00 : f32
    %max3A_12 = vector.broadcast %max3A : f32 to vector<2048x128xf32>
    %max3A_13 = arith.maximumf %add3A_11, %max3A_12 : vector<2048x128xf32>
    %get3A_14 = arith.constant 0 : index
    %get3A_15 = arith.constant 0 : index
    %get3A_16 = vector.load %arg4[%get3A_14, %get3A_15] : memref<1x128xf32, #tpu.memory_space<vmem>>, vector<1x128xf32>
    %mul3A_17 = vector.broadcast %get3A_16 : vector<1x128xf32> to vector<2048x128xf32>
    %mul3A_18 = arith.mulf %max3A_13, %mul3A_17 : vector<2048x128xf32>
    %reduce_sum3A = arith.constant dense<0.000000e+00> : vector<2048xf32>
    %reduce_sum3A_19 = vector.multi_reduction <add>, %mul3A_18, %reduce_sum3A [1] : vector<2048x128xf32> to vector<2048xf32>
    %broadcast_in_dim3A = vector.shape_cast %reduce_sum3A_19 : vector<2048xf32> to vector<2048x1xf32>
    %get3A_20 = arith.constant 0 : index
    %get3A_21 = arith.constant 0 : index
    %get3A_22 = vector.load %arg5[%get3A_20, %get3A_21] : memref<1x1xf32, #tpu.memory_space<vmem>>, vector<1x1xf32>
    %add3A_23 = vector.broadcast %get3A_22 : vector<1x1xf32> to vector<2048x1xf32>
    %add3A_24 = arith.addf %broadcast_in_dim3A, %add3A_23 : vector<2048x1xf32>
    %swap3A = arith.constant 0 : index
    %swap3A_25 = arith.constant 0 : index
    %swap3A_26 = vector.load %arg6[%swap3A, %swap3A_25] : memref<2048x1xf32, #tpu.memory_space<vmem>>, vector<2048x1xf32>
    tpu.vector_store %arg6[%swap3A, %swap3A_25], %add3A_24 {strides = array<i32>} : memref<2048x1xf32, #tpu.memory_space<vmem>>, vector<2048x1xf32>,
    return
  }
  func.func @transform_0(%arg0: i32) -> (i32, i32) {
    %c0_i32 = arith.constant 0 : i32
    %c0_i32_0 = arith.constant 0 : i32
    return %arg0, %c0_i32 : i32, i32
  }
  func.func @transform_1(%arg0: i32) -> (i32, i32) {
    %c0_i32 = arith.constant 0 : i32
    %c0_i32_0 = arith.constant 0 : i32
    %c0_i32_1 = arith.constant 0 : i32
    return %c0_i32, %c0_i32_0 : i32, i32
  }
  func.func @transform_2(%arg0: i32) -> (i32, i32) {
    %c0_i32 = arith.constant 0 : i32
    %c0_i32_0 = arith.constant 0 : i32
    %c0_i32_1 = arith.constant 0 : i32
    return %c0_i32, %c0_i32_0 : i32, i32
  }
  func.func @transform_3(%arg0: i32) -> (i32, i32) {
    %c0_i32 = arith.constant 0 : i32
    %c0_i32_0 = arith.constant 0 : i32
    %c0_i32_1 = arith.constant 0 : i32
    return %c0_i32, %c0_i32_0 : i32, i32
  }
  func.func @transform_4(%arg0: i32) -> (i32, i32) {
    %c0_i32 = arith.constant 0 : i32
    %c0_i32_0 = arith.constant 0 : i32
    %c0_i32_1 = arith.constant 0 : i32
    return %c0_i32, %c0_i32_0 : i32, i32
  }
  func.func @transform_5(%arg0: i32) -> (i32, i32) {
    %c0_i32 = arith.constant 0 : i32
    %c0_i32_0 = arith.constant 0 : i32
    return %arg0, %c0_i32 : i32, i32
  }
}

</mosaic_0001>

<sc_bundles>
// kernel: kernel.4.cloned.1.call-start
scs
__scs_entry_jumppad:
0x0: {  	(pc) =	sbr.rel $0x88, $3  }
0x1: {  	(tag) =	ssettag $0x0;
	lr =	simm.s32 $0x1  }
0x2: {  	[smem:$0x3F9B] =	sst lr;
	_ =	strace $0xD0000000  }
0x3: {  	_ = 	snop  }
0x4: {  	_ = 	snop  }
0x5: {  	_ = 	snop  }
0x6: {  	_ = 	snop  }
0x7: {  	_ = 	snop  }
__scs_overlays_trampoline_lowered:
0x8: {  	[smem:$0x3FAA] =	sst s0  }
0x9: {  	[smem:$0x3FAB] =	sst s1  }
0xa: {  	[smem:$0x3FAC] =	sst s2  }
0xb: {  	[smem:$0x3FAD] =	sst s3  }
0xc: {  	[smem:$0x3FAE] =	sst s4  }
0xd: {  	[smem:$0x3FAF] =	sst s5  }
0xe: {  	[smem:$0x3FB0] =	sst s6  }
0xf: {  	[smem:$0x3FB1] =	sst s7  }
0x10: {  	[smem:$0x3FB2] =	sst s8  }
0x11: {  	[smem:$0x3FB3] =	sst s9;
	s0 =	simm.s32 @!p0 $0x0  }
0x12: {  	s1 =	sld [smem:$0x3F99];
	s0 =	simm.s32 @p0 $0x1  }
0x13: {  	[smem:$0x3FB4] =	sst s0;
	s0 =	simm.s32 @!p1 $0x0  }
0x14: {  	s2 =	sld [smem:$0x3F98];
	s0 =	simm.s32 @p1 $0x1  }
0x15: {  	[smem:$0x3FB5] =	sst s0;
	s0 =	simm.s32 @!p2 $0x0  }
0x16: {  	s3 =	sld [smem:$0x3FDB];
	s0 =	simm.s32 @p2 $0x1  }
0x17: {  	s4 =	simm.s32 $0x1BF5;
	[smem:$0x3FB7] =	sst s0  }
0x18: {  	s0 =	sld [smem:$0x3F9A];
	_ =	swait.ge [sflag:s4], $0x0  }
0x19: {  	s7 =	sld [smem:$0x3F9B]  }
0x1a: {  	s8 =	sadd.s32 $0xFFFFE003, lr  }
0x1b: {  	s9 =	sadd.s32 $0xFFFFFEF7, lr;
	s5 =	simm.s32 $0xFFFFFFFF;
	p2 =	slt.u32 s8, $0xFFFFF086  }
0x1c: {  	p1 =	slt.u32 s9, $0xF7A;
	s5 =	simm.s32 @!p2 $0x0  }
0x1d: {  	s5 =	simm.s32 @p1 $0x1;
	p0 =	seq.s32 s7, s2  }
0x1e: {  	s7 =	smul.u32 @!p0 $0xF7A, s2;
	p2 =	seq.s32 @!p0 s5, $0x0  }
0x1f: {  	s9 =	smul.u32 $0xF7A, s1;
	s8 =	simm.s32 @!p0 $0x1BF5;
	p2 =	por !p2, p0  }
0x20: {  	[sflag:s8] =	ssyncset.s32 @!p0 $0xFFFFF086;
	s6 =	sadd.s32 @!p0 s3, s7;
	s7 =	simm.s32 @!p0 $0x108  }
0x21: {  	s3 =	sadd.s32 s3, s9;
	s6 =	sadd.s32 @!p0 $0x88, s6;
	s7 =	simm.s32 @p2 $0x1082  }
0x22: {  	[simem:s7], [sflag:s8] =	dma.local @!p0 [hbm:s6], $0xF7A  }
0x23: {  	s9 =	sor.u32 $0xD0000000, s2;
	s6 =	simm.s32 $0x108;
	_ =	swait.ge @!p0 [sflag:s8], $0x0  }
0x24: {  	s3 =	sadd.s32 $0x88, s3;
	s6 =	simm.s32 @!p1 $0x1082;
	[sflag:s4] =	ssyncset.s32 $0xFFFFF086  }
0x25: {  	[simem:s6], [sflag:s4] =	dma.local [hbm:s3], $0xF7A  }
0x26: {  	[smem:$0x3F9B] =	sst s1;
	(tag) =	ssettag s2;
	_ =	strace s9  }
0x27: {  	s1 =	sld [smem:$0x3FAB]  }
0x28: {  	s2 =	sld [smem:$0x3FAC]  }
0x29: {  	s4 =	sld [smem:$0x3FAE]  }
0x2a: {  	p0 =	seq.s32 s5, $0x0;
	s5 =	sld [smem:$0x3FAF]  }
0x2b: {  	s6 =	sld [smem:$0x3FB0]  }
0x2c: {  	s7 =	sld [smem:$0x3FB1]  }
0x2d: {  	s3 =	simm.s32 $0x108;
	s8 =	sld [smem:$0x3FB2]  }
0x2e: {  	s3 =	simm.s32 @!p0 $0x1082;
	s9 =	sld [smem:$0x3FB3]  }
0x2f: {  	lr =	sadd.s32 s0, s3;
	s0 =	sld [smem:$0x3FAA]  }
0x30: {  	s3 =	sld [smem:$0x3FAD]  }
0x31: {  	[smem:$0x3FB6] =	sst s10  }
0x32: {  	s10 =	sld [smem:$0x3FB4];
	_ =	sdelay $0x3  }
0x33: {  	p0 =	seq.s32 s10, $0x1;
	s10 =	sld [smem:$0x3FB6];
	_ =	sdelay $0x3  }
0x34: {  	[smem:$0x3FB6] =	sst s10  }
0x35: {  	s10 =	sld [smem:$0x3FB5];
	_ =	sdelay $0x3  }
0x36: {  	p1 =	seq.s32 s10, $0x1;
	s10 =	sld [smem:$0x3FB6];
	_ =	sdelay $0x3  }
0x37: {  	[smem:$0x3FB6] =	sst s10  }
0x38: {  	s10 =	sld [smem:$0x3FB7]  }
0x39: {  	_ = 	snop;
	(pc) =	sbr.ind lr, $3  }
0x3a: {  	_ = 	snop  }
0x3b: {  	_ = 	snop  }
0x3c: {  	p2 =	seq.s32 s10, $0x1;
	s10 =	sld [smem:$0x3FB6]  }
0x3d: {  	_ =	shalt  }
0x3e: {  	_ =	shalt  }
0x3f: {  	_ =	shalt  }
0x40: {  	_ =	shalt  }
0x41: {  	_ =	shalt  }
0x42: {  	_ =	shalt  }
0x43: {  	_ =	shalt  }
0x44: {  	_ =	shalt  }
0x45: {  	_ =	shalt  }
0x46: {  	_ =	shalt  }
0x47: {  	_ =	shalt  }
0x48: {  	_ =	shalt  }
0x49: {  	_ =	shalt  }
0x4a: {  	_ =	shalt  }
0x4b: {  	_ =	shalt  }
0x4c: {  	_ =	shalt  }
0x4d: {  	_ =	shalt  }
0x4e: {  	_ =	shalt  }
0x4f: {  	_ =	shalt  }
0x50: {  	_ =	shalt  }
0x51: {  	_ =	shalt  }
0x52: {  	_ =	shalt  }
0x53: {  	_ =	shalt  }
0x54: {  	_ =	shalt  }
0x55: {  	_ =	shalt  }
0x56: {  	_ =	shalt  }
0x57: {  	_ =	shalt  }
0x58: {  	_ =	shalt  }
0x59: {  	_ =	shalt  }
0x5a: {  	_ =	shalt  }
0x5b: {  	_ =	shalt  }
0x5c: {  	_ =	shalt  }
0x5d: {  	_ =	shalt  }
0x5e: {  	_ =	shalt  }
0x5f: {  	_ =	shalt  }
0x60: {  	_ =	shalt  }
0x61: {  	_ =	shalt  }
0x62: {  	_ =	shalt  }
0x63: {  	_ =	shalt  }
0x64: {  	_ =	shalt  }
0x65: {  	_ =	shalt  }
0x66: {  	_ =	shalt  }
0x67: {  	_ =	shalt  }
0x68: {  	_ =	shalt  }
0x69: {  	_ =	shalt  }
0x6a: {  	_ =	shalt  }
0x6b: {  	_ =	shalt  }
0x6c: {  	_ =	shalt  }
0x6d: {  	_ =	shalt  }
0x6e: {  	_ =	shalt  }
0x6f: {  	_ =	shalt  }
0x70: {  	_ =	shalt  }
0x71: {  	_ =	shalt  }
0x72: {  	_ =	shalt  }
0x73: {  	_ =	shalt  }
0x74: {  	_ =	shalt  }
0x75: {  	_ =	shalt  }
0x76: {  	_ =	shalt  }
0x77: {  	_ =	shalt  }
0x78: {  	_ =	shalt  }
0x79: {  	_ =	shalt  }
0x7a: {  	_ =	shalt  }
0x7b: {  	_ =	shalt  }
0x7c: {  	_ =	shalt  }
0x7d: {  	_ =	shalt  }
0x7e: {  	_ =	shalt  }
0x7f: {  	_ =	shalt  }
0x80: {  	_ =	shalt  }
0x81: {  	_ =	shalt  }
0x82: {  	_ =	shalt  }
0x83: {  	_ =	shalt  }
0x84: {  	_ =	shalt  }
0x85: {  	_ =	shalt  }
0x86: {  	_ =	shalt  }
0x87: {  	_ =	shalt  }
.Lfunc_end0:
.L_simem_size_0:
called_computation_lowered:
.L_overlay_start_0:
0x88: {  	s2 =	sld [smem:$0x3FD9]  }
0x89: {  	s3 =	sld [smem:$0x3FFE];
	_ =	sdelay $0x1  }
0x8a: {  	s1 =	srdreg.scid  }
0x8b: {  	s0 =	sand.u32 $0x1, s1  }
0x8c: {  	s16 =	sshll.u32 s0, $0xA;
	s2 =	sadd.s32 s3, s2  }
0x8d: {  	s2 =	sadd.s32 s2, s16  }
0x8e: {  	[smem:$0x3FC2] =	sst s2  }
0x8f: {  	_ = 	snop  }
0x90: {  	(tm) =	ssettm $0x1  }
0x91: {  	s17 =	sld [smem:$0x3FFB];
	_ =	sdelay $0x3  }
0x92: {  	_ =	strace s17  }
0x93: {  	s2 =	sld [smem:$0x3FFC];
	_ =	sdelay $0x3  }
0x94: {  	_ =	strace s2  }
0x95: {  	s2 =	sld [smem:$0x3FFD];
	_ =	sdelay $0x3  }
0x96: {  	_ =	strace s2  }
0x97: {  	_ =	strace $0x8FFFFFFF  }
0x98: {  	s18 =	sld [smem:$0x3FDB];
	_ =	sdelay $0x1  }
0x99: {  	s19 =	simm.s32 $_scs_section_size  }
0x9a: {  	s4 =	simm.s32 $_size__tile_overlayer_lowered;
	s5 =	simm.s32 $_tile_overlayer_lowered  }
0x9b: {  	s22 =	simm.s32 $0x1BFF;
	s21 =	sshll.u32 s5, $0x1;
	s2 =	sadd.s32 s19, s18  }
0x9c: {  	s6 =	simm.s32 $0x0;
	s20 =	sshll.u32 s4, $0x1;
	s4 =	sadd.s32 s21, s2  }
0x9d: {  	[timem:s6], [sflag:s22] =	dma.local [hbm:s4], s20  }
0x9e: {  	_ =	swait.ge [sflag:s22], s20  }
0x9f: {  	s3 =	ssub.s32 $0x0, s20;
	[sflag:s22] =	ssyncset.done $0x0  }
0xa0: {  	[sflag:s22] =	ssyncadd.s32 s3;
	_ =	sdelay $0x1  }
0xa1: {  	s23 =	simm.s32 $0x1B8B  }
0xa2: {  	_ =	swait.ge [sflag:s23], $0x1  }
0xa3: {  	[sflag:s23] =	ssyncset.done $0x0  }
0xa4: {  	s25 =	simm.s32 $0x1B8E;
	s24 =	sld [smem:$0x3FFE];
	[sflag:s23] =	ssyncadd.s32 $0xFFFFFFFF  }
0xa5: {  	s26 =	simm.s32 $execute0_lowered;
	[smem:$0x3FD2] =	sst s25  }
0xa6: {  	s4 =	sshll.u32 s26, $0x1;
	_ =	strace $0x80000046;
	[dreg:$0x1] =	wrdreg $0xFFFFFFFF  }
0xa7: {  	s28 =	simm.s32 $_size_execute0_lowered;
	s2 =	sadd.s32 s2, s4;
	[dreg:$0x0] =	wrdreg $0x0  }
0xa8: {  	s4 =	sshll.u32 s28, $0x1;
	[dreg:$0x2] =	wrdreg s2  }
0xa9: {  	[dreg:$0x3] =	wrdreg s4  }
0xaa: {  	[dreg:$0x4] =	wrdreg $0xC0  }
0xab: {  	_ =	task [dreg:s6], $0x5FFFF  }
0xac: {  	[dreg:$0x1] =	wrdreg $0xFFFFFFFF  }
0xad: {  	[dreg:$0x0] =	wrdreg $0x60  }
0xae: {  	[dreg:$0x2] =	wrdreg s24  }
0xaf: {  	[dreg:$0x3] =	wrdreg $0xE8000  }
0xb0: {  	[dreg:$0x4] =	wrdreg $0x9  }
0xb1: {  	_ =	task.clear_ibuf [dreg:s6], $0x5FFFF;
	_ =	strace $0x90000046  }
0xb2: {  	s29 =	simm.s32 $0x9;
	_ =	strace $0x80000048  }
0xb3: {  	_ =	swait.ge [sflag:s29], $0x1  }
0xb4: {  	[sflag:s29] =	ssyncadd.s32 $0xFFFFFFFF  }
0xb5: {  	_ =	strace $0x90000048  }
0xb6: {  	_ =	sfence  }
0xb7: {  	s30 =	sld [smem:$0x0];
	_ =	sdelay $0x2  }
0xb8: {  	s31 =	sshll.u32 s1, $0xD;
	s1 =	sshrl.u32 s1, $0x2  }
0xb9: {  	s3 =	sand.u32 $0x4000, s31;
	s1 =	sadd.s32 s1, s30  }
0xba: {  	s0 =	sor.u32 s3, s0;
	s1 =	sshll.u32 s1, $0x11  }
0xbb: {  	s0 =	sor.u32 s1, s0  }
0xbc: {  	s0 =	sadd.s32 $0x8F2B, s0  }
0xbd: {  	[sflag:s0] =	ssyncadd.remote.s32 $0x1  }
0xbe: {  	_ =	sfence.sel $0xFFFF  }
0xbf: {  	[dreg:$0x0] =	wrdreg $0xFFFFFFFF;
	(pc) =	sbr.abs _section_cstart, $3  }
0xc0: {  	[dreg:$0x1] =	wrdreg $0xFFFFFFFF  }
0xc1: {  	_ =	task.clear_ibuf [dreg:s6], $0x2FFFF;
	_ =	strace $0x9FFFFFFF  }
0xc2: {  	(tm) =	ssettm $0x7FFFFFFF  }
0xc3: {  	_ =	shalt  }
tec
execute0_lowered:
.L_overlay_start_1:
0x0: {  	(tag) =	ssettag $0x1  }
0x1: {  	s0 =	rddreg [dreg:$0x0]  }
0x2: {  	s1 =	rddreg [dreg:$0x1];
	s3 =	simm.s32 $0x0  }
0x3: {  	s2 =	srdreg.scid;
	s24 =	stileid.u32;
	s9 =	simm.s32 $0x9  }
0x4: {  	s10 =	simm.s32 $0x70;
	s12 =	simm.s32 $0x58;
	s20 =	simm.s32 $0x200  }
0x5: {  	s21 =	simm.s32 $0xA400;
	s22 =	simm.s32 $0x258;
	s23 =	simm.s32 $0xAF00  }
0x6: {  	s28 =	simm.s32 $0x5;
	s29 =	simm.s32 $0x2;
	s30 =	simm.s32 $0x6  }
0x7: {  	s31 =	simm.s32 $0x3;
	s8 =	simm.s32 $0x8;
	s13 =	simm.s32 $0x0  }
0x8: {  	[smem:$0x7FF] =	sst s3;
	s2 =	sand.u32 $0x1, s2;
	s3 =	sadd.s32 $0xA00, s0  }
0x9: {  	s4 =	sadd.s32 $0x64A00, s0;
	s5 =	sadd.s32 $0x6E800, s0;
	s25 =	sshll.u32 s24, $0xA  }
0xa: {  	p0 =	sne.s32 s24, $0x0;
	s24 =	simm.s32 $0x2C8;
	_ =	strace $0x80000047  }
.Ltmp0:
0xb: {  	s6 =	ssub.s32 $0x2, s2;
	s0 =	sshrl.u32 @!p0 s1, $0x3;
	(pc) =	sbr.rel .LBB2_1-.Ltmp0, $4  }
0xc: {  	s2 =	sshll.u32 s2, $0x9;
	s7 =	sshrl.u32 s6, $0x1;
	[dreg:$0x4] =	wrdreg s0  }
0xd: {  	s0 =	simm.s32 $0x7;
	s7 =	ssub.s32 s6, s7;
	s6 =	sor.u32 s2, s25  }
0xe: {  	s25 =	simm.s32 $0xBD00;
	s2 =	simm.s32 $0xC800;
	s26 =	smax.u32 s7, $0x1  }
0xf: {  	s7 =	simm.s32 $0x4;
	[dreg:$0x3] =	wrdreg s26;
	s26 =	simm.s32 $0x1  }
.LBB2_14:
0x10: {  	s13 =	rddreg [dreg:$0x5]  }
0x11: {  	s11 =	rddreg [dreg:$0x3];
	s13 =	sadd.s32 $0x1, s13  }
0x12: {  	p1 =	sne.s32 s13, s11  }
.Ltmp1:
0x13: {  	_ = 	snop;
	(pc) =	sbr.rel @!p1 .LBB2_15-.Ltmp1, $1  }
0x14: {  	_ =	sdelay $0x3  }
.LBB2_1:
0x15: {  	[dreg:$0x5] =	wrdreg s13  }
0x16: {  	s11 =	simm.s32 @!p0 $0x1C09;
	s13 =	rddreg [dreg:$0x4]  }
0x17: {  	[spmem:s13], [sflag:s11] =	dma.local @!p0 [hbm:s4], $0x9C40  }
0x18: {  	s11 =	simm.s32 @!p0 $0x9  }
.Ltmp2:
0x19: {  	_ =	swait.ge @!p0 [sflag:s11], $0x9C40;
	(pc) =	sbr.rel .LBB2_2-.Ltmp2, $4  }
0x1a: {  	[sflag:s11] =	ssyncset.done @!p0 $0x0  }
0x1b: {  	[sflag:s11] =	ssyncadd.s32 @!p0 $0xFFFF63C0  }
0x1c: {  	[bflag:$0x0] =	sbarrier.arrive $0xFFFF  }
0x1d: {  	s11 =	simm.s32 $0x0  }
.LBB2_13:
0x1e: {  	s11 =	sadd.s32 $0x1, s11  }
0x1f: {  	s13 =	sshll.u32 s13, $0x3;
	p1 =	sne.s32 s11, $0x4  }
.Ltmp3:
0x20: {  	s14 =	simm.s32 $0x0;
	s13 =	sadd.s32 s5, s13;
	(pc) =	sbr.rel @!p1 .LBB2_14-.Ltmp3, $4  }
0x21: {  	[hbm4b:s13+s14] =	stream.linear.scatter [tilespmem:s2], [sflag:$0x9], $0x2000, $0x38;
	[tilespmem:$0x13620] =	vst v63  }
0x22: {  	_ =	swait.ge [sflag:s9], $0x2000  }
0x23: {  	[sflag:s9] =	ssyncset.done $0x0  }
0x24: {  	[sflag:s9] =	ssyncadd.s32 $0xFFFFE000  }
.LBB2_2:
0x25: {  	s13 =	sshll.u32 s11, $0x7  }
0x26: {  	s13 =	sadd.s32 s6, s13  }
0x27: {  	s14 =	smul.u32 $0x19, s13;
	_ =	sdelay $0x1  }
0x28: {  	s15 =	sadd.s32 s3, s14;
	s14 =	simm.s32 $0x0  }
0x29: {  	[tilespmem:s14], [sflag:$0x9] =	stream.linear.gather [hbm4b:s15+s14], $0x6400, $0x38;
	[tilespmem:$0x13620] =	vst v63  }
0x2a: {  	_ =	swait.ge [sflag:s9], $0x6400  }
0x2b: {  	[sflag:s9] =	ssyncset.done $0x0  }
0x2c: {  	s17 =	simm.s32 $0x6400;
	[sflag:s9] =	ssyncadd.s32 $0xFFFF9C00  }
0x2d: {  	[tilespmem:s17], [sflag:$0x1] =	stream.indirect.gather [spmem:s1], $0x20, s14, s10, $0xb8;
	[tilespmem:$0x13620] =	vst v63  }
0x2e: {  	s18 =	simm.s32 $0x7200  }
0x2f: {  	[tilespmem:s18], [sflag:$0x5] =	stream.indirect.gather [hbm4b:s4+s12], $0x20, s10, s12, $0xb8;
	[tilespmem:$0x13620] =	vst v63  }
0x30: {  	s19 =	simm.s32 $0xC8;
	s16 =	simm.s32 $0x7D00  }
0x31: {  	[tilespmem:s16], [sflag:$0x2] =	stream.indirect.gather [spmem:s1], $0x20, s19, s10, $0xb8;
	[tilespmem:$0x13620] =	vst v63  }
0x32: {  	s17 =	simm.s32 $0x8B00;
	s16 =	simm.s32 $0x138  }
0x33: {  	[tilespmem:s17], [sflag:$0x6] =	stream.indirect.gather [hbm4b:s4+s12], $0x20, s16, s12, $0xb8;
	[tilespmem:$0x13620] =	vst v63  }
0x34: {  	s18 =	simm.s32 $0x190;
	s19 =	simm.s32 $0x9600  }
0x35: {  	[tilespmem:s19], [sflag:$0x3] =	stream.indirect.gather [spmem:s1], $0x20, s18, s10, $0xb8;
	[tilespmem:$0x13620] =	vst v63  }
0x36: {  	_ = 	snop  }
0x37: {  	[tilespmem:s21], [sflag:$0x7] =	stream.indirect.gather [hbm4b:s4+s12], $0x20, s20, s12, $0xb8;
	[tilespmem:$0x13620] =	vst v63  }
0x38: {  	_ = 	snop  }
0x39: {  	[tilespmem:s23], [sflag:$0x4] =	stream.indirect.gather [spmem:s1], $0x20, s22, s10, $0xb8;
	[tilespmem:$0x13620] =	vst v63  }
0x3a: {  	_ = 	snop  }
0x3b: {  	[tilespmem:s25], [sflag:$0x8] =	stream.indirect.gather [hbm4b:s4+s12], $0x20, s24, s12, $0xb8;
	[tilespmem:$0x13620] =	vst v63  }
.LBB2_3:
0x3c: {  	_ =	swait.ge [sflag:s26], $0xE00  }
0x3d: {  	[sflag:s26] =	ssyncset.done $0x0  }
0x3e: {  	[sflag:s26] =	ssyncadd.s32 $0xFFFFF200  }
0x3f: {  	_ =	swait.ge [sflag:s28], $0xB00  }
0x40: {  	[sflag:s28] =	ssyncset.done $0x0  }
0x41: {  	s15 =	simm.s32 $0x0;
	[sflag:s28] =	ssyncadd.s32 $0xFFFFF500  }
0x42: {  	v11 =	vld [tilespmem:s15+$0x65D0]  }
0x43: {  	v13 =	vld [tilespmem:s15+$0x6580]  }
0x44: {  	v14 =	vld [tilespmem:s15+$0x65B0]  }
0x45: {  	v16 =	vld [tilespmem:s15+$0x6590]  }
0x46: {  	v6 =	vld [tilespmem:s15+$0x6560]  }
0x47: {  	v7 =	vld [tilespmem:s15+$0x6540]  }
0x48: {  	v4 =	vld [tilespmem:s15+$0x6570]  }
0x49: {  	v5 =	vld [tilespmem:s15+$0x6550]  }
0x4a: {  	v3 =	vld [tilespmem:s15+$0x6520]  }
0x4b: {  	v8 =	vld [tilespmem:s15+$0x6500]  }
0x4c: {  	v2 =	vld [tilespmem:s15+$0x6530]  }
0x4d: {  	v0 =	vld [tilespmem:s15+$0x6670]  }
0x4e: {  	v9 =	vld [tilespmem:s15+$0x6510]  }
0x4f: {  	v12 =	vld [tilespmem:s15+$0x64B0]  }
0x50: {  	v15 =	vld [tilespmem:s15+$0x6490]  }
0x51: {  	v17 =	vld [tilespmem:s15+$0x64A0]  }
0x52: {  	v18 =	vld [tilespmem:s15+$0x6480]  }
0x53: {  	v19 =	vld [tilespmem:s15+$0x6460]  }
0x54: {  	v20 =	vld [tilespmem:s15+$0x6470]  }
0x55: {  	v22 =	vld [tilespmem:s15+$0x6440]  }
0x56: {  	v23 =	vld [tilespmem:s15+$0x6450]  }
0x57: {  	v26 =	vld [tilespmem:s15+$0x6430]  }
0x58: {  	v28 =	vld [tilespmem:s15+$0x6410]  }
0x59: {  	v32 =	vld [tilespmem:s15+$0x65A0]  }
0x5a: {  	v10 =	vld [tilespmem:s15+$0x64D0];
	v30 =	vadd.bf16 v2, v9;
	v2 =	vadd.bf16 v12, v15  }
0x5b: {  	v37 =	vld [tilespmem:s15+$0x65C0];
	v8 =	vadd.bf16 v3, v8;
	v17 =	vadd.bf16 v17, v18  }
0x5c: {  	v12 =	vld [tilespmem:s15+$0x6420];
	v19 =	vadd.bf16 v19, v22;
	v25 =	vadd.bf16 v20, v23  }
0x5d: {  	v21 =	vimm.f32 $0.0e+00;
	v18 =	vld [tilespmem:s15+$0x6400];
	v22 =	vadd.bf16 v4, v5;
	v26 =	vadd.bf16 v26, v28  }
0x5e: {  	v20 =	vld [tilespmem:s15+$0x64F0];
	v14 =	vadd.bf16 v14, v16;
	v13 =	vadd.bf16 v32, v13;
	v3 =	vunpack.i.l.bf16.f32 v8  }
0x5f: {  	v23 =	vld [tilespmem:s15+$0x65F0];
	v9 =	vunpack.i.u.bf16.f32 v17;
	v5 =	vunpack.i.l.bf16.f32 v30;
	v27 =	vunpack.i.l.bf16.f32 v19  }
0x60: {  	v38 =	vld [tilespmem:s15+$0x65E0];
	v15 =	vunpack.i.u.bf16.f32 v25;
	v4 =	vunpack.i.u.bf16.f32 v8;
	v8 =	vadd.bf16 v6, v7  }
0x61: {  	v1 =	vld [tilespmem:s15+$0x64C0];
	v19 =	vunpack.i.u.bf16.f32 v19;
	v24 =	vunpack.i.l.bf16.f32 v2;
	v28 =	vunpack.i.l.bf16.f32 v17  }
0x62: {  	v31 =	vld [tilespmem:s15+$0x6610];
	v7 =	vunpack.i.l.bf16.f32 v22;
	v29 =	vunpack.i.u.bf16.f32 v26;
	v6 =	vunpack.i.u.bf16.f32 v8  }
0x63: {  	v33 =	vld [tilespmem:s15+$0x6600];
	v8 =	vunpack.i.l.bf16.f32 v8;
	v34 =	vadd.bf16 v12, v18;
	v17 =	vadd.bf16 v20, v10  }
0x64: {  	v36 =	vld [tilespmem:s15+$0x6620];
	v12 =	vunpack.i.u.bf16.f32 v30;
	v10 =	vunpack.i.u.bf16.f32 v22;
	v16 =	vadd.bf16 v23, v11  }
0x65: {  	v18 =	vld [tilespmem:s15+$0x6630];
	v11 =	vunpack.i.u.bf16.f32 v14;
	v22 =	vunpack.i.l.bf16.f32 v14;
	v30 =	vadd.bf16 v38, v37  }
0x66: {  	v37 =	vld [tilespmem:s15+$0x6650];
	v23 =	vunpack.i.l.bf16.f32 v13;
	v20 =	vunpack.i.l.bf16.f32 v34;
	v39 =	vunpack.i.u.bf16.f32 v34  }
0x67: {  	v38 =	vld [tilespmem:s15+$0x6660];
	v32 =	vunpack.i.l.bf16.f32 v17;
	v35 =	vadd.f32 v20, v21;
	v20 =	vunpack.i.l.bf16.f32 v26  }
0x68: {  	s16 =	simm.s32 $0xA00;
	v34 =	vld [tilespmem:s15+$0x6640];
	v26 =	vimm.f32 $0.0e+00;
	v40 =	vadd.f32 v20, v21;
	v20 =	vunpack.i.u.bf16.f32 v13  }
.LBB2_4:
0x69: {  	p1 =	sne.s32 s16, $0x5A00;
	v21 =	vadd.f32 v39, v21;
	v25 =	vunpack.i.l.bf16.f32 v25;
	v39 =	vld [tilespmem:s15+$0x64E0];
	s15 =	sshra.s32 s16, $0x2;
	s16 =	sadd.s32 $0xA00, s16;
	v41 =	vunpack.i.l.bf16.f32 v16  }
0x6a: {  	v27 =	vadd.f32 v27, v35;
	v35 =	vunpack.i.l.bf16.f32 v30;
	v13 =	vld [tilespmem:s15+$0x65D0];
	v33 =	vadd.bf16 v36, v33  }
0x6b: {  	v31 =	vadd.bf16 v18, v31;
	v25 =	vadd.f32 v25, v40;
	v36 =	vunpack.i.u.bf16.f32 v16;
	v14 =	vld [tilespmem:s15+$0x6580]  }
0x6c: {  	v27 =	vadd.f32 v28, v27;
	v16 =	vld [tilespmem:s15+$0x65B0];
	v28 =	vunpack.i.l.bf16.f32 v33;
	v37 =	vadd.bf16 v0, v37  }
0x6d: {  	v0 =	vadd.f32 v24, v25;
	v24 =	vunpack.i.u.bf16.f32 v31;
	v18 =	vld [tilespmem:s15+$0x6590];
	v25 =	vadd.bf16 v38, v34  }
0x6e: {  	v26 =	vadd.f32 v29, v26;
	v29 =	vunpack.i.u.bf16.f32 v30;
	v34 =	vld [tilespmem:s15+$0x6560];
	v30 =	vunpack.i.u.bf16.f32 v37  }
0x6f: {  	v31 =	vunpack.i.l.bf16.f32 v31;
	v1 =	vadd.bf16 v39, v1;
	v0 =	vadd.f32 v32, v0;
	v38 =	vld [tilespmem:s15+$0x6540]  }
0x70: {  	v19 =	vadd.f32 v19, v21;
	v15 =	vadd.f32 v15, v26;
	v21 =	vunpack.i.u.bf16.f32 v33;
	v32 =	vld [tilespmem:s15+$0x6570]  }
0x71: {  	v2 =	vunpack.i.u.bf16.f32 v2;
	v39 =	vunpack.i.l.bf16.f32 v25;
	v26 =	vunpack.i.l.bf16.f32 v1;
	v33 =	vld [tilespmem:s15+$0x6550]  }
0x72: {  	v9 =	vadd.f32 v9, v19;
	v0 =	vadd.f32 v5, v0;
	v5 =	vunpack.i.u.bf16.f32 v25;
	v40 =	vld [tilespmem:s15+$0x6520]  }
0x73: {  	v2 =	vadd.f32 v2, v15;
	v1 =	vunpack.i.u.bf16.f32 v1;
	v15 =	vadd.f32 v26, v27;
	v19 =	vld [tilespmem:s15+$0x6500]  }
0x74: {  	v1 =	vadd.f32 v1, v9;
	v9 =	vunpack.i.u.bf16.f32 v17;
	v7 =	vadd.f32 v7, v0;
	v25 =	vld [tilespmem:s15+$0x6530]  }
0x75: {  	v2 =	vadd.f32 v9, v2;
	v3 =	vadd.f32 v3, v15;
	v0 =	vld [tilespmem:s15+$0x6670]  }
0x76: {  	v4 =	vadd.f32 v4, v1;
	v15 =	vunpack.i.l.bf16.f32 v37;
	v7 =	vadd.f32 v22, v7;
	v9 =	vld [tilespmem:s15+$0x6510]  }
0x77: {  	v2 =	vadd.f32 v12, v2;
	v3 =	vadd.f32 v8, v3;
	v17 =	vld [tilespmem:s15+$0x64D0]  }
0x78: {  	v4 =	vadd.f32 v6, v4;
	v6 =	vadd.f32 v41, v7;
	v1 =	vld [tilespmem:s15+$0x64C0]  }
0x79: {  	v2 =	vadd.f32 v10, v2;
	v3 =	vadd.f32 v23, v3;
	v7 =	vld [tilespmem:s15+$0x64B0]  }
0x7a: {  	v4 =	vadd.f32 v20, v4;
	v6 =	vadd.f32 v31, v6;
	v8 =	vld [tilespmem:s15+$0x6490]  }
0x7b: {  	v2 =	vadd.f32 v11, v2;
	v3 =	vadd.f32 v35, v3;
	v10 =	vld [tilespmem:s15+$0x64A0]  }
0x7c: {  	v4 =	vadd.f32 v29, v4;
	v20 =	vadd.f32 v15, v6;
	v11 =	vld [tilespmem:s15+$0x6480]  }
0x7d: {  	v12 =	vadd.f32 v36, v2;
	v3 =	vadd.f32 v28, v3;
	v6 =	vld [tilespmem:s15+$0x6460]  }
0x7e: {  	v22 =	vadd.bf16 v25, v9;
	v4 =	vadd.f32 v21, v4;
	v15 =	vld [tilespmem:s15+$0x6470]  }
0x7f: {  	v9 =	vld [tilespmem:s15+$0x6450];
	v2 =	vadd.bf16 v7, v8;
	v7 =	vadd.f32 v24, v12  }
0x80: {  	v23 =	vadd.f32 v39, v3;
	v21 =	vadd.f32 v5, v4;
	v8 =	vld [tilespmem:s15+$0x6440]  }
0x81: {  	v12 =	vld [tilespmem:s15+$0x6430];
	v10 =	vadd.bf16 v10, v11;
	v26 =	vadd.f32 v30, v7  }
0x82: {  	v7 =	vld [tilespmem:s15+$0x6410]  }
0x83: {  	v4 =	vadd.bf16 v40, v19;
	v11 =	vld [tilespmem:s15+$0x6420]  }
0x84: {  	v29 =	vld [tilespmem:s15+$0x6400];
	v25 =	vadd.bf16 v15, v9  }
0x85: {  	v32 =	vadd.bf16 v32, v33;
	v3 =	vunpack.i.l.bf16.f32 v4;
	v6 =	vadd.bf16 v6, v8;
	v30 =	vld [tilespmem:s15+$0x64F0]  }
0x86: {  	v5 =	vunpack.i.l.bf16.f32 v22;
	v9 =	vunpack.i.u.bf16.f32 v10;
	v36 =	vld [tilespmem:s15+$0x65F0]  }
0x87: {  	v4 =	vunpack.i.u.bf16.f32 v4;
	v15 =	vunpack.i.u.bf16.f32 v25;
	v27 =	vunpack.i.l.bf16.f32 v6;
	v37 =	vld [tilespmem:s15+$0x65C0]  }
0x88: {  	v24 =	vunpack.i.l.bf16.f32 v2;
	v8 =	vadd.bf16 v34, v38;
	v19 =	vunpack.i.u.bf16.f32 v6;
	v38 =	vld [tilespmem:s15+$0x65E0]  }
0x89: {  	v28 =	vunpack.i.l.bf16.f32 v10;
	v34 =	vadd.bf16 v12, v7;
	v7 =	vunpack.i.l.bf16.f32 v32;
	v40 =	vld [tilespmem:s15+$0x65A0]  }
0x8a: {  	v6 =	vunpack.i.u.bf16.f32 v8;
	v8 =	vunpack.i.l.bf16.f32 v8;
	v11 =	vadd.bf16 v11, v29;
	v31 =	vld [tilespmem:s15+$0x6610]  }
0x8b: {  	v12 =	vunpack.i.u.bf16.f32 v22;
	v29 =	vunpack.i.u.bf16.f32 v34;
	v17 =	vadd.bf16 v30, v17;
	v33 =	vld [tilespmem:s15+$0x6600]  }
.Ltmp4:
0x8c: {  	v10 =	vunpack.i.u.bf16.f32 v32;
	v30 =	vadd.bf16 v16, v18;
	v22 =	vunpack.i.l.bf16.f32 v11;
	v18 =	vld [tilespmem:s15+$0x6630];
	(pc) =	sbr.rel @p1 .LBB2_4-.Ltmp4, $4  }
0x8d: {  	v39 =	vunpack.i.u.bf16.f32 v11;
	v16 =	vadd.bf16 v36, v13;
	v35 =	vadd.f32 v22, v23;
	v36 =	vld [tilespmem:s15+$0x6620]  }
0x8e: {  	v13 =	vunpack.i.l.bf16.f32 v34;
	v11 =	vunpack.i.u.bf16.f32 v30;
	v14 =	vadd.bf16 v40, v14;
	v34 =	vld [tilespmem:s15+$0x6640]  }
0x8f: {  	v32 =	vunpack.i.l.bf16.f32 v17;
	v22 =	vunpack.i.l.bf16.f32 v30;
	v30 =	vadd.bf16 v38, v37;
	v37 =	vld [tilespmem:s15+$0x6650]  }
0x90: {  	v40 =	vadd.f32 v13, v20;
	v20 =	vunpack.i.u.bf16.f32 v14;
	v23 =	vunpack.i.l.bf16.f32 v14;
	v38 =	vld [tilespmem:s15+$0x6660]  }
0x91: {  	v13 =	vld [tilespmem:s15+$0x64E0]  }
0x92: {  	v14 =	vadd.f32 v39, v21  }
0x93: {  	v21 =	vunpack.i.l.bf16.f32 v25;
	v25 =	vadd.f32 v27, v35;
	v18 =	vadd.bf16 v18, v31  }
0x94: {  	v26 =	vadd.f32 v29, v26;
	v27 =	vadd.bf16 v36, v33  }
0x95: {  	v21 =	vadd.f32 v21, v40;
	v25 =	vadd.f32 v28, v25  }
0x96: {  	v1 =	vadd.bf16 v13, v1;
	v13 =	vadd.f32 v19, v14  }
0x97: {  	v2 =	vunpack.i.u.bf16.f32 v2;
	v15 =	vadd.f32 v15, v26;
	v0 =	vadd.bf16 v0, v37  }
0x98: {  	v14 =	vadd.f32 v24, v21;
	v21 =	vunpack.i.l.bf16.f32 v1;
	v9 =	vadd.f32 v9, v13  }
0x99: {  	v2 =	vadd.f32 v2, v15;
	v1 =	vunpack.i.u.bf16.f32 v1;
	v13 =	vadd.f32 v21, v25  }
0x9a: {  	v19 =	vadd.bf16 v38, v34;
	v1 =	vadd.f32 v1, v9  }
0x9b: {  	v9 =	vadd.f32 v32, v14;
	v14 =	vunpack.i.u.bf16.f32 v17;
	v3 =	vadd.f32 v3, v13  }
0x9c: {  	v13 =	vunpack.i.l.bf16.f32 v16;
	v2 =	vadd.f32 v14, v2;
	v1 =	vadd.f32 v4, v1  }
0x9d: {  	v4 =	vunpack.i.l.bf16.f32 v30;
	v5 =	vadd.f32 v5, v9;
	v3 =	vadd.f32 v8, v3  }
0x9e: {  	v9 =	vunpack.i.u.bf16.f32 v30;
	v2 =	vadd.f32 v12, v2;
	v1 =	vadd.f32 v6, v1  }
0x9f: {  	v8 =	vunpack.i.u.bf16.f32 v16;
	v5 =	vadd.f32 v7, v5;
	v3 =	vadd.f32 v23, v3  }
0xa0: {  	v6 =	vunpack.i.l.bf16.f32 v27;
	v2 =	vadd.f32 v10, v2;
	v1 =	vadd.f32 v20, v1  }
0xa1: {  	v7 =	vunpack.i.u.bf16.f32 v18;
	v5 =	vadd.f32 v22, v5;
	v3 =	vadd.f32 v4, v3  }
0xa2: {  	v4 =	vunpack.i.l.bf16.f32 v18;
	v2 =	vadd.f32 v11, v2;
	v1 =	vadd.f32 v9, v1  }
0xa3: {  	v9 =	vunpack.i.u.bf16.f32 v27;
	v5 =	vadd.f32 v13, v5;
	v3 =	vadd.f32 v6, v3  }
0xa4: {  	v6 =	vunpack.i.l.bf16.f32 v19;
	v2 =	vadd.f32 v8, v2;
	v1 =	vadd.f32 v9, v1  }
0xa5: {  	s19 =	sshll.u32 s14, $0x8;
	v8 =	vunpack.i.u.bf16.f32 v19;
	v4 =	vadd.f32 v4, v5;
	v3 =	vadd.f32 v6, v3  }
0xa6: {  	p1 =	seq.s32 s14, $0x1F;
	s15 =	sand.u32 $0x3FFFFF00, s19;
	v5 =	vunpack.i.l.bf16.f32 v0;
	v2 =	vadd.f32 v7, v2;
	v1 =	vadd.f32 v8, v1  }
0xa7: {  	s16 =	smul.u32 @!p1 $0xC80, s14;
	v0 =	vunpack.i.u.bf16.f32 v0;
	v4 =	vadd.f32 v5, v4;
	[tilespmem:s15+$0xC800] =	vst v3  }
0xa8: {  	v0 =	vadd.f32 v0, v2;
	[tilespmem:s15+$0xC810] =	vst v1  }
0xa9: {  	s16 =	sshra.s32 @!p1 s16, $0x2;
	[tilespmem:s15+$0xC820] =	vst v4  }
0xaa: {  	s18 =	simm.s32 @!p1 $0x70;
	s19 =	simm.s32 @!p1 $0x6400;
	s17 =	sadd.s32 @!p1 $0x320, s16;
	[tilespmem:s15+$0xC830] =	vst v0  }
0xab: {  	[tilespmem:s19], [sflag:$0x1] =	stream.indirect.gather @!p1 [spmem:s1], $0x20, s17, s18, $0xb8;
	[tilespmem:$0x13620] =	vst v63  }
0xac: {  	s17 =	sadd.s32 @!p1 $0x390, s16;
	s18 =	simm.s32 @!p1 $0x58;
	s19 =	simm.s32 @!p1 $0x7200  }
0xad: {  	[tilespmem:s19], [sflag:$0x5] =	stream.indirect.gather @!p1 [hbm4b:s4+s18], $0x20, s17, s18, $0xb8;
	[tilespmem:$0x13620] =	vst v63  }
0xae: {  	_ =	swait.ge [sflag:s29], $0xE00  }
0xaf: {  	[sflag:s29] =	ssyncset.done $0x0  }
0xb0: {  	[sflag:s29] =	ssyncadd.s32 $0xFFFFF200  }
0xb1: {  	_ =	swait.ge [sflag:s30], $0xB00  }
0xb2: {  	[sflag:s30] =	ssyncset.done $0x0  }
0xb3: {  	s17 =	simm.s32 $0x0;
	[sflag:s30] =	ssyncadd.s32 $0xFFFFF500  }
0xb4: {  	v11 =	vld [tilespmem:s17+$0x7ED0]  }
0xb5: {  	v13 =	vld [tilespmem:s17+$0x7E80]  }
0xb6: {  	v14 =	vld [tilespmem:s17+$0x7EB0]  }
0xb7: {  	v16 =	vld [tilespmem:s17+$0x7E90]  }
0xb8: {  	v6 =	vld [tilespmem:s17+$0x7E60]  }
0xb9: {  	v7 =	vld [tilespmem:s17+$0x7E40]  }
0xba: {  	v4 =	vld [tilespmem:s17+$0x7E70]  }
0xbb: {  	v5 =	vld [tilespmem:s17+$0x7E50]  }
0xbc: {  	v3 =	vld [tilespmem:s17+$0x7E20]  }
0xbd: {  	v8 =	vld [tilespmem:s17+$0x7E00]  }
0xbe: {  	v2 =	vld [tilespmem:s17+$0x7E30]  }
0xbf: {  	v0 =	vld [tilespmem:s17+$0x7F70]  }
0xc0: {  	v9 =	vld [tilespmem:s17+$0x7E10]  }
0xc1: {  	v12 =	vld [tilespmem:s17+$0x7DB0]  }
0xc2: {  	v15 =	vld [tilespmem:s17+$0x7D90]  }
0xc3: {  	v17 =	vld [tilespmem:s17+$0x7DA0]  }
0xc4: {  	v18 =	vld [tilespmem:s17+$0x7D80]  }
0xc5: {  	v19 =	vld [tilespmem:s17+$0x7D60]  }
0xc6: {  	v20 =	vld [tilespmem:s17+$0x7D70]  }
0xc7: {  	v22 =	vld [tilespmem:s17+$0x7D40]  }
0xc8: {  	v23 =	vld [tilespmem:s17+$0x7D50]  }
0xc9: {  	v26 =	vld [tilespmem:s17+$0x7D30]  }
0xca: {  	v28 =	vld [tilespmem:s17+$0x7D10]  }
0xcb: {  	v62 =	vld [tilespmem:s17+$0x7EA0]  }
0xcc: {  	v10 =	vld [tilespmem:s17+$0x7DD0];
	v30 =	vadd.bf16 v2, v9;
	v2 =	vadd.bf16 v12, v15  }
0xcd: {  	v60 =	vld [tilespmem:s17+$0x7EC0];
	v8 =	vadd.bf16 v3, v8;
	v17 =	vadd.bf16 v17, v18  }
0xce: {  	v12 =	vld [tilespmem:s17+$0x7D20];
	v19 =	vadd.bf16 v19, v22;
	v25 =	vadd.bf16 v20, v23  }
0xcf: {  	v21 =	vimm.f32 $0.0e+00;
	v18 =	vld [tilespmem:s17+$0x7D00];
	v22 =	vadd.bf16 v4, v5;
	v26 =	vadd.bf16 v26, v28  }
0xd0: {  	v20 =	vld [tilespmem:s17+$0x7DF0];
	v14 =	vadd.bf16 v14, v16;
	v13 =	vadd.bf16 v62, v13;
	v3 =	vunpack.i.l.bf16.f32 v8  }
0xd1: {  	v23 =	vld [tilespmem:s17+$0x7EF0];
	v9 =	vunpack.i.u.bf16.f32 v17;
	v5 =	vunpack.i.l.bf16.f32 v30;
	v27 =	vunpack.i.l.bf16.f32 v19  }
0xd2: {  	v61 =	vld [tilespmem:s17+$0x7EE0];
	v15 =	vunpack.i.u.bf16.f32 v25;
	v4 =	vunpack.i.u.bf16.f32 v8;
	v8 =	vadd.bf16 v6, v7  }
0xd3: {  	v1 =	vld [tilespmem:s17+$0x7DC0];
	v19 =	vunpack.i.u.bf16.f32 v19;
	v24 =	vunpack.i.l.bf16.f32 v2;
	v28 =	vunpack.i.l.bf16.f32 v17  }
0xd4: {  	v31 =	vld [tilespmem:s17+$0x7F10];
	v7 =	vunpack.i.l.bf16.f32 v22;
	v29 =	vunpack.i.u.bf16.f32 v26;
	v6 =	vunpack.i.u.bf16.f32 v8  }
0xd5: {  	v33 =	vld [tilespmem:s17+$0x7F00];
	v8 =	vunpack.i.l.bf16.f32 v8;
	v63 =	vadd.bf16 v12, v18;
	v17 =	vadd.bf16 v20, v10  }
0xd6: {  	v36 =	vld [tilespmem:s17+$0x7F20];
	v12 =	vunpack.i.u.bf16.f32 v30;
	v10 =	vunpack.i.u.bf16.f32 v22;
	v16 =	vadd.bf16 v23, v11  }
0xd7: {  	v34 =	vld [tilespmem:s17+$0x7F40];
	v11 =	vunpack.i.u.bf16.f32 v14;
	v22 =	vunpack.i.l.bf16.f32 v14;
	v30 =	vadd.bf16 v61, v60  }
0xd8: {  	v18 =	vld [tilespmem:s17+$0x7F30];
	v23 =	vunpack.i.l.bf16.f32 v13;
	v20 =	vunpack.i.l.bf16.f32 v63;
	v39 =	vunpack.i.u.bf16.f32 v63  }
0xd9: {  	v37 =	vld [tilespmem:s17+$0x7F50];
	v32 =	vunpack.i.l.bf16.f32 v17;
	v35 =	vadd.f32 v20, v21;
	v20 =	vunpack.i.l.bf16.f32 v26  }
0xda: {  	s18 =	simm.s32 $0xA00;
	v38 =	vld [tilespmem:s17+$0x7F60];
	v26 =	vimm.f32 $0.0e+00;
	v40 =	vadd.f32 v20, v21;
	v20 =	vunpack.i.u.bf16.f32 v13  }
.LBB2_6:
0xdb: {  	p2 =	sne.s32 s18, $0x5A00;
	v21 =	vadd.f32 v39, v21;
	v25 =	vunpack.i.l.bf16.f32 v25;
	v39 =	vld [tilespmem:s17+$0x7DE0];
	s17 =	sshra.s32 s18, $0x2;
	s18 =	sadd.s32 $0xA00, s18;
	v41 =	vunpack.i.l.bf16.f32 v16  }
0xdc: {  	v27 =	vadd.f32 v27, v35;
	v35 =	vunpack.i.l.bf16.f32 v30;
	v13 =	vld [tilespmem:s17+$0x7ED0];
	v33 =	vadd.bf16 v36, v33  }
0xdd: {  	v31 =	vadd.bf16 v18, v31;
	v25 =	vadd.f32 v25, v40;
	v36 =	vunpack.i.u.bf16.f32 v16;
	v14 =	vld [tilespmem:s17+$0x7E80]  }
0xde: {  	v27 =	vadd.f32 v28, v27;
	v16 =	vld [tilespmem:s17+$0x7EB0];
	v28 =	vunpack.i.l.bf16.f32 v33;
	v37 =	vadd.bf16 v0, v37  }
0xdf: {  	v0 =	vadd.f32 v24, v25;
	v24 =	vunpack.i.u.bf16.f32 v31;
	v18 =	vld [tilespmem:s17+$0x7E90];
	v25 =	vadd.bf16 v38, v34  }
0xe0: {  	v26 =	vadd.f32 v29, v26;
	v29 =	vunpack.i.u.bf16.f32 v30;
	v34 =	vld [tilespmem:s17+$0x7E60];
	v30 =	vunpack.i.u.bf16.f32 v37  }
0xe1: {  	v31 =	vunpack.i.l.bf16.f32 v31;
	v1 =	vadd.bf16 v39, v1;
	v0 =	vadd.f32 v32, v0;
	v38 =	vld [tilespmem:s17+$0x7E40]  }
0xe2: {  	v19 =	vadd.f32 v19, v21;
	v15 =	vadd.f32 v15, v26;
	v21 =	vunpack.i.u.bf16.f32 v33;
	v32 =	vld [tilespmem:s17+$0x7E70]  }
0xe3: {  	v2 =	vunpack.i.u.bf16.f32 v2;
	v39 =	vunpack.i.l.bf16.f32 v25;
	v26 =	vunpack.i.l.bf16.f32 v1;
	v33 =	vld [tilespmem:s17+$0x7E50]  }
0xe4: {  	v9 =	vadd.f32 v9, v19;
	v0 =	vadd.f32 v5, v0;
	v5 =	vunpack.i.u.bf16.f32 v25;
	v40 =	vld [tilespmem:s17+$0x7E20]  }
0xe5: {  	v2 =	vadd.f32 v2, v15;
	v1 =	vunpack.i.u.bf16.f32 v1;
	v15 =	vadd.f32 v26, v27;
	v19 =	vld [tilespmem:s17+$0x7E00]  }
0xe6: {  	v1 =	vadd.f32 v1, v9;
	v9 =	vunpack.i.u.bf16.f32 v17;
	v7 =	vadd.f32 v7, v0;
	v25 =	vld [tilespmem:s17+$0x7E30]  }
0xe7: {  	v2 =	vadd.f32 v9, v2;
	v3 =	vadd.f32 v3, v15;
	v0 =	vld [tilespmem:s17+$0x7F70]  }
0xe8: {  	v4 =	vadd.f32 v4, v1;
	v15 =	vunpack.i.l.bf16.f32 v37;
	v7 =	vadd.f32 v22, v7;
	v9 =	vld [tilespmem:s17+$0x7E10]  }
0xe9: {  	v2 =	vadd.f32 v12, v2;
	v3 =	vadd.f32 v8, v3;
	v17 =	vld [tilespmem:s17+$0x7DD0]  }
0xea: {  	v4 =	vadd.f32 v6, v4;
	v6 =	vadd.f32 v41, v7;
	v1 =	vld [tilespmem:s17+$0x7DC0]  }
0xeb: {  	v2 =	vadd.f32 v10, v2;
	v3 =	vadd.f32 v23, v3;
	v7 =	vld [tilespmem:s17+$0x7DB0]  }
0xec: {  	v4 =	vadd.f32 v20, v4;
	v6 =	vadd.f32 v31, v6;
	v8 =	vld [tilespmem:s17+$0x7D90]  }
0xed: {  	v2 =	vadd.f32 v11, v2;
	v3 =	vadd.f32 v35, v3;
	v10 =	vld [tilespmem:s17+$0x7DA0]  }
0xee: {  	v4 =	vadd.f32 v29, v4;
	v20 =	vadd.f32 v15, v6;
	v11 =	vld [tilespmem:s17+$0x7D80]  }
0xef: {  	v12 =	vadd.f32 v36, v2;
	v3 =	vadd.f32 v28, v3;
	v6 =	vld [tilespmem:s17+$0x7D60]  }
0xf0: {  	v22 =	vadd.bf16 v25, v9;
	v4 =	vadd.f32 v21, v4;
	v15 =	vld [tilespmem:s17+$0x7D70]  }
0xf1: {  	v9 =	vld [tilespmem:s17+$0x7D50];
	v2 =	vadd.bf16 v7, v8;
	v7 =	vadd.f32 v24, v12  }
0xf2: {  	v23 =	vadd.f32 v39, v3;
	v21 =	vadd.f32 v5, v4;
	v8 =	vld [tilespmem:s17+$0x7D40]  }
0xf3: {  	v12 =	vld [tilespmem:s17+$0x7D30];
	v10 =	vadd.bf16 v10, v11;
	v26 =	vadd.f32 v30, v7  }
0xf4: {  	v7 =	vld [tilespmem:s17+$0x7D10]  }
0xf5: {  	v4 =	vadd.bf16 v40, v19;
	v11 =	vld [tilespmem:s17+$0x7D20]  }
0xf6: {  	v29 =	vld [tilespmem:s17+$0x7D00];
	v25 =	vadd.bf16 v15, v9  }
0xf7: {  	v32 =	vadd.bf16 v32, v33;
	v3 =	vunpack.i.l.bf16.f32 v4;
	v6 =	vadd.bf16 v6, v8;
	v30 =	vld [tilespmem:s17+$0x7DF0]  }
0xf8: {  	v5 =	vunpack.i.l.bf16.f32 v22;
	v9 =	vunpack.i.u.bf16.f32 v10;
	v36 =	vld [tilespmem:s17+$0x7EF0]  }
0xf9: {  	v4 =	vunpack.i.u.bf16.f32 v4;
	v15 =	vunpack.i.u.bf16.f32 v25;
	v27 =	vunpack.i.l.bf16.f32 v6;
	v37 =	vld [tilespmem:s17+$0x7EC0]  }
0xfa: {  	v24 =	vunpack.i.l.bf16.f32 v2;
	v8 =	vadd.bf16 v34, v38;
	v19 =	vunpack.i.u.bf16.f32 v6;
	v38 =	vld [tilespmem:s17+$0x7EE0]  }
0xfb: {  	v28 =	vunpack.i.l.bf16.f32 v10;
	v34 =	vadd.bf16 v12, v7;
	v7 =	vunpack.i.l.bf16.f32 v32;
	v40 =	vld [tilespmem:s17+$0x7EA0]  }
0xfc: {  	v6 =	vunpack.i.u.bf16.f32 v8;
	v8 =	vunpack.i.l.bf16.f32 v8;
	v11 =	vadd.bf16 v11, v29;
	v31 =	vld [tilespmem:s17+$0x7F10]  }
0xfd: {  	v12 =	vunpack.i.u.bf16.f32 v22;
	v29 =	vunpack.i.u.bf16.f32 v34;
	v17 =	vadd.bf16 v30, v17;
	v33 =	vld [tilespmem:s17+$0x7F00]  }
.Ltmp5:
0xfe: {  	v10 =	vunpack.i.u.bf16.f32 v32;
	v30 =	vadd.bf16 v16, v18;
	v22 =	vunpack.i.l.bf16.f32 v11;
	v18 =	vld [tilespmem:s17+$0x7F30];
	(pc) =	sbr.rel @p2 .LBB2_6-.Ltmp5, $4  }
0xff: {  	v39 =	vunpack.i.u.bf16.f32 v11;
	v16 =	vadd.bf16 v36, v13;
	v35 =	vadd.f32 v22, v23;
	v36 =	vld [tilespmem:s17+$0x7F20]  }
0x100: {  	v13 =	vunpack.i.l.bf16.f32 v34;
	v11 =	vunpack.i.u.bf16.f32 v30;
	v14 =	vadd.bf16 v40, v14;
	v34 =	vld [tilespmem:s17+$0x7F40]  }
0x101: {  	v32 =	vunpack.i.l.bf16.f32 v17;
	v22 =	vunpack.i.l.bf16.f32 v30;
	v30 =	vadd.bf16 v38, v37;
	v37 =	vld [tilespmem:s17+$0x7F50]  }
0x102: {  	v40 =	vadd.f32 v13, v20;
	v20 =	vunpack.i.u.bf16.f32 v14;
	v23 =	vunpack.i.l.bf16.f32 v14;
	v38 =	vld [tilespmem:s17+$0x7F60]  }
0x103: {  	v13 =	vld [tilespmem:s17+$0x7DE0]  }
0x104: {  	v14 =	vadd.f32 v39, v21  }
0x105: {  	v21 =	vunpack.i.l.bf16.f32 v25;
	v25 =	vadd.f32 v27, v35;
	v18 =	vadd.bf16 v18, v31  }
0x106: {  	v26 =	vadd.f32 v29, v26;
	v27 =	vadd.bf16 v36, v33  }
0x107: {  	v21 =	vadd.f32 v21, v40;
	v25 =	vadd.f32 v28, v25  }
0x108: {  	v1 =	vadd.bf16 v13, v1;
	v13 =	vadd.f32 v19, v14  }
0x109: {  	v2 =	vunpack.i.u.bf16.f32 v2;
	v15 =	vadd.f32 v15, v26;
	v0 =	vadd.bf16 v0, v37  }
0x10a: {  	v14 =	vadd.f32 v24, v21;
	v21 =	vunpack.i.l.bf16.f32 v1;
	v9 =	vadd.f32 v9, v13  }
0x10b: {  	v2 =	vadd.f32 v2, v15;
	v1 =	vunpack.i.u.bf16.f32 v1;
	v13 =	vadd.f32 v21, v25  }
0x10c: {  	v19 =	vadd.bf16 v38, v34;
	v1 =	vadd.f32 v1, v9  }
0x10d: {  	v9 =	vadd.f32 v32, v14;
	v14 =	vunpack.i.u.bf16.f32 v17;
	v3 =	vadd.f32 v3, v13  }
0x10e: {  	v13 =	vunpack.i.l.bf16.f32 v16;
	v2 =	vadd.f32 v14, v2;
	v1 =	vadd.f32 v4, v1  }
0x10f: {  	v4 =	vunpack.i.l.bf16.f32 v30;
	v5 =	vadd.f32 v5, v9;
	v3 =	vadd.f32 v8, v3  }
0x110: {  	v9 =	vunpack.i.u.bf16.f32 v30;
	v2 =	vadd.f32 v12, v2;
	v1 =	vadd.f32 v6, v1  }
0x111: {  	v8 =	vunpack.i.u.bf16.f32 v16;
	v5 =	vadd.f32 v7, v5;
	v3 =	vadd.f32 v23, v3  }
0x112: {  	v6 =	vunpack.i.l.bf16.f32 v27;
	v2 =	vadd.f32 v10, v2;
	v1 =	vadd.f32 v20, v1  }
0x113: {  	v7 =	vunpack.i.u.bf16.f32 v18;
	v5 =	vadd.f32 v22, v5;
	v3 =	vadd.f32 v4, v3  }
0x114: {  	v4 =	vunpack.i.l.bf16.f32 v18;
	v2 =	vadd.f32 v11, v2;
	v1 =	vadd.f32 v9, v1  }
0x115: {  	v9 =	vunpack.i.u.bf16.f32 v27;
	v5 =	vadd.f32 v13, v5;
	v3 =	vadd.f32 v6, v3  }
0x116: {  	v6 =	vunpack.i.l.bf16.f32 v19;
	v2 =	vadd.f32 v8, v2;
	v1 =	vadd.f32 v9, v1  }
0x117: {  	v8 =	vunpack.i.u.bf16.f32 v19;
	v4 =	vadd.f32 v4, v5;
	v3 =	vadd.f32 v6, v3  }
0x118: {  	v5 =	vunpack.i.l.bf16.f32 v0;
	v2 =	vadd.f32 v7, v2;
	v1 =	vadd.f32 v8, v1  }
0x119: {  	v0 =	vunpack.i.u.bf16.f32 v0;
	v4 =	vadd.f32 v5, v4;
	[tilespmem:s15+$0xC840] =	vst v3  }
0x11a: {  	v0 =	vadd.f32 v0, v2;
	[tilespmem:s15+$0xC850] =	vst v1  }
0x11b: {  	[tilespmem:s15+$0xC860] =	vst v4  }
0x11c: {  	s17 =	sadd.s32 @!p1 $0x3E8, s16;
	s18 =	simm.s32 @!p1 $0x70;
	s19 =	simm.s32 @!p1 $0x7D00;
	[tilespmem:s15+$0xC870] =	vst v0  }
0x11d: {  	[tilespmem:s19], [sflag:$0x2] =	stream.indirect.gather @!p1 [spmem:s1], $0x20, s17, s18, $0xb8;
	[tilespmem:$0x13620] =	vst v63  }
0x11e: {  	s17 =	sadd.s32 @!p1 $0x458, s16;
	s18 =	simm.s32 @!p1 $0x58;
	s19 =	simm.s32 @!p1 $0x8B00  }
0x11f: {  	[tilespmem:s19], [sflag:$0x6] =	stream.indirect.gather @!p1 [hbm4b:s4+s18], $0x20, s17, s18, $0xb8;
	[tilespmem:$0x13620] =	vst v63  }
0x120: {  	_ =	swait.ge [sflag:s31], $0xE00  }
0x121: {  	[sflag:s31] =	ssyncset.done $0x0  }
0x122: {  	[sflag:s31] =	ssyncadd.s32 $0xFFFFF200  }
0x123: {  	_ =	swait.ge [sflag:s0], $0xB00  }
0x124: {  	[sflag:s0] =	ssyncset.done $0x0  }
0x125: {  	s17 =	simm.s32 $0x0;
	[sflag:s0] =	ssyncadd.s32 $0xFFFFF500  }
0x126: {  	v11 =	vld [tilespmem:s17+$0x97D0]  }
0x127: {  	v13 =	vld [tilespmem:s17+$0x9780]  }
0x128: {  	v14 =	vld [tilespmem:s17+$0x97B0]  }
0x129: {  	v16 =	vld [tilespmem:s17+$0x9790]  }
0x12a: {  	v6 =	vld [tilespmem:s17+$0x9760]  }
0x12b: {  	v7 =	vld [tilespmem:s17+$0x9740]  }
0x12c: {  	v4 =	vld [tilespmem:s17+$0x9770]  }
0x12d: {  	v5 =	vld [tilespmem:s17+$0x9750]  }
0x12e: {  	v3 =	vld [tilespmem:s17+$0x9720]  }
0x12f: {  	v8 =	vld [tilespmem:s17+$0x9700]  }
0x130: {  	v2 =	vld [tilespmem:s17+$0x9730]  }
0x131: {  	v0 =	vld [tilespmem:s17+$0x9870]  }
0x132: {  	v9 =	vld [tilespmem:s17+$0x9710]  }
0x133: {  	v12 =	vld [tilespmem:s17+$0x96B0]  }
0x134: {  	v15 =	vld [tilespmem:s17+$0x9690]  }
0x135: {  	v17 =	vld [tilespmem:s17+$0x96A0]  }
0x136: {  	v18 =	vld [tilespmem:s17+$0x9680]  }
0x137: {  	v19 =	vld [tilespmem:s17+$0x9660]  }
0x138: {  	v20 =	vld [tilespmem:s17+$0x9670]  }
0x139: {  	v22 =	vld [tilespmem:s17+$0x9640]  }
0x13a: {  	v23 =	vld [tilespmem:s17+$0x9650]  }
0x13b: {  	v26 =	vld [tilespmem:s17+$0x9630]  }
0x13c: {  	v28 =	vld [tilespmem:s17+$0x9610]  }
0x13d: {  	v62 =	vld [tilespmem:s17+$0x97A0]  }
0x13e: {  	v10 =	vld [tilespmem:s17+$0x96D0];
	v30 =	vadd.bf16 v2, v9;
	v2 =	vadd.bf16 v12, v15  }
0x13f: {  	v60 =	vld [tilespmem:s17+$0x97C0];
	v8 =	vadd.bf16 v3, v8;
	v17 =	vadd.bf16 v17, v18  }
0x140: {  	v12 =	vld [tilespmem:s17+$0x9620];
	v19 =	vadd.bf16 v19, v22;
	v25 =	vadd.bf16 v20, v23  }
0x141: {  	v21 =	vimm.f32 $0.0e+00;
	v18 =	vld [tilespmem:s17+$0x9600];
	v22 =	vadd.bf16 v4, v5;
	v26 =	vadd.bf16 v26, v28  }
0x142: {  	v20 =	vld [tilespmem:s17+$0x96F0];
	v14 =	vadd.bf16 v14, v16;
	v13 =	vadd.bf16 v62, v13;
	v3 =	vunpack.i.l.bf16.f32 v8  }
0x143: {  	v23 =	vld [tilespmem:s17+$0x97F0];
	v9 =	vunpack.i.u.bf16.f32 v17;
	v5 =	vunpack.i.l.bf16.f32 v30;
	v27 =	vunpack.i.l.bf16.f32 v19  }
0x144: {  	v61 =	vld [tilespmem:s17+$0x97E0];
	v15 =	vunpack.i.u.bf16.f32 v25;
	v4 =	vunpack.i.u.bf16.f32 v8;
	v8 =	vadd.bf16 v6, v7  }
0x145: {  	v1 =	vld [tilespmem:s17+$0x96C0];
	v19 =	vunpack.i.u.bf16.f32 v19;
	v24 =	vunpack.i.l.bf16.f32 v2;
	v28 =	vunpack.i.l.bf16.f32 v17  }
0x146: {  	v31 =	vld [tilespmem:s17+$0x9810];
	v7 =	vunpack.i.l.bf16.f32 v22;
	v29 =	vunpack.i.u.bf16.f32 v26;
	v6 =	vunpack.i.u.bf16.f32 v8  }
0x147: {  	v33 =	vld [tilespmem:s17+$0x9800];
	v8 =	vunpack.i.l.bf16.f32 v8;
	v63 =	vadd.bf16 v12, v18;
	v17 =	vadd.bf16 v20, v10  }
0x148: {  	v36 =	vld [tilespmem:s17+$0x9820];
	v12 =	vunpack.i.u.bf16.f32 v30;
	v10 =	vunpack.i.u.bf16.f32 v22;
	v16 =	vadd.bf16 v23, v11  }
0x149: {  	v34 =	vld [tilespmem:s17+$0x9840];
	v11 =	vunpack.i.u.bf16.f32 v14;
	v22 =	vunpack.i.l.bf16.f32 v14;
	v30 =	vadd.bf16 v61, v60  }
0x14a: {  	v18 =	vld [tilespmem:s17+$0x9830];
	v23 =	vunpack.i.l.bf16.f32 v13;
	v20 =	vunpack.i.l.bf16.f32 v63;
	v39 =	vunpack.i.u.bf16.f32 v63  }
0x14b: {  	v37 =	vld [tilespmem:s17+$0x9850];
	v32 =	vunpack.i.l.bf16.f32 v17;
	v35 =	vadd.f32 v20, v21;
	v20 =	vunpack.i.l.bf16.f32 v26  }
0x14c: {  	s18 =	simm.s32 $0xA00;
	v38 =	vld [tilespmem:s17+$0x9860];
	v26 =	vimm.f32 $0.0e+00;
	v40 =	vadd.f32 v20, v21;
	v20 =	vunpack.i.u.bf16.f32 v13  }
.LBB2_8:
0x14d: {  	p2 =	sne.s32 s18, $0x5A00;
	v21 =	vadd.f32 v39, v21;
	v25 =	vunpack.i.l.bf16.f32 v25;
	v39 =	vld [tilespmem:s17+$0x96E0];
	s17 =	sshra.s32 s18, $0x2;
	s18 =	sadd.s32 $0xA00, s18;
	v41 =	vunpack.i.l.bf16.f32 v16  }
0x14e: {  	v27 =	vadd.f32 v27, v35;
	v35 =	vunpack.i.l.bf16.f32 v30;
	v13 =	vld [tilespmem:s17+$0x97D0];
	v33 =	vadd.bf16 v36, v33  }
0x14f: {  	v31 =	vadd.bf16 v18, v31;
	v25 =	vadd.f32 v25, v40;
	v36 =	vunpack.i.u.bf16.f32 v16;
	v14 =	vld [tilespmem:s17+$0x9780]  }
0x150: {  	v27 =	vadd.f32 v28, v27;
	v16 =	vld [tilespmem:s17+$0x97B0];
	v28 =	vunpack.i.l.bf16.f32 v33;
	v37 =	vadd.bf16 v0, v37  }
0x151: {  	v0 =	vadd.f32 v24, v25;
	v24 =	vunpack.i.u.bf16.f32 v31;
	v18 =	vld [tilespmem:s17+$0x9790];
	v25 =	vadd.bf16 v38, v34  }
0x152: {  	v26 =	vadd.f32 v29, v26;
	v29 =	vunpack.i.u.bf16.f32 v30;
	v34 =	vld [tilespmem:s17+$0x9760];
	v30 =	vunpack.i.u.bf16.f32 v37  }
0x153: {  	v31 =	vunpack.i.l.bf16.f32 v31;
	v1 =	vadd.bf16 v39, v1;
	v0 =	vadd.f32 v32, v0;
	v38 =	vld [tilespmem:s17+$0x9740]  }
0x154: {  	v19 =	vadd.f32 v19, v21;
	v15 =	vadd.f32 v15, v26;
	v21 =	vunpack.i.u.bf16.f32 v33;
	v32 =	vld [tilespmem:s17+$0x9770]  }
0x155: {  	v2 =	vunpack.i.u.bf16.f32 v2;
	v39 =	vunpack.i.l.bf16.f32 v25;
	v26 =	vunpack.i.l.bf16.f32 v1;
	v33 =	vld [tilespmem:s17+$0x9750]  }
0x156: {  	v9 =	vadd.f32 v9, v19;
	v0 =	vadd.f32 v5, v0;
	v5 =	vunpack.i.u.bf16.f32 v25;
	v40 =	vld [tilespmem:s17+$0x9720]  }
0x157: {  	v2 =	vadd.f32 v2, v15;
	v1 =	vunpack.i.u.bf16.f32 v1;
	v15 =	vadd.f32 v26, v27;
	v19 =	vld [tilespmem:s17+$0x9700]  }
0x158: {  	v1 =	vadd.f32 v1, v9;
	v9 =	vunpack.i.u.bf16.f32 v17;
	v7 =	vadd.f32 v7, v0;
	v25 =	vld [tilespmem:s17+$0x9730]  }
0x159: {  	v2 =	vadd.f32 v9, v2;
	v3 =	vadd.f32 v3, v15;
	v0 =	vld [tilespmem:s17+$0x9870]  }
0x15a: {  	v4 =	vadd.f32 v4, v1;
	v15 =	vunpack.i.l.bf16.f32 v37;
	v7 =	vadd.f32 v22, v7;
	v9 =	vld [tilespmem:s17+$0x9710]  }
0x15b: {  	v2 =	vadd.f32 v12, v2;
	v3 =	vadd.f32 v8, v3;
	v17 =	vld [tilespmem:s17+$0x96D0]  }
0x15c: {  	v4 =	vadd.f32 v6, v4;
	v6 =	vadd.f32 v41, v7;
	v1 =	vld [tilespmem:s17+$0x96C0]  }
0x15d: {  	v2 =	vadd.f32 v10, v2;
	v3 =	vadd.f32 v23, v3;
	v7 =	vld [tilespmem:s17+$0x96B0]  }
0x15e: {  	v4 =	vadd.f32 v20, v4;
	v6 =	vadd.f32 v31, v6;
	v8 =	vld [tilespmem:s17+$0x9690]  }
0x15f: {  	v2 =	vadd.f32 v11, v2;
	v3 =	vadd.f32 v35, v3;
	v10 =	vld [tilespmem:s17+$0x96A0]  }
0x160: {  	v4 =	vadd.f32 v29, v4;
	v20 =	vadd.f32 v15, v6;
	v11 =	vld [tilespmem:s17+$0x9680]  }
0x161: {  	v12 =	vadd.f32 v36, v2;
	v3 =	vadd.f32 v28, v3;
	v6 =	vld [tilespmem:s17+$0x9660]  }
0x162: {  	v22 =	vadd.bf16 v25, v9;
	v4 =	vadd.f32 v21, v4;
	v15 =	vld [tilespmem:s17+$0x9670]  }
0x163: {  	v9 =	vld [tilespmem:s17+$0x9650];
	v2 =	vadd.bf16 v7, v8;
	v7 =	vadd.f32 v24, v12  }
0x164: {  	v23 =	vadd.f32 v39, v3;
	v21 =	vadd.f32 v5, v4;
	v8 =	vld [tilespmem:s17+$0x9640]  }
0x165: {  	v12 =	vld [tilespmem:s17+$0x9630];
	v10 =	vadd.bf16 v10, v11;
	v26 =	vadd.f32 v30, v7  }
0x166: {  	v7 =	vld [tilespmem:s17+$0x9610]  }
0x167: {  	v4 =	vadd.bf16 v40, v19;
	v11 =	vld [tilespmem:s17+$0x9620]  }
0x168: {  	v29 =	vld [tilespmem:s17+$0x9600];
	v25 =	vadd.bf16 v15, v9  }
0x169: {  	v32 =	vadd.bf16 v32, v33;
	v3 =	vunpack.i.l.bf16.f32 v4;
	v6 =	vadd.bf16 v6, v8;
	v30 =	vld [tilespmem:s17+$0x96F0]  }
0x16a: {  	v5 =	vunpack.i.l.bf16.f32 v22;
	v9 =	vunpack.i.u.bf16.f32 v10;
	v36 =	vld [tilespmem:s17+$0x97F0]  }
0x16b: {  	v4 =	vunpack.i.u.bf16.f32 v4;
	v15 =	vunpack.i.u.bf16.f32 v25;
	v27 =	vunpack.i.l.bf16.f32 v6;
	v37 =	vld [tilespmem:s17+$0x97C0]  }
0x16c: {  	v24 =	vunpack.i.l.bf16.f32 v2;
	v8 =	vadd.bf16 v34, v38;
	v19 =	vunpack.i.u.bf16.f32 v6;
	v38 =	vld [tilespmem:s17+$0x97E0]  }
0x16d: {  	v28 =	vunpack.i.l.bf16.f32 v10;
	v34 =	vadd.bf16 v12, v7;
	v7 =	vunpack.i.l.bf16.f32 v32;
	v40 =	vld [tilespmem:s17+$0x97A0]  }
0x16e: {  	v6 =	vunpack.i.u.bf16.f32 v8;
	v8 =	vunpack.i.l.bf16.f32 v8;
	v11 =	vadd.bf16 v11, v29;
	v31 =	vld [tilespmem:s17+$0x9810]  }
0x16f: {  	v12 =	vunpack.i.u.bf16.f32 v22;
	v29 =	vunpack.i.u.bf16.f32 v34;
	v17 =	vadd.bf16 v30, v17;
	v33 =	vld [tilespmem:s17+$0x9800]  }
.Ltmp6:
0x170: {  	v10 =	vunpack.i.u.bf16.f32 v32;
	v30 =	vadd.bf16 v16, v18;
	v22 =	vunpack.i.l.bf16.f32 v11;
	v18 =	vld [tilespmem:s17+$0x9830];
	(pc) =	sbr.rel @p2 .LBB2_8-.Ltmp6, $4  }
0x171: {  	v39 =	vunpack.i.u.bf16.f32 v11;
	v16 =	vadd.bf16 v36, v13;
	v35 =	vadd.f32 v22, v23;
	v36 =	vld [tilespmem:s17+$0x9820]  }
0x172: {  	v13 =	vunpack.i.l.bf16.f32 v34;
	v11 =	vunpack.i.u.bf16.f32 v30;
	v14 =	vadd.bf16 v40, v14;
	v34 =	vld [tilespmem:s17+$0x9840]  }
0x173: {  	v32 =	vunpack.i.l.bf16.f32 v17;
	v22 =	vunpack.i.l.bf16.f32 v30;
	v30 =	vadd.bf16 v38, v37;
	v37 =	vld [tilespmem:s17+$0x9850]  }
0x174: {  	v40 =	vadd.f32 v13, v20;
	v20 =	vunpack.i.u.bf16.f32 v14;
	v23 =	vunpack.i.l.bf16.f32 v14;
	v38 =	vld [tilespmem:s17+$0x9860]  }
0x175: {  	v13 =	vld [tilespmem:s17+$0x96E0]  }
0x176: {  	v14 =	vadd.f32 v39, v21  }
0x177: {  	v21 =	vunpack.i.l.bf16.f32 v25;
	v25 =	vadd.f32 v27, v35;
	v18 =	vadd.bf16 v18, v31  }
0x178: {  	v26 =	vadd.f32 v29, v26;
	v27 =	vadd.bf16 v36, v33  }
0x179: {  	v21 =	vadd.f32 v21, v40;
	v25 =	vadd.f32 v28, v25  }
0x17a: {  	v1 =	vadd.bf16 v13, v1;
	v13 =	vadd.f32 v19, v14  }
0x17b: {  	v2 =	vunpack.i.u.bf16.f32 v2;
	v15 =	vadd.f32 v15, v26;
	v0 =	vadd.bf16 v0, v37  }
0x17c: {  	v14 =	vadd.f32 v24, v21;
	v21 =	vunpack.i.l.bf16.f32 v1;
	v9 =	vadd.f32 v9, v13  }
0x17d: {  	v2 =	vadd.f32 v2, v15;
	v1 =	vunpack.i.u.bf16.f32 v1;
	v13 =	vadd.f32 v21, v25  }
0x17e: {  	v19 =	vadd.bf16 v38, v34;
	v1 =	vadd.f32 v1, v9  }
0x17f: {  	v9 =	vadd.f32 v32, v14;
	v14 =	vunpack.i.u.bf16.f32 v17;
	v3 =	vadd.f32 v3, v13  }
0x180: {  	v13 =	vunpack.i.l.bf16.f32 v16;
	v2 =	vadd.f32 v14, v2;
	v1 =	vadd.f32 v4, v1  }
0x181: {  	v4 =	vunpack.i.l.bf16.f32 v30;
	v5 =	vadd.f32 v5, v9;
	v3 =	vadd.f32 v8, v3  }
0x182: {  	v9 =	vunpack.i.u.bf16.f32 v30;
	v2 =	vadd.f32 v12, v2;
	v1 =	vadd.f32 v6, v1  }
0x183: {  	v8 =	vunpack.i.u.bf16.f32 v16;
	v5 =	vadd.f32 v7, v5;
	v3 =	vadd.f32 v23, v3  }
0x184: {  	v6 =	vunpack.i.l.bf16.f32 v27;
	v2 =	vadd.f32 v10, v2;
	v1 =	vadd.f32 v20, v1  }
0x185: {  	v7 =	vunpack.i.u.bf16.f32 v18;
	v5 =	vadd.f32 v22, v5;
	v3 =	vadd.f32 v4, v3  }
0x186: {  	v4 =	vunpack.i.l.bf16.f32 v18;
	v2 =	vadd.f32 v11, v2;
	v1 =	vadd.f32 v9, v1  }
0x187: {  	v9 =	vunpack.i.u.bf16.f32 v27;
	v5 =	vadd.f32 v13, v5;
	v3 =	vadd.f32 v6, v3  }
0x188: {  	v6 =	vunpack.i.l.bf16.f32 v19;
	v2 =	vadd.f32 v8, v2;
	v1 =	vadd.f32 v9, v1  }
0x189: {  	v8 =	vunpack.i.u.bf16.f32 v19;
	v4 =	vadd.f32 v4, v5;
	v3 =	vadd.f32 v6, v3  }
0x18a: {  	v5 =	vunpack.i.l.bf16.f32 v0;
	v2 =	vadd.f32 v7, v2;
	v1 =	vadd.f32 v8, v1  }
0x18b: {  	v0 =	vunpack.i.u.bf16.f32 v0;
	v4 =	vadd.f32 v5, v4;
	[tilespmem:s15+$0xC880] =	vst v3  }
0x18c: {  	v0 =	vadd.f32 v0, v2;
	[tilespmem:s15+$0xC890] =	vst v1  }
0x18d: {  	[tilespmem:s15+$0xC8A0] =	vst v4  }
0x18e: {  	s17 =	sadd.s32 @!p1 $0x4B0, s16;
	s18 =	simm.s32 @!p1 $0x70;
	s19 =	simm.s32 @!p1 $0x9600;
	[tilespmem:s15+$0xC8B0] =	vst v0  }
0x18f: {  	[tilespmem:s19], [sflag:$0x3] =	stream.indirect.gather @!p1 [spmem:s1], $0x20, s17, s18, $0xb8;
	[tilespmem:$0x13620] =	vst v63  }
0x190: {  	s16 =	sadd.s32 @!p1 $0x520, s16;
	s17 =	simm.s32 @!p1 $0x58;
	s18 =	simm.s32 @!p1 $0xA400  }
0x191: {  	[tilespmem:s18], [sflag:$0x7] =	stream.indirect.gather @!p1 [hbm4b:s4+s17], $0x20, s16, s17, $0xb8;
	[tilespmem:$0x13620] =	vst v63  }
0x192: {  	_ =	swait.ge [sflag:s7], $0xE00  }
0x193: {  	[sflag:s7] =	ssyncset.done $0x0  }
0x194: {  	[sflag:s7] =	ssyncadd.s32 $0xFFFFF200  }
0x195: {  	_ =	swait.ge [sflag:s8], $0xB00  }
0x196: {  	[sflag:s8] =	ssyncset.done $0x0  }
0x197: {  	s16 =	simm.s32 $0x0;
	[sflag:s8] =	ssyncadd.s32 $0xFFFFF500  }
0x198: {  	v11 =	vld [tilespmem:s16+$0xB0D0]  }
0x199: {  	v13 =	vld [tilespmem:s16+$0xB080]  }
0x19a: {  	v14 =	vld [tilespmem:s16+$0xB0B0]  }
0x19b: {  	v16 =	vld [tilespmem:s16+$0xB090]  }
0x19c: {  	v6 =	vld [tilespmem:s16+$0xB060]  }
0x19d: {  	v7 =	vld [tilespmem:s16+$0xB040]  }
0x19e: {  	v4 =	vld [tilespmem:s16+$0xB070]  }
0x19f: {  	v5 =	vld [tilespmem:s16+$0xB050]  }
0x1a0: {  	v3 =	vld [tilespmem:s16+$0xB020]  }
0x1a1: {  	v8 =	vld [tilespmem:s16+$0xB000]  }
0x1a2: {  	v2 =	vld [tilespmem:s16+$0xB030]  }
0x1a3: {  	v0 =	vld [tilespmem:s16+$0xB170]  }
0x1a4: {  	v9 =	vld [tilespmem:s16+$0xB010]  }
0x1a5: {  	v12 =	vld [tilespmem:s16+$0xAFB0]  }
0x1a6: {  	v15 =	vld [tilespmem:s16+$0xAF90]  }
0x1a7: {  	v17 =	vld [tilespmem:s16+$0xAFA0]  }
0x1a8: {  	v18 =	vld [tilespmem:s16+$0xAF80]  }
0x1a9: {  	v19 =	vld [tilespmem:s16+$0xAF60]  }
0x1aa: {  	v20 =	vld [tilespmem:s16+$0xAF70]  }
0x1ab: {  	v22 =	vld [tilespmem:s16+$0xAF40]  }
0x1ac: {  	v23 =	vld [tilespmem:s16+$0xAF50]  }
0x1ad: {  	v26 =	vld [tilespmem:s16+$0xAF30]  }
0x1ae: {  	v28 =	vld [tilespmem:s16+$0xAF10]  }
0x1af: {  	v62 =	vld [tilespmem:s16+$0xB0A0]  }
0x1b0: {  	v10 =	vld [tilespmem:s16+$0xAFD0];
	v30 =	vadd.bf16 v2, v9;
	v2 =	vadd.bf16 v12, v15  }
0x1b1: {  	v60 =	vld [tilespmem:s16+$0xB0C0];
	v8 =	vadd.bf16 v3, v8;
	v17 =	vadd.bf16 v17, v18  }
0x1b2: {  	v12 =	vld [tilespmem:s16+$0xAF20];
	v19 =	vadd.bf16 v19, v22;
	v25 =	vadd.bf16 v20, v23  }
0x1b3: {  	v21 =	vimm.f32 $0.0e+00;
	v18 =	vld [tilespmem:s16+$0xAF00];
	v22 =	vadd.bf16 v4, v5;
	v26 =	vadd.bf16 v26, v28  }
0x1b4: {  	v20 =	vld [tilespmem:s16+$0xAFF0];
	v14 =	vadd.bf16 v14, v16;
	v13 =	vadd.bf16 v62, v13;
	v3 =	vunpack.i.l.bf16.f32 v8  }
0x1b5: {  	v23 =	vld [tilespmem:s16+$0xB0F0];
	v9 =	vunpack.i.u.bf16.f32 v17;
	v5 =	vunpack.i.l.bf16.f32 v30;
	v27 =	vunpack.i.l.bf16.f32 v19  }
0x1b6: {  	v61 =	vld [tilespmem:s16+$0xB0E0];
	v15 =	vunpack.i.u.bf16.f32 v25;
	v4 =	vunpack.i.u.bf16.f32 v8;
	v8 =	vadd.bf16 v6, v7  }
0x1b7: {  	v1 =	vld [tilespmem:s16+$0xAFC0];
	v19 =	vunpack.i.u.bf16.f32 v19;
	v24 =	vunpack.i.l.bf16.f32 v2;
	v28 =	vunpack.i.l.bf16.f32 v17  }
0x1b8: {  	v31 =	vld [tilespmem:s16+$0xB110];
	v7 =	vunpack.i.l.bf16.f32 v22;
	v29 =	vunpack.i.u.bf16.f32 v26;
	v6 =	vunpack.i.u.bf16.f32 v8  }
0x1b9: {  	v33 =	vld [tilespmem:s16+$0xB100];
	v8 =	vunpack.i.l.bf16.f32 v8;
	v63 =	vadd.bf16 v12, v18;
	v17 =	vadd.bf16 v20, v10  }
0x1ba: {  	v36 =	vld [tilespmem:s16+$0xB120];
	v12 =	vunpack.i.u.bf16.f32 v30;
	v10 =	vunpack.i.u.bf16.f32 v22;
	v16 =	vadd.bf16 v23, v11  }
0x1bb: {  	v34 =	vld [tilespmem:s16+$0xB140];
	v11 =	vunpack.i.u.bf16.f32 v14;
	v22 =	vunpack.i.l.bf16.f32 v14;
	v30 =	vadd.bf16 v61, v60  }
0x1bc: {  	v18 =	vld [tilespmem:s16+$0xB130];
	v23 =	vunpack.i.l.bf16.f32 v13;
	v20 =	vunpack.i.l.bf16.f32 v63;
	v39 =	vunpack.i.u.bf16.f32 v63  }
0x1bd: {  	v37 =	vld [tilespmem:s16+$0xB150];
	v32 =	vunpack.i.l.bf16.f32 v17;
	v35 =	vadd.f32 v20, v21;
	v20 =	vunpack.i.l.bf16.f32 v26  }
0x1be: {  	s17 =	simm.s32 $0xA00;
	v38 =	vld [tilespmem:s16+$0xB160];
	v26 =	vimm.f32 $0.0e+00;
	v40 =	vadd.f32 v20, v21;
	v20 =	vunpack.i.u.bf16.f32 v13  }
.LBB2_10:
0x1bf: {  	p2 =	sne.s32 s17, $0x5A00;
	v21 =	vadd.f32 v39, v21;
	v25 =	vunpack.i.l.bf16.f32 v25;
	v39 =	vld [tilespmem:s16+$0xAFE0];
	s16 =	sshra.s32 s17, $0x2;
	s17 =	sadd.s32 $0xA00, s17;
	v41 =	vunpack.i.l.bf16.f32 v16  }
0x1c0: {  	v27 =	vadd.f32 v27, v35;
	v35 =	vunpack.i.l.bf16.f32 v30;
	v13 =	vld [tilespmem:s16+$0xB0D0];
	v33 =	vadd.bf16 v36, v33  }
0x1c1: {  	v31 =	vadd.bf16 v18, v31;
	v25 =	vadd.f32 v25, v40;
	v36 =	vunpack.i.u.bf16.f32 v16;
	v14 =	vld [tilespmem:s16+$0xB080]  }
0x1c2: {  	v27 =	vadd.f32 v28, v27;
	v16 =	vld [tilespmem:s16+$0xB0B0];
	v28 =	vunpack.i.l.bf16.f32 v33;
	v37 =	vadd.bf16 v0, v37  }
0x1c3: {  	v0 =	vadd.f32 v24, v25;
	v24 =	vunpack.i.u.bf16.f32 v31;
	v18 =	vld [tilespmem:s16+$0xB090];
	v25 =	vadd.bf16 v38, v34  }
0x1c4: {  	v26 =	vadd.f32 v29, v26;
	v29 =	vunpack.i.u.bf16.f32 v30;
	v34 =	vld [tilespmem:s16+$0xB060];
	v30 =	vunpack.i.u.bf16.f32 v37  }
0x1c5: {  	v31 =	vunpack.i.l.bf16.f32 v31;
	v1 =	vadd.bf16 v39, v1;
	v0 =	vadd.f32 v32, v0;
	v38 =	vld [tilespmem:s16+$0xB040]  }
0x1c6: {  	v19 =	vadd.f32 v19, v21;
	v15 =	vadd.f32 v15, v26;
	v21 =	vunpack.i.u.bf16.f32 v33;
	v32 =	vld [tilespmem:s16+$0xB070]  }
0x1c7: {  	v2 =	vunpack.i.u.bf16.f32 v2;
	v39 =	vunpack.i.l.bf16.f32 v25;
	v26 =	vunpack.i.l.bf16.f32 v1;
	v33 =	vld [tilespmem:s16+$0xB050]  }
0x1c8: {  	v9 =	vadd.f32 v9, v19;
	v0 =	vadd.f32 v5, v0;
	v5 =	vunpack.i.u.bf16.f32 v25;
	v40 =	vld [tilespmem:s16+$0xB020]  }
0x1c9: {  	v2 =	vadd.f32 v2, v15;
	v1 =	vunpack.i.u.bf16.f32 v1;
	v15 =	vadd.f32 v26, v27;
	v19 =	vld [tilespmem:s16+$0xB000]  }
0x1ca: {  	v1 =	vadd.f32 v1, v9;
	v9 =	vunpack.i.u.bf16.f32 v17;
	v7 =	vadd.f32 v7, v0;
	v25 =	vld [tilespmem:s16+$0xB030]  }
0x1cb: {  	v2 =	vadd.f32 v9, v2;
	v3 =	vadd.f32 v3, v15;
	v0 =	vld [tilespmem:s16+$0xB170]  }
0x1cc: {  	v4 =	vadd.f32 v4, v1;
	v15 =	vunpack.i.l.bf16.f32 v37;
	v7 =	vadd.f32 v22, v7;
	v9 =	vld [tilespmem:s16+$0xB010]  }
0x1cd: {  	v2 =	vadd.f32 v12, v2;
	v3 =	vadd.f32 v8, v3;
	v17 =	vld [tilespmem:s16+$0xAFD0]  }
0x1ce: {  	v4 =	vadd.f32 v6, v4;
	v6 =	vadd.f32 v41, v7;
	v1 =	vld [tilespmem:s16+$0xAFC0]  }
0x1cf: {  	v2 =	vadd.f32 v10, v2;
	v3 =	vadd.f32 v23, v3;
	v7 =	vld [tilespmem:s16+$0xAFB0]  }
0x1d0: {  	v4 =	vadd.f32 v20, v4;
	v6 =	vadd.f32 v31, v6;
	v8 =	vld [tilespmem:s16+$0xAF90]  }
0x1d1: {  	v2 =	vadd.f32 v11, v2;
	v3 =	vadd.f32 v35, v3;
	v10 =	vld [tilespmem:s16+$0xAFA0]  }
0x1d2: {  	v4 =	vadd.f32 v29, v4;
	v20 =	vadd.f32 v15, v6;
	v11 =	vld [tilespmem:s16+$0xAF80]  }
0x1d3: {  	v12 =	vadd.f32 v36, v2;
	v3 =	vadd.f32 v28, v3;
	v6 =	vld [tilespmem:s16+$0xAF60]  }
0x1d4: {  	v22 =	vadd.bf16 v25, v9;
	v4 =	vadd.f32 v21, v4;
	v15 =	vld [tilespmem:s16+$0xAF70]  }
0x1d5: {  	v9 =	vld [tilespmem:s16+$0xAF50];
	v2 =	vadd.bf16 v7, v8;
	v7 =	vadd.f32 v24, v12  }
0x1d6: {  	v23 =	vadd.f32 v39, v3;
	v21 =	vadd.f32 v5, v4;
	v8 =	vld [tilespmem:s16+$0xAF40]  }
0x1d7: {  	v12 =	vld [tilespmem:s16+$0xAF30];
	v10 =	vadd.bf16 v10, v11;
	v26 =	vadd.f32 v30, v7  }
0x1d8: {  	v7 =	vld [tilespmem:s16+$0xAF10]  }
0x1d9: {  	v4 =	vadd.bf16 v40, v19;
	v11 =	vld [tilespmem:s16+$0xAF20]  }
0x1da: {  	v29 =	vld [tilespmem:s16+$0xAF00];
	v25 =	vadd.bf16 v15, v9  }
0x1db: {  	v32 =	vadd.bf16 v32, v33;
	v3 =	vunpack.i.l.bf16.f32 v4;
	v6 =	vadd.bf16 v6, v8;
	v30 =	vld [tilespmem:s16+$0xAFF0]  }
0x1dc: {  	v5 =	vunpack.i.l.bf16.f32 v22;
	v9 =	vunpack.i.u.bf16.f32 v10;
	v36 =	vld [tilespmem:s16+$0xB0F0]  }
0x1dd: {  	v4 =	vunpack.i.u.bf16.f32 v4;
	v15 =	vunpack.i.u.bf16.f32 v25;
	v27 =	vunpack.i.l.bf16.f32 v6;
	v37 =	vld [tilespmem:s16+$0xB0C0]  }
0x1de: {  	v24 =	vunpack.i.l.bf16.f32 v2;
	v8 =	vadd.bf16 v34, v38;
	v19 =	vunpack.i.u.bf16.f32 v6;
	v38 =	vld [tilespmem:s16+$0xB0E0]  }
0x1df: {  	v28 =	vunpack.i.l.bf16.f32 v10;
	v34 =	vadd.bf16 v12, v7;
	v7 =	vunpack.i.l.bf16.f32 v32;
	v40 =	vld [tilespmem:s16+$0xB0A0]  }
0x1e0: {  	v6 =	vunpack.i.u.bf16.f32 v8;
	v8 =	vunpack.i.l.bf16.f32 v8;
	v11 =	vadd.bf16 v11, v29;
	v31 =	vld [tilespmem:s16+$0xB110]  }
0x1e1: {  	v12 =	vunpack.i.u.bf16.f32 v22;
	v29 =	vunpack.i.u.bf16.f32 v34;
	v17 =	vadd.bf16 v30, v17;
	v33 =	vld [tilespmem:s16+$0xB100]  }
.Ltmp7:
0x1e2: {  	v10 =	vunpack.i.u.bf16.f32 v32;
	v30 =	vadd.bf16 v16, v18;
	v22 =	vunpack.i.l.bf16.f32 v11;
	v18 =	vld [tilespmem:s16+$0xB130];
	(pc) =	sbr.rel @p2 .LBB2_10-.Ltmp7, $4  }
0x1e3: {  	v39 =	vunpack.i.u.bf16.f32 v11;
	v16 =	vadd.bf16 v36, v13;
	v35 =	vadd.f32 v22, v23;
	v36 =	vld [tilespmem:s16+$0xB120]  }
0x1e4: {  	v13 =	vunpack.i.l.bf16.f32 v34;
	v11 =	vunpack.i.u.bf16.f32 v30;
	v14 =	vadd.bf16 v40, v14;
	v34 =	vld [tilespmem:s16+$0xB140]  }
0x1e5: {  	v32 =	vunpack.i.l.bf16.f32 v17;
	v22 =	vunpack.i.l.bf16.f32 v30;
	v30 =	vadd.bf16 v38, v37;
	v37 =	vld [tilespmem:s16+$0xB150]  }
0x1e6: {  	v40 =	vadd.f32 v13, v20;
	v20 =	vunpack.i.u.bf16.f32 v14;
	v23 =	vunpack.i.l.bf16.f32 v14;
	v38 =	vld [tilespmem:s16+$0xB160]  }
0x1e7: {  	v14 =	vadd.f32 v39, v21  }
0x1e8: {  	v13 =	vld [tilespmem:s16+$0xAFE0];
	v44 =	vadd.f32 v27, v35;
	v18 =	vadd.bf16 v18, v31  }
0x1e9: {  	v43 =	vunpack.i.l.bf16.f32 v25;
	v26 =	vadd.f32 v29, v26;
	v45 =	vadd.bf16 v36, v33  }
0x1ea: {  	v21 =	vadd.f32 v43, v40;
	v25 =	vadd.f32 v28, v44  }
0x1eb: {  	v46 =	vadd.f32 v19, v14;
	v15 =	vadd.f32 v15, v26  }
0x1ec: {  	v2 =	vunpack.i.u.bf16.f32 v2;
	v0 =	vadd.bf16 v0, v37;
	v47 =	vadd.f32 v24, v21  }
0x1ed: {  	v2 =	vadd.f32 v2, v15;
	v1 =	vadd.bf16 v13, v1  }
0x1ee: {  	v52 =	vunpack.i.u.bf16.f32 v17;
	v48 =	vadd.bf16 v38, v34;
	v51 =	vadd.f32 v32, v47  }
0x1ef: {  	v9 =	vadd.f32 v9, v46;
	v2 =	vadd.f32 v52, v2;
	v49 =	vunpack.i.l.bf16.f32 v1  }
0x1f0: {  	v1 =	vunpack.i.u.bf16.f32 v1;
	v5 =	vadd.f32 v5, v51;
	v50 =	vadd.f32 v49, v25  }
0x1f1: {  	v53 =	vunpack.i.l.bf16.f32 v16;
	v1 =	vadd.f32 v1, v9;
	v2 =	vadd.f32 v12, v2  }
0x1f2: {  	v54 =	vunpack.i.l.bf16.f32 v30;
	v5 =	vadd.f32 v7, v5;
	v3 =	vadd.f32 v3, v50  }
0x1f3: {  	v55 =	vunpack.i.u.bf16.f32 v16;
	v1 =	vadd.f32 v4, v1;
	v2 =	vadd.f32 v10, v2  }
0x1f4: {  	v58 =	vunpack.i.u.bf16.f32 v30;
	v5 =	vadd.f32 v22, v5;
	v3 =	vadd.f32 v8, v3  }
0x1f5: {  	v57 =	vunpack.i.u.bf16.f32 v18;
	v1 =	vadd.f32 v6, v1;
	v2 =	vadd.f32 v11, v2  }
0x1f6: {  	v59 =	vunpack.i.l.bf16.f32 v18;
	v5 =	vadd.f32 v53, v5;
	v3 =	vadd.f32 v23, v3  }
0x1f7: {  	v56 =	vunpack.i.l.bf16.f32 v45;
	v1 =	vadd.f32 v20, v1;
	v2 =	vadd.f32 v55, v2  }
0x1f8: {  	v60 =	vunpack.i.u.bf16.f32 v45;
	v4 =	vadd.f32 v59, v5;
	v3 =	vadd.f32 v54, v3  }
0x1f9: {  	v63 =	vunpack.i.l.bf16.f32 v0;
	v1 =	vadd.f32 v58, v1;
	v2 =	vadd.f32 v57, v2  }
0x1fa: {  	v0 =	vunpack.i.u.bf16.f32 v0;
	v4 =	vadd.f32 v63, v4;
	v3 =	vadd.f32 v56, v3  }
.Ltmp8:
0x1fb: {  	v61 =	vunpack.i.l.bf16.f32 v48;
	v1 =	vadd.f32 v60, v1;
	v0 =	vadd.f32 v0, v2;
	(pc) =	sbr.rel @p1 .LBB2_13-.Ltmp8, $4  }
0x1fc: {  	v62 =	vunpack.i.u.bf16.f32 v48;
	[tilespmem:s15+$0xC8E0] =	vst v4;
	v3 =	vadd.f32 v61, v3  }
0x1fd: {  	v1 =	vadd.f32 v62, v1;
	[tilespmem:s15+$0xC8F0] =	vst v0  }
0x1fe: {  	[tilespmem:s15+$0xC8C0] =	vst v3  }
0x1ff: {  	[tilespmem:s15+$0xC8D0] =	vst v1  }
0x200: {  	s15 =	smul.u32 $0xC80, s14;
	_ =	sdelay $0x1  }
.Ltmp9:
0x201: {  	s15 =	sshra.s32 s15, $0x2;
	(pc) =	sbr.rel .LBB2_3-.Ltmp9, $4  }
0x202: {  	s16 =	sadd.s32 $0x578, s15  }
0x203: {  	[tilespmem:s23], [sflag:$0x4] =	stream.indirect.gather [spmem:s1], $0x20, s16, s10, $0xb8;
	[tilespmem:$0x13620] =	vst v63  }
0x204: {  	s14 =	sadd.s32 $0x1, s14;
	s15 =	sadd.s32 $0x5E8, s15  }
0x205: {  	[tilespmem:s25], [sflag:$0x8] =	stream.indirect.gather [hbm4b:s4+s12], $0x20, s15, s12, $0xb8;
	[tilespmem:$0x13620] =	vst v63  }
.LBB2_15:
0x206: {  	_ =	sfence.sel $0x180000  }
0x207: {  	[bflag:$0x0] =	sbarrier.arrive $0xFFFF  }
0x208: {  	_ =	strace $0x90000047  }
0x209: {  	[bflag:$0x2] =	sbarrier.arrive $0xFFFF  }
0x20a: {  	s0 =	rddreg [dreg:$0x2]  }
0x20b: {  	s0 =	sadd.s32 @!p0 $0x100000, s0  }
0x20c: {  	[sflag:s0] =	ssyncadd.tile.s32 @!p0 $0x1;
	_ =	shalt  }
.Lfunc_end2:
_tile_overlayer_lowered:
.L_overlay_start_2:
0x20d: {  	(tag) =	ssettag $0x2  }
0x20e: {  	s0 =	rddreg [dreg:$0x0];
	s2 =	stileid.u32  }
0x20f: {  	s1 =	rddreg [dreg:$0x1];
	p0 =	sne.s32 s2, $0x0  }
0x210: {  	s3 =	rddreg [dreg:$0x2];
	[bflag:$0x3] =	sbarrier.arrive $0xFFFF;
	s2 =	simm.s32 @!p0 $0x1C09  }
0x211: {  	[timem:s3], [sflag:s2] =	dma.local @!p0 [hbm:s0], s1  }
0x212: {  	s0 =	simm.s32 @!p0 $0x9  }
0x213: {  	_ =	swait.ge @!p0 [sflag:s0], s1  }
0x214: {  	s1 =	ssub.s32 @!p0 $0x0, s1;
	[sflag:s0] =	ssyncset.done @!p0 $0x0  }
0x215: {  	[sflag:s0] =	ssyncadd.s32 @!p0 s1  }
0x216: {  	[bflag:$0x3] =	sbarrier.arrive $0xFFFF  }
0x217: {  	_ =	shalt  }

</sc_bundles>
